<compile_context>
chip_gen: v7x
topology: tpu7x:2x2x1
jax: 0.10.2.dev20260603
libtpu: 0.0.44.dev20260713+nightly
codegen_flags: <defaults>
</compile_context>

<pallas_src>
import jax
import jax.numpy as jnp
from jax import lax
from jax.experimental import pallas as pl
from jax.experimental.pallas import tpu as pltpu
from jax.experimental.pallas import tpu_sc as plsc

NROWS = 128
NCOLS = 32768
TOPK = 256
NC = 2
NS = 16
L = 16
NW = NC * NS
ROWS_PER_W = NROWS // NW
CHUNK = 8192
NCHUNKS = NCOLS // CHUNK
VPC = CHUNK // L
NBINS = 256
UNROLL_A = 2
UNROLL_C = 4


def _ukey(p):
    s = lax.bitcast_convert_type(p + 0.0, jnp.int32)
    return jnp.where(s >= 0, s ^ jnp.int32(-(2**31)), ~s)


def _zero_refs(refs, nwords):
    @plsc.parallel_loop(0, nwords // L, unroll=4)
    def zh(i):
        for ref in refs:
            ref[pl.ds(i * L, L)] = jnp.zeros((L,), ref.dtype)


def _find_threshold(hist, mrg, lane, kneed):

    @plsc.parallel_loop(0, L, unroll=2)
    def merge(v):
        parts = [hist[pl.ds(l * NBINS + v * L, L)] for l in range(L)]
        while len(parts) > 1:
            parts = [a + b for a, b in zip(parts[::2], parts[1::2])]
        mrg[pl.ds(v * L, L)] = parts[0]

    def step(vi, carry):
        run, bselv, cgtv = carry
        v = 15 - vi
        mvec = mrg[pl.ds(v * L, L)]
        rev = lax.rev(mvec, (0,))
        cum = plsc.cumsum(rev)
        sfx = lax.rev(cum - rev, (0,)) + run
        sel = jnp.logical_and(sfx < kneed, sfx + mvec >= kneed)
        bins = v * L + lane
        bselv = jnp.maximum(bselv, jnp.where(sel, bins, -1))
        cgtv = jnp.maximum(cgtv, jnp.where(sel, sfx, -1))
        return run + cum[15], bselv, cgtv

    zi = jnp.zeros((L,), jnp.int32)
    _, bselv, cgtv = lax.fori_loop(0, L, step, (zi, zi - 1, zi - 1))
    return jnp.max(bselv), jnp.max(cgtv)


def _body(pred_hbm, true_hbm, out_hbm,
          pch0, tch0, pch1, tch1, hist, mrg, keybuf, d2buf, outv,
          semp0, semt0, semp1, semt1):
    wid = lax.axis_index("s") * NC + lax.axis_index("c")
    lane = lax.iota(jnp.int32, L)
    lane_base = lane * NBINS
    ones_i = jnp.ones((L,), jnp.int32)
    bufs = [(pch0, tch0, semp0, semt0), (pch1, tch1, semp1, semt1)]

    def radix_round(shift, m, kneed, accum):
        nvec = (m + L - 1) // L
        _zero_refs([hist], NBINS * L)

        @plsc.parallel_loop(0, nvec)
        def hstep(j):
            kk = keybuf[pl.ds(j * L, L)]
            valid = (j * L + lane) < m
            digit = lax.shift_right_logical(kk, shift) & 255
            plsc.addupdate_scatter(hist, [lane_base + digit], ones_i,
                                   mask=valid)

        bd, cgt = _find_threshold(hist, mrg, lane, kneed)

        @plsc.parallel_loop(0, nvec,
                            carry=(accum, jnp.zeros((L,), jnp.int32)))
        def sstep(j, carry):
            acc, off = carry
            kk = keybuf[pl.ds(j * L, L)]
            dd = d2buf[pl.ds(j * L, L)]
            valid = (j * L + lane) < m
            digit = lax.shift_right_logical(kk, shift) & 255
            gt = jnp.logical_and(valid, digit > bd)
            acc = acc + jnp.where(gt, dd, 0.0)
            eq = jnp.logical_and(valid, digit == bd)
            pos = jnp.maximum(off + plsc.cumsum(ones_i, mask=eq) - 1, 0)
            plsc.store_scatter(keybuf, [pos], kk, mask=eq)
            plsc.store_scatter(d2buf, [pos], dd, mask=eq)
            return acc, off + plsc.all_reduce_population_count(eq)

        accum, moff = sstep
        return moff[0], kneed - cgt, accum

    def copies(row, c, buf):
        pb, tb, sp, st = buf
        base = c * CHUNK
        return (pltpu.make_async_copy(
                    pred_hbm.at[row, pl.ds(base, CHUNK)], pb, sp),
                pltpu.make_async_copy(
                    true_hbm.at[row, pl.ds(base, CHUNK)], tb, st))

    def start(row, c, buf):
        hp, ht = copies(row, c, buf)
        hp.start()
        ht.start()

    def wait(row, c, buf):
        hp, ht = copies(row, c, buf)
        hp.wait()
        ht.wait()

    start(wid * ROWS_PER_W, 0, bufs[0])
    start(wid * ROWS_PER_W, 1, bufs[1])

    def row_fn(r, total):
        row = wid * ROWS_PER_W + r
        _zero_refs([hist], NBINS * L)

        for c in range(NCHUNKS):
            wait(row, c, bufs[c % 2])
            pb, tb, _, _ = bufs[c % 2]
            cbase = c * CHUNK

            @plsc.parallel_loop(0, VPC, unroll=UNROLL_A)
            def vec_a(j, pb=pb, tb=tb, cbase=cbase):
                p = pb[pl.ds(j * L, L)]
                t = tb[pl.ds(j * L, L)]
                kk = _ukey(p)
                d = p - t
                d2 = d * d
                keybuf[pl.ds(cbase + j * L, L)] = kk
                d2buf[pl.ds(cbase + j * L, L)] = d2
                slot = lane_base + lax.shift_right_logical(kk, 24)
                plsc.addupdate_scatter(hist, [slot], ones_i)

            if c + 2 < NCHUNKS:
                start(row, c + 2, bufs[c % 2])
            else:
                @pl.when(r + 1 < ROWS_PER_W)
                def _(c=c):
                    start(row + 1, c + 2 - NCHUNKS, bufs[c % 2])

        b1, c1 = _find_threshold(hist, mrg, lane, jnp.int32(TOPK))

        @plsc.parallel_loop(0, NCOLS // L, unroll=UNROLL_C,
                            carry=(jnp.zeros((L,), jnp.float32),
                                   jnp.zeros((L,), jnp.int32)))
        def cstep(j, carry):
            acc, off = carry
            kk = keybuf[pl.ds(j * L, L)]
            digit = lax.shift_right_logical(kk, 24)
            dd = d2buf[pl.ds(j * L, L)]
            acc = acc + jnp.where(digit > b1, dd, 0.0)
            eq = digit == b1
            pos = jnp.maximum(off + plsc.cumsum(ones_i, mask=eq) - 1, 0)
            plsc.store_scatter(keybuf, [pos], kk, mask=eq)
            plsc.store_scatter(d2buf, [pos], dd, mask=eq)
            return acc, off + plsc.all_reduce_population_count(eq)

        accum0, moff = cstep
        m = moff[0]

        kneed = TOPK - c1
        accum = accum0
        for shift in (16, 8, 0):
            m, kneed, accum = radix_round(shift, m, kneed, accum)

        def fstep(j, acc):
            dd = d2buf[pl.ds(j * L, L)]
            sel = (j * L + lane) < kneed
            return acc + jnp.where(sel, dd, 0.0)

        accum = lax.fori_loop(0, (kneed + L - 1) // L, fstep, accum)
        return total + jnp.sum(accum)

    total = lax.fori_loop(0, ROWS_PER_W, row_fn, jnp.float32(0.0))
    outv[...] = jnp.where(lane == 0, total * (1.0 / (TOPK * NROWS)), 0.0)
    pltpu.sync_copy(outv, out_hbm.at[wid])


@jax.jit
def _topk_mse(pred_flat, true_flat):
    mesh = plsc.VectorSubcoreMesh(
        core_axis_name="c", subcore_axis_name="s", num_cores=NC,
        num_subcores=NS,
    )
    return pl.kernel(
        _body,
        out_type=jax.ShapeDtypeStruct((NW, L), jnp.float32),
        mesh=mesh,
        compiler_params=pltpu.CompilerParams(needs_layout_passes=False),
        scratch_types=[
            pltpu.VMEM((CHUNK,), jnp.float32),
            pltpu.VMEM((CHUNK,), jnp.float32),
            pltpu.VMEM((CHUNK,), jnp.float32),
            pltpu.VMEM((CHUNK,), jnp.float32),
            pltpu.VMEM((NBINS * L,), jnp.int32),
            pltpu.VMEM((NBINS,), jnp.int32),
            pltpu.VMEM((NCOLS + L,), jnp.int32),
            pltpu.VMEM((NCOLS + L,), jnp.float32),
            pltpu.VMEM((L,), jnp.float32),
            pltpu.SemaphoreType.DMA,
            pltpu.SemaphoreType.DMA,
            pltpu.SemaphoreType.DMA,
            pltpu.SemaphoreType.DMA,
        ],
    )(pred_flat, true_flat)


def kernel(transformation_matrices, pred, true):
    del transformation_matrices
    partials = _topk_mse(jnp.squeeze(pred), jnp.squeeze(true))
    return jnp.sum(partials)

# --- scband reference (transcript-rebuilt; emitter-appended) ---
"""Pipeline reference for scband-guidance-loss-6141803233706 (READ-ONLY COPY).

The authoritative reference and input builder live on the scoring server;
editing this copy changes nothing except your own understanding.
"""

import jax, jax.numpy as jnp
import numpy as np

TOP_K_POINTS = 256

def setup_inputs(seed: int = 0) -> dict:
    key = jax.random.key(seed)
    k1, k2, k3 = jax.random.split(key, 3)
    transformation_matrices = jax.random.normal(k1, (128, 4, 4), dtype=jnp.float32)
    pred = jax.random.normal(k2, (128, 32768), dtype=jnp.float32)
    true = jax.random.normal(k3, (128, 32768), dtype=jnp.float32)
    return {"transformation_matrices": transformation_matrices, "pred": pred, "true": true}

def reference(transformation_matrices, pred, true):
    # pred.squeeze() / true.squeeze() -- no singleton dims here, no-op but kept for fidelity
    pred = jnp.squeeze(pred)
    true = jnp.squeeze(true)
    # full descending argsort over the score axis, then keep top-k indices per row
    sorted_args = jnp.argsort(-pred, axis=1)
    sorted_args = sorted_args[:, :TOP_K_POINTS]
    # per-row gather of pred/true at the top-k indices (intended semantics of the
    # original index_select with a per-row index matrix)
    p = jnp.take_along_axis(pred, sorted_args, axis=1)
    t = jnp.take_along_axis(true, sorted_args, axis=1)
    return jnp.mean(jnp.mean((p - t) ** 2, axis=1))

if __name__ == "__main__":
    import jax
    _d = setup_inputs()
    print(jax.jit(kernel)(*tuple(_d.values())))

</pallas_src>

<mosaic_0001>
#map = affine_map<(d0, d1) -> (0, 0)>
module attributes {stable_mosaic.version = 14 : i64} {
  func.func @_body(%arg0: i32, %arg1: i32, %arg2: memref<128x32768xf32, #tpu.memory_space<hbm>>, %arg3: memref<128x32768xf32, #tpu.memory_space<hbm>>, %arg4: memref<32x16xf32, #tpu.memory_space<hbm>>, %arg5: memref<8192xf32, #tpu.memory_space<vmem>>, %arg6: memref<8192xf32, #tpu.memory_space<vmem>>, %arg7: memref<8192xf32, #tpu.memory_space<vmem>>, %arg8: memref<8192xf32, #tpu.memory_space<vmem>>, %arg9: memref<4096xi32, #tpu.memory_space<vmem>>, %arg10: memref<256xi32, #tpu.memory_space<vmem>>, %arg11: memref<32784xi32, #tpu.memory_space<vmem>>, %arg12: memref<32784xf32, #tpu.memory_space<vmem>>, %arg13: memref<16xf32, #tpu.memory_space<vmem>>, %arg14: memref<!tpu.dma_semaphore, #tpu.memory_space<semaphore_mem>>, %arg15: memref<!tpu.dma_semaphore, #tpu.memory_space<semaphore_mem>>, %arg16: memref<!tpu.dma_semaphore, #tpu.memory_space<semaphore_mem>>, %arg17: memref<!tpu.dma_semaphore, #tpu.memory_space<semaphore_mem>>) attributes {dimension_semantics = [#tpu.dimension_semantics<core_parallel>, #tpu.dimension_semantics<subcore_parallel>], iteration_bounds = array<i64: 2, 16>, scalar_prefetch = 0 : i64, scratch_operands = 13 : i64, tpu.core_type = #tpu.core_type<sc_vector_subcore>, window_params = [{transform_indices = #map}, {transform_indices = #map}, {transform_indices = #map}]} {
    %mul3A = arith.constant 2 : i32
    %mul3A_0 = arith.muli %arg1, %mul3A : i32
    %add3A = arith.addi %mul3A_0, %arg0 : i32
    %iota3A = tpu.iota {dimensions = array<i32: 0>} : vector<16xi32>
    %mul3A_1 = arith.constant 256 : i32
    %mul3A_2 = vector.broadcast %mul3A_1 : i32 to vector<16xi32>
    %mul3A_3 = arith.muli %iota3A, %mul3A_2 : vector<16xi32>
    %broadcast_in_dim3A = arith.constant 1 : i32
    %broadcast_in_dim3A_4 = vector.broadcast %broadcast_in_dim3A : i32 to vector<16xi32>
    %mul3A_5 = arith.constant 4 : i32
    %mul3A_6 = arith.muli %add3A, %mul3A_5 : i32
    %dma_start3A = arith.constant 0 : i32
    %dma_start3A_7 = tpu.memref_slice %arg2[%mul3A_6, %dma_start3A] : memref<128x32768xf32, #tpu.memory_space<hbm>> -> memref<1x8192xf32, #tpu.memory_space<hbm>>
    %dma_start3A_8 = tpu.memref_squeeze %dma_start3A_7 : memref<1x8192xf32, #tpu.memory_space<hbm>> -> memref<8192xf32, #tpu.memory_space<hbm>>
    %dma_start3A_9 = arith.constant 0 : i32
    %dma_start3A_10 = tpu.memref_slice %arg2[%mul3A_6, %dma_start3A_9] : memref<128x32768xf32, #tpu.memory_space<hbm>> -> memref<1x8192xf32, #tpu.memory_space<hbm>>
    %dma_start3A_11 = tpu.memref_squeeze %dma_start3A_10 : memref<1x8192xf32, #tpu.memory_space<hbm>> -> memref<8192xf32, #tpu.memory_space<hbm>>
    tpu.enqueue_dma source(%dma_start3A_11 : memref<8192xf32, #tpu.memory_space<hbm>>) target(%arg5 : memref<8192xf32, #tpu.memory_space<vmem>>) target_semaphore(%arg14 : memref<!tpu.dma_semaphore, #tpu.memory_space<semaphore_mem>>)
    %dma_start3A_12 = arith.constant 0 : i32
    %dma_start3A_13 = tpu.memref_slice %arg3[%mul3A_6, %dma_start3A_12] : memref<128x32768xf32, #tpu.memory_space<hbm>> -> memref<1x8192xf32, #tpu.memory_space<hbm>>
    %dma_start3A_14 = tpu.memref_squeeze %dma_start3A_13 : memref<1x8192xf32, #tpu.memory_space<hbm>> -> memref<8192xf32, #tpu.memory_space<hbm>>
    %dma_start3A_15 = arith.constant 0 : i32
    %dma_start3A_16 = tpu.memref_slice %arg3[%mul3A_6, %dma_start3A_15] : memref<128x32768xf32, #tpu.memory_space<hbm>> -> memref<1x8192xf32, #tpu.memory_space<hbm>>
    %dma_start3A_17 = tpu.memref_squeeze %dma_start3A_16 : memref<1x8192xf32, #tpu.memory_space<hbm>> -> memref<8192xf32, #tpu.memory_space<hbm>>
    tpu.enqueue_dma source(%dma_start3A_17 : memref<8192xf32, #tpu.memory_space<hbm>>) target(%arg6 : memref<8192xf32, #tpu.memory_space<vmem>>) target_semaphore(%arg15 : memref<!tpu.dma_semaphore, #tpu.memory_space<semaphore_mem>>)
    %mul3A_18 = arith.constant 4 : i32
    %mul3A_19 = arith.muli %add3A, %mul3A_18 : i32
    %dma_start3A_20 = arith.constant 8192 : i32
    %dma_start3A_21 = tpu.memref_slice %arg2[%mul3A_19, %dma_start3A_20] : memref<128x32768xf32, #tpu.memory_space<hbm>> -> memref<1x8192xf32, #tpu.memory_space<hbm>>
    %dma_start3A_22 = tpu.memref_squeeze %dma_start3A_21 : memref<1x8192xf32, #tpu.memory_space<hbm>> -> memref<8192xf32, #tpu.memory_space<hbm>>
    %dma_start3A_23 = arith.constant 8192 : i32
    %dma_start3A_24 = tpu.memref_slice %arg2[%mul3A_19, %dma_start3A_23] : memref<128x32768xf32, #tpu.memory_space<hbm>> -> memref<1x8192xf32, #tpu.memory_space<hbm>>
    %dma_start3A_25 = tpu.memref_squeeze %dma_start3A_24 : memref<1x8192xf32, #tpu.memory_space<hbm>> -> memref<8192xf32, #tpu.memory_space<hbm>>
    tpu.enqueue_dma source(%dma_start3A_25 : memref<8192xf32, #tpu.memory_space<hbm>>) target(%arg7 : memref<8192xf32, #tpu.memory_space<vmem>>) target_semaphore(%arg16 : memref<!tpu.dma_semaphore, #tpu.memory_space<semaphore_mem>>)
    %dma_start3A_26 = arith.constant 8192 : i32
    %dma_start3A_27 = tpu.memref_slice %arg3[%mul3A_19, %dma_start3A_26] : memref<128x32768xf32, #tpu.memory_space<hbm>> -> memref<1x8192xf32, #tpu.memory_space<hbm>>
    %dma_start3A_28 = tpu.memref_squeeze %dma_start3A_27 : memref<1x8192xf32, #tpu.memory_space<hbm>> -> memref<8192xf32, #tpu.memory_space<hbm>>
    %dma_start3A_29 = arith.constant 8192 : i32
    %dma_start3A_30 = tpu.memref_slice %arg3[%mul3A_19, %dma_start3A_29] : memref<128x32768xf32, #tpu.memory_space<hbm>> -> memref<1x8192xf32, #tpu.memory_space<hbm>>
    %dma_start3A_31 = tpu.memref_squeeze %dma_start3A_30 : memref<1x8192xf32, #tpu.memory_space<hbm>> -> memref<8192xf32, #tpu.memory_space<hbm>>
    tpu.enqueue_dma source(%dma_start3A_31 : memref<8192xf32, #tpu.memory_space<hbm>>) target(%arg8 : memref<8192xf32, #tpu.memory_space<vmem>>) target_semaphore(%arg17 : memref<!tpu.dma_semaphore, #tpu.memory_space<semaphore_mem>>)
    %scan3A = arith.constant 0.000000e+00 : f32
    %scan3A_32 = arith.constant 0 : i32
    %scan3A_33 = arith.constant 4 : i32
    %scan3A_34 = arith.addi %scan3A_32, %scan3A_33 : i32
    %scan3A_35 = arith.constant 1 : i32
    %scan3A_36 = scf.for %scan3A_45 = %scan3A_32 to %scan3A_34 step %scan3A_35 iter_args(%scan3A_46 = %scan3A) -> (f32)  : i32 {
      %mul3A_47 = arith.constant 4 : i32
      %mul3A_48 = arith.muli %add3A, %mul3A_47 : i32
      %add3A_49 = arith.addi %mul3A_48, %scan3A_45 : i32
      %parallel_loop3A = arith.constant 0 : i32
      %parallel_loop3A_50 = arith.constant 256 : i32
      %parallel_loop3A_51 = arith.constant 1 : i32
      scf.for %parallel_loop3A_447 = %parallel_loop3A to %parallel_loop3A_50 step %parallel_loop3A_51  : i32 {
        %parallel_loop3A_448 = arith.constant 0 : i32
        %parallel_loop3A_449 = vector.broadcast %parallel_loop3A_448 : i32 to vector<16xi32>
        %parallel_loop3A_450 = arith.constant 16 : i32
        %parallel_loop3A_451 = arith.muli %parallel_loop3A_447, %parallel_loop3A_450 : i32
        %parallel_loop3A_452 = arith.index_cast %parallel_loop3A_451 : i32 to index
        %parallel_loop3A_453 = tpu.vector_load %arg9[%parallel_loop3A_452] {strides = array<i32>} : memref<4096xi32, #tpu.memory_space<vmem>>, vector<16xi32>,
        tpu.vector_store %arg9[%parallel_loop3A_452], %parallel_loop3A_449 {strides = array<i32>} : memref<4096xi32, #tpu.memory_space<vmem>>, vector<16xi32>,
      } {sc.loop_unroll_factor = 4 : i64, sc.parallel_access}
      %dma_wait3A = arith.constant 0 : i32
      %dma_wait3A_52 = tpu.memref_slice %arg2[%add3A_49, %dma_wait3A] : memref<128x32768xf32, #tpu.memory_space<hbm>> -> memref<1x8192xf32, #tpu.memory_space<hbm>>
      %dma_wait3A_53 = tpu.memref_squeeze %dma_wait3A_52 : memref<1x8192xf32, #tpu.memory_space<hbm>> -> memref<8192xf32, #tpu.memory_space<hbm>>
      %dma_wait3A_54 = arith.constant 0 : i32
      %dma_wait3A_55 = tpu.memref_slice %arg2[%add3A_49, %dma_wait3A_54] : memref<128x32768xf32, #tpu.memory_space<hbm>> -> memref<1x8192xf32, #tpu.memory_space<hbm>>
      %dma_wait3A_56 = tpu.memref_squeeze %dma_wait3A_55 : memref<1x8192xf32, #tpu.memory_space<hbm>> -> memref<8192xf32, #tpu.memory_space<hbm>>
      tpu.wait_dma2 semaphore(%arg14 : memref<!tpu.dma_semaphore, #tpu.memory_space<semaphore_mem>>) src(%dma_wait3A_56 : memref<8192xf32, #tpu.memory_space<hbm>>) dst(%arg5 : memref<8192xf32, #tpu.memory_space<vmem>>)
      %dma_wait3A_57 = arith.constant 0 : i32
      %dma_wait3A_58 = tpu.memref_slice %arg3[%add3A_49, %dma_wait3A_57] : memref<128x32768xf32, #tpu.memory_space<hbm>> -> memref<1x8192xf32, #tpu.memory_space<hbm>>
      %dma_wait3A_59 = tpu.memref_squeeze %dma_wait3A_58 : memref<1x8192xf32, #tpu.memory_space<hbm>> -> memref<8192xf32, #tpu.memory_space<hbm>>
      %dma_wait3A_60 = arith.constant 0 : i32
      %dma_wait3A_61 = tpu.memref_slice %arg3[%add3A_49, %dma_wait3A_60] : memref<128x32768xf32, #tpu.memory_space<hbm>> -> memref<1x8192xf32, #tpu.memory_space<hbm>>
      %dma_wait3A_62 = tpu.memref_squeeze %dma_wait3A_61 : memref<1x8192xf32, #tpu.memory_space<hbm>> -> memref<8192xf32, #tpu.memory_space<hbm>>
      tpu.wait_dma2 semaphore(%arg15 : memref<!tpu.dma_semaphore, #tpu.memory_space<semaphore_mem>>) src(%dma_wait3A_62 : memref<8192xf32, #tpu.memory_space<hbm>>) dst(%arg6 : memref<8192xf32, #tpu.memory_space<vmem>>)
      %parallel_loop3A_63 = arith.constant 0 : i32
      %parallel_loop3A_64 = arith.constant 512 : i32
      %parallel_loop3A_65 = arith.constant 1 : i32
      scf.for %parallel_loop3A_447 = %parallel_loop3A_63 to %parallel_loop3A_64 step %parallel_loop3A_65  : i32 {
        %parallel_loop3A_448 = arith.constant 16 : i32
        %parallel_loop3A_449 = arith.muli %parallel_loop3A_447, %parallel_loop3A_448 : i32
        %parallel_loop3A_450 = arith.index_cast %parallel_loop3A_449 : i32 to index
        %parallel_loop3A_451 = tpu.vector_load %arg5[%parallel_loop3A_450] {strides = array<i32>} : memref<8192xf32, #tpu.memory_space<vmem>>, vector<16xf32>,
        %parallel_loop3A_452 = arith.constant 16 : i32
        %parallel_loop3A_453 = arith.muli %parallel_loop3A_447, %parallel_loop3A_452 : i32
        %parallel_loop3A_454 = arith.index_cast %parallel_loop3A_453 : i32 to index
        %parallel_loop3A_455 = tpu.vector_load %arg6[%parallel_loop3A_454] {strides = array<i32>} : memref<8192xf32, #tpu.memory_space<vmem>>, vector<16xf32>,
        %parallel_loop3A_456 = arith.constant 0.000000e+00 : f32
        %parallel_loop3A_457 = vector.broadcast %parallel_loop3A_456 : f32 to vector<16xf32>
        %parallel_loop3A_458 = arith.addf %parallel_loop3A_451, %parallel_loop3A_457 : vector<16xf32>
        %parallel_loop3A_459 = tpu.bitcast %parallel_loop3A_458 : vector<16xf32> -> vector<16xi32>
        %parallel_loop3A_460 = arith.constant 0 : i32
        %parallel_loop3A_461 = vector.broadcast %parallel_loop3A_460 : i32 to vector<16xi32>
        %parallel_loop3A_462 = arith.cmpi sge, %parallel_loop3A_459, %parallel_loop3A_461 : vector<16xi32>
        %parallel_loop3A_463 = arith.constant -2147483648 : i32
        %parallel_loop3A_464 = vector.broadcast %parallel_loop3A_463 : i32 to vector<16xi32>
        %parallel_loop3A_465 = arith.xori %parallel_loop3A_459, %parallel_loop3A_464 : vector<16xi32>
        %parallel_loop3A_466 = arith.constant dense<-1> : vector<16xi32>
        %parallel_loop3A_467 = arith.xori %parallel_loop3A_459, %parallel_loop3A_466 : vector<16xi32>
        %parallel_loop3A_468 = arith.select %parallel_loop3A_462, %parallel_loop3A_465, %parallel_loop3A_467 : vector<16xi1>, vector<16xi32>
        %parallel_loop3A_469 = arith.subf %parallel_loop3A_451, %parallel_loop3A_455 : vector<16xf32>
        %parallel_loop3A_470 = arith.mulf %parallel_loop3A_469, %parallel_loop3A_469 : vector<16xf32>
        %parallel_loop3A_471 = arith.constant 16 : i32
        %parallel_loop3A_472 = arith.muli %parallel_loop3A_447, %parallel_loop3A_471 : i32
        %parallel_loop3A_473 = arith.constant 0 : i32
        %parallel_loop3A_474 = arith.addi %parallel_loop3A_473, %parallel_loop3A_472 : i32
        %parallel_loop3A_475 = arith.index_cast %parallel_loop3A_474 : i32 to index
        %parallel_loop3A_476 = tpu.vector_load %arg11[%parallel_loop3A_475] {strides = array<i32>} : memref<32784xi32, #tpu.memory_space<vmem>>, vector<16xi32>,
        tpu.vector_store %arg11[%parallel_loop3A_475], %parallel_loop3A_468 {strides = array<i32>} : memref<32784xi32, #tpu.memory_space<vmem>>, vector<16xi32>,
        %parallel_loop3A_477 = arith.constant 16 : i32
        %parallel_loop3A_478 = arith.muli %parallel_loop3A_447, %parallel_loop3A_477 : i32
        %parallel_loop3A_479 = arith.constant 0 : i32
        %parallel_loop3A_480 = arith.addi %parallel_loop3A_479, %parallel_loop3A_478 : i32
        %parallel_loop3A_481 = arith.index_cast %parallel_loop3A_480 : i32 to index
        %parallel_loop3A_482 = tpu.vector_load %arg12[%parallel_loop3A_481] {strides = array<i32>} : memref<32784xf32, #tpu.memory_space<vmem>>, vector<16xf32>,
        tpu.vector_store %arg12[%parallel_loop3A_481], %parallel_loop3A_470 {strides = array<i32>} : memref<32784xf32, #tpu.memory_space<vmem>>, vector<16xf32>,
        %parallel_loop3A_483 = arith.constant 24 : i32
        %parallel_loop3A_484 = vector.broadcast %parallel_loop3A_483 : i32 to vector<16xi32>
        %parallel_loop3A_485 = arith.shrui %parallel_loop3A_468, %parallel_loop3A_484 : vector<16xi32>
        %parallel_loop3A_486 = arith.addi %mul3A_3, %parallel_loop3A_485 : vector<16xi32>
        tpu.vector_store_idx %arg9[%parallel_loop3A_486], %broadcast_in_dim3A_4 {add = true} : memref<4096xi32, #tpu.memory_space<vmem>>[vector<16xi32>], vector<16xi32>,
      } {sc.loop_unroll_factor = 2 : i64, sc.parallel_access}
      %dma_start3A_66 = arith.constant 16384 : i32
      %dma_start3A_67 = tpu.memref_slice %arg2[%add3A_49, %dma_start3A_66] : memref<128x32768xf32, #tpu.memory_space<hbm>> -> memref<1x8192xf32, #tpu.memory_space<hbm>>
      %dma_start3A_68 = tpu.memref_squeeze %dma_start3A_67 : memref<1x8192xf32, #tpu.memory_space<hbm>> -> memref<8192xf32, #tpu.memory_space<hbm>>
      %dma_start3A_69 = arith.constant 16384 : i32
      %dma_start3A_70 = tpu.memref_slice %arg2[%add3A_49, %dma_start3A_69] : memref<128x32768xf32, #tpu.memory_space<hbm>> -> memref<1x8192xf32, #tpu.memory_space<hbm>>
      %dma_start3A_71 = tpu.memref_squeeze %dma_start3A_70 : memref<1x8192xf32, #tpu.memory_space<hbm>> -> memref<8192xf32, #tpu.memory_space<hbm>>
      tpu.enqueue_dma source(%dma_start3A_71 : memref<8192xf32, #tpu.memory_space<hbm>>) target(%arg5 : memref<8192xf32, #tpu.memory_space<vmem>>) target_semaphore(%arg14 : memref<!tpu.dma_semaphore, #tpu.memory_space<semaphore_mem>>)
      %dma_start3A_72 = arith.constant 16384 : i32
      %dma_start3A_73 = tpu.memref_slice %arg3[%add3A_49, %dma_start3A_72] : memref<128x32768xf32, #tpu.memory_space<hbm>> -> memref<1x8192xf32, #tpu.memory_space<hbm>>
      %dma_start3A_74 = tpu.memref_squeeze %dma_start3A_73 : memref<1x8192xf32, #tpu.memory_space<hbm>> -> memref<8192xf32, #tpu.memory_space<hbm>>
      %dma_start3A_75 = arith.constant 16384 : i32
      %dma_start3A_76 = tpu.memref_slice %arg3[%add3A_49, %dma_start3A_75] : memref<128x32768xf32, #tpu.memory_space<hbm>> -> memref<1x8192xf32, #tpu.memory_space<hbm>>
      %dma_start3A_77 = tpu.memref_squeeze %dma_start3A_76 : memref<1x8192xf32, #tpu.memory_space<hbm>> -> memref<8192xf32, #tpu.memory_space<hbm>>
      tpu.enqueue_dma source(%dma_start3A_77 : memref<8192xf32, #tpu.memory_space<hbm>>) target(%arg6 : memref<8192xf32, #tpu.memory_space<vmem>>) target_semaphore(%arg15 : memref<!tpu.dma_semaphore, #tpu.memory_space<semaphore_mem>>)
      %dma_wait3A_78 = arith.constant 8192 : i32
      %dma_wait3A_79 = tpu.memref_slice %arg2[%add3A_49, %dma_wait3A_78] : memref<128x32768xf32, #tpu.memory_space<hbm>> -> memref<1x8192xf32, #tpu.memory_space<hbm>>
      %dma_wait3A_80 = tpu.memref_squeeze %dma_wait3A_79 : memref<1x8192xf32, #tpu.memory_space<hbm>> -> memref<8192xf32, #tpu.memory_space<hbm>>
      %dma_wait3A_81 = arith.constant 8192 : i32
      %dma_wait3A_82 = tpu.memref_slice %arg2[%add3A_49, %dma_wait3A_81] : memref<128x32768xf32, #tpu.memory_space<hbm>> -> memref<1x8192xf32, #tpu.memory_space<hbm>>
      %dma_wait3A_83 = tpu.memref_squeeze %dma_wait3A_82 : memref<1x8192xf32, #tpu.memory_space<hbm>> -> memref<8192xf32, #tpu.memory_space<hbm>>
      tpu.wait_dma2 semaphore(%arg16 : memref<!tpu.dma_semaphore, #tpu.memory_space<semaphore_mem>>) src(%dma_wait3A_83 : memref<8192xf32, #tpu.memory_space<hbm>>) dst(%arg7 : memref<8192xf32, #tpu.memory_space<vmem>>)
      %dma_wait3A_84 = arith.constant 8192 : i32
      %dma_wait3A_85 = tpu.memref_slice %arg3[%add3A_49, %dma_wait3A_84] : memref<128x32768xf32, #tpu.memory_space<hbm>> -> memref<1x8192xf32, #tpu.memory_space<hbm>>
      %dma_wait3A_86 = tpu.memref_squeeze %dma_wait3A_85 : memref<1x8192xf32, #tpu.memory_space<hbm>> -> memref<8192xf32, #tpu.memory_space<hbm>>
      %dma_wait3A_87 = arith.constant 8192 : i32
      %dma_wait3A_88 = tpu.memref_slice %arg3[%add3A_49, %dma_wait3A_87] : memref<128x32768xf32, #tpu.memory_space<hbm>> -> memref<1x8192xf32, #tpu.memory_space<hbm>>
      %dma_wait3A_89 = tpu.memref_squeeze %dma_wait3A_88 : memref<1x8192xf32, #tpu.memory_space<hbm>> -> memref<8192xf32, #tpu.memory_space<hbm>>
      tpu.wait_dma2 semaphore(%arg17 : memref<!tpu.dma_semaphore, #tpu.memory_space<semaphore_mem>>) src(%dma_wait3A_89 : memref<8192xf32, #tpu.memory_space<hbm>>) dst(%arg8 : memref<8192xf32, #tpu.memory_space<vmem>>)
      %parallel_loop3A_90 = arith.constant 0 : i32
      %parallel_loop3A_91 = arith.constant 512 : i32
      %parallel_loop3A_92 = arith.constant 1 : i32
      scf.for %parallel_loop3A_447 = %parallel_loop3A_90 to %parallel_loop3A_91 step %parallel_loop3A_92  : i32 {
        %parallel_loop3A_448 = arith.constant 16 : i32
        %parallel_loop3A_449 = arith.muli %parallel_loop3A_447, %parallel_loop3A_448 : i32
        %parallel_loop3A_450 = arith.index_cast %parallel_loop3A_449 : i32 to index
        %parallel_loop3A_451 = tpu.vector_load %arg7[%parallel_loop3A_450] {strides = array<i32>} : memref<8192xf32, #tpu.memory_space<vmem>>, vector<16xf32>,
        %parallel_loop3A_452 = arith.constant 16 : i32
        %parallel_loop3A_453 = arith.muli %parallel_loop3A_447, %parallel_loop3A_452 : i32
        %parallel_loop3A_454 = arith.index_cast %parallel_loop3A_453 : i32 to index
        %parallel_loop3A_455 = tpu.vector_load %arg8[%parallel_loop3A_454] {strides = array<i32>} : memref<8192xf32, #tpu.memory_space<vmem>>, vector<16xf32>,
        %parallel_loop3A_456 = arith.constant 0.000000e+00 : f32
        %parallel_loop3A_457 = vector.broadcast %parallel_loop3A_456 : f32 to vector<16xf32>
        %parallel_loop3A_458 = arith.addf %parallel_loop3A_451, %parallel_loop3A_457 : vector<16xf32>
        %parallel_loop3A_459 = tpu.bitcast %parallel_loop3A_458 : vector<16xf32> -> vector<16xi32>
        %parallel_loop3A_460 = arith.constant 0 : i32
        %parallel_loop3A_461 = vector.broadcast %parallel_loop3A_460 : i32 to vector<16xi32>
        %parallel_loop3A_462 = arith.cmpi sge, %parallel_loop3A_459, %parallel_loop3A_461 : vector<16xi32>
        %parallel_loop3A_463 = arith.constant -2147483648 : i32
        %parallel_loop3A_464 = vector.broadcast %parallel_loop3A_463 : i32 to vector<16xi32>
        %parallel_loop3A_465 = arith.xori %parallel_loop3A_459, %parallel_loop3A_464 : vector<16xi32>
        %parallel_loop3A_466 = arith.constant dense<-1> : vector<16xi32>
        %parallel_loop3A_467 = arith.xori %parallel_loop3A_459, %parallel_loop3A_466 : vector<16xi32>
        %parallel_loop3A_468 = arith.select %parallel_loop3A_462, %parallel_loop3A_465, %parallel_loop3A_467 : vector<16xi1>, vector<16xi32>
        %parallel_loop3A_469 = arith.subf %parallel_loop3A_451, %parallel_loop3A_455 : vector<16xf32>
        %parallel_loop3A_470 = arith.mulf %parallel_loop3A_469, %parallel_loop3A_469 : vector<16xf32>
        %parallel_loop3A_471 = arith.constant 16 : i32
        %parallel_loop3A_472 = arith.muli %parallel_loop3A_447, %parallel_loop3A_471 : i32
        %parallel_loop3A_473 = arith.constant 8192 : i32
        %parallel_loop3A_474 = arith.addi %parallel_loop3A_473, %parallel_loop3A_472 : i32
        %parallel_loop3A_475 = arith.index_cast %parallel_loop3A_474 : i32 to index
        %parallel_loop3A_476 = tpu.vector_load %arg11[%parallel_loop3A_475] {strides = array<i32>} : memref<32784xi32, #tpu.memory_space<vmem>>, vector<16xi32>,
        tpu.vector_store %arg11[%parallel_loop3A_475], %parallel_loop3A_468 {strides = array<i32>} : memref<32784xi32, #tpu.memory_space<vmem>>, vector<16xi32>,
        %parallel_loop3A_477 = arith.constant 16 : i32
        %parallel_loop3A_478 = arith.muli %parallel_loop3A_447, %parallel_loop3A_477 : i32
        %parallel_loop3A_479 = arith.constant 8192 : i32
        %parallel_loop3A_480 = arith.addi %parallel_loop3A_479, %parallel_loop3A_478 : i32
        %parallel_loop3A_481 = arith.index_cast %parallel_loop3A_480 : i32 to index
        %parallel_loop3A_482 = tpu.vector_load %arg12[%parallel_loop3A_481] {strides = array<i32>} : memref<32784xf32, #tpu.memory_space<vmem>>, vector<16xf32>,
        tpu.vector_store %arg12[%parallel_loop3A_481], %parallel_loop3A_470 {strides = array<i32>} : memref<32784xf32, #tpu.memory_space<vmem>>, vector<16xf32>,
        %parallel_loop3A_483 = arith.constant 24 : i32
        %parallel_loop3A_484 = vector.broadcast %parallel_loop3A_483 : i32 to vector<16xi32>
        %parallel_loop3A_485 = arith.shrui %parallel_loop3A_468, %parallel_loop3A_484 : vector<16xi32>
        %parallel_loop3A_486 = arith.addi %mul3A_3, %parallel_loop3A_485 : vector<16xi32>
        tpu.vector_store_idx %arg9[%parallel_loop3A_486], %broadcast_in_dim3A_4 {add = true} : memref<4096xi32, #tpu.memory_space<vmem>>[vector<16xi32>], vector<16xi32>,
      } {sc.loop_unroll_factor = 2 : i64, sc.parallel_access}
      %dma_start3A_93 = arith.constant 24576 : i32
      %dma_start3A_94 = tpu.memref_slice %arg2[%add3A_49, %dma_start3A_93] : memref<128x32768xf32, #tpu.memory_space<hbm>> -> memref<1x8192xf32, #tpu.memory_space<hbm>>
      %dma_start3A_95 = tpu.memref_squeeze %dma_start3A_94 : memref<1x8192xf32, #tpu.memory_space<hbm>> -> memref<8192xf32, #tpu.memory_space<hbm>>
      %dma_start3A_96 = arith.constant 24576 : i32
      %dma_start3A_97 = tpu.memref_slice %arg2[%add3A_49, %dma_start3A_96] : memref<128x32768xf32, #tpu.memory_space<hbm>> -> memref<1x8192xf32, #tpu.memory_space<hbm>>
      %dma_start3A_98 = tpu.memref_squeeze %dma_start3A_97 : memref<1x8192xf32, #tpu.memory_space<hbm>> -> memref<8192xf32, #tpu.memory_space<hbm>>
      tpu.enqueue_dma source(%dma_start3A_98 : memref<8192xf32, #tpu.memory_space<hbm>>) target(%arg7 : memref<8192xf32, #tpu.memory_space<vmem>>) target_semaphore(%arg16 : memref<!tpu.dma_semaphore, #tpu.memory_space<semaphore_mem>>)
      %dma_start3A_99 = arith.constant 24576 : i32
      %dma_start3A_100 = tpu.memref_slice %arg3[%add3A_49, %dma_start3A_99] : memref<128x32768xf32, #tpu.memory_space<hbm>> -> memref<1x8192xf32, #tpu.memory_space<hbm>>
      %dma_start3A_101 = tpu.memref_squeeze %dma_start3A_100 : memref<1x8192xf32, #tpu.memory_space<hbm>> -> memref<8192xf32, #tpu.memory_space<hbm>>
      %dma_start3A_102 = arith.constant 24576 : i32
      %dma_start3A_103 = tpu.memref_slice %arg3[%add3A_49, %dma_start3A_102] : memref<128x32768xf32, #tpu.memory_space<hbm>> -> memref<1x8192xf32, #tpu.memory_space<hbm>>
      %dma_start3A_104 = tpu.memref_squeeze %dma_start3A_103 : memref<1x8192xf32, #tpu.memory_space<hbm>> -> memref<8192xf32, #tpu.memory_space<hbm>>
      tpu.enqueue_dma source(%dma_start3A_104 : memref<8192xf32, #tpu.memory_space<hbm>>) target(%arg8 : memref<8192xf32, #tpu.memory_space<vmem>>) target_semaphore(%arg17 : memref<!tpu.dma_semaphore, #tpu.memory_space<semaphore_mem>>)
      %dma_wait3A_105 = arith.constant 16384 : i32
      %dma_wait3A_106 = tpu.memref_slice %arg2[%add3A_49, %dma_wait3A_105] : memref<128x32768xf32, #tpu.memory_space<hbm>> -> memref<1x8192xf32, #tpu.memory_space<hbm>>
      %dma_wait3A_107 = tpu.memref_squeeze %dma_wait3A_106 : memref<1x8192xf32, #tpu.memory_space<hbm>> -> memref<8192xf32, #tpu.memory_space<hbm>>
      %dma_wait3A_108 = arith.constant 16384 : i32
      %dma_wait3A_109 = tpu.memref_slice %arg2[%add3A_49, %dma_wait3A_108] : memref<128x32768xf32, #tpu.memory_space<hbm>> -> memref<1x8192xf32, #tpu.memory_space<hbm>>
      %dma_wait3A_110 = tpu.memref_squeeze %dma_wait3A_109 : memref<1x8192xf32, #tpu.memory_space<hbm>> -> memref<8192xf32, #tpu.memory_space<hbm>>
      tpu.wait_dma2 semaphore(%arg14 : memref<!tpu.dma_semaphore, #tpu.memory_space<semaphore_mem>>) src(%dma_wait3A_110 : memref<8192xf32, #tpu.memory_space<hbm>>) dst(%arg5 : memref<8192xf32, #tpu.memory_space<vmem>>)
      %dma_wait3A_111 = arith.constant 16384 : i32
      %dma_wait3A_112 = tpu.memref_slice %arg3[%add3A_49, %dma_wait3A_111] : memref<128x32768xf32, #tpu.memory_space<hbm>> -> memref<1x8192xf32, #tpu.memory_space<hbm>>
      %dma_wait3A_113 = tpu.memref_squeeze %dma_wait3A_112 : memref<1x8192xf32, #tpu.memory_space<hbm>> -> memref<8192xf32, #tpu.memory_space<hbm>>
      %dma_wait3A_114 = arith.constant 16384 : i32
      %dma_wait3A_115 = tpu.memref_slice %arg3[%add3A_49, %dma_wait3A_114] : memref<128x32768xf32, #tpu.memory_space<hbm>> -> memref<1x8192xf32, #tpu.memory_space<hbm>>
      %dma_wait3A_116 = tpu.memref_squeeze %dma_wait3A_115 : memref<1x8192xf32, #tpu.memory_space<hbm>> -> memref<8192xf32, #tpu.memory_space<hbm>>
      tpu.wait_dma2 semaphore(%arg15 : memref<!tpu.dma_semaphore, #tpu.memory_space<semaphore_mem>>) src(%dma_wait3A_116 : memref<8192xf32, #tpu.memory_space<hbm>>) dst(%arg6 : memref<8192xf32, #tpu.memory_space<vmem>>)
      %parallel_loop3A_117 = arith.constant 0 : i32
      %parallel_loop3A_118 = arith.constant 512 : i32
      %parallel_loop3A_119 = arith.constant 1 : i32
      scf.for %parallel_loop3A_447 = %parallel_loop3A_117 to %parallel_loop3A_118 step %parallel_loop3A_119  : i32 {
        %parallel_loop3A_448 = arith.constant 16 : i32
        %parallel_loop3A_449 = arith.muli %parallel_loop3A_447, %parallel_loop3A_448 : i32
        %parallel_loop3A_450 = arith.index_cast %parallel_loop3A_449 : i32 to index
        %parallel_loop3A_451 = tpu.vector_load %arg5[%parallel_loop3A_450] {strides = array<i32>} : memref<8192xf32, #tpu.memory_space<vmem>>, vector<16xf32>,
        %parallel_loop3A_452 = arith.constant 16 : i32
        %parallel_loop3A_453 = arith.muli %parallel_loop3A_447, %parallel_loop3A_452 : i32
        %parallel_loop3A_454 = arith.index_cast %parallel_loop3A_453 : i32 to index
        %parallel_loop3A_455 = tpu.vector_load %arg6[%parallel_loop3A_454] {strides = array<i32>} : memref<8192xf32, #tpu.memory_space<vmem>>, vector<16xf32>,
        %parallel_loop3A_456 = arith.constant 0.000000e+00 : f32
        %parallel_loop3A_457 = vector.broadcast %parallel_loop3A_456 : f32 to vector<16xf32>
        %parallel_loop3A_458 = arith.addf %parallel_loop3A_451, %parallel_loop3A_457 : vector<16xf32>
        %parallel_loop3A_459 = tpu.bitcast %parallel_loop3A_458 : vector<16xf32> -> vector<16xi32>
        %parallel_loop3A_460 = arith.constant 0 : i32
        %parallel_loop3A_461 = vector.broadcast %parallel_loop3A_460 : i32 to vector<16xi32>
        %parallel_loop3A_462 = arith.cmpi sge, %parallel_loop3A_459, %parallel_loop3A_461 : vector<16xi32>
        %parallel_loop3A_463 = arith.constant -2147483648 : i32
        %parallel_loop3A_464 = vector.broadcast %parallel_loop3A_463 : i32 to vector<16xi32>
        %parallel_loop3A_465 = arith.xori %parallel_loop3A_459, %parallel_loop3A_464 : vector<16xi32>
        %parallel_loop3A_466 = arith.constant dense<-1> : vector<16xi32>
        %parallel_loop3A_467 = arith.xori %parallel_loop3A_459, %parallel_loop3A_466 : vector<16xi32>
        %parallel_loop3A_468 = arith.select %parallel_loop3A_462, %parallel_loop3A_465, %parallel_loop3A_467 : vector<16xi1>, vector<16xi32>
        %parallel_loop3A_469 = arith.subf %parallel_loop3A_451, %parallel_loop3A_455 : vector<16xf32>
        %parallel_loop3A_470 = arith.mulf %parallel_loop3A_469, %parallel_loop3A_469 : vector<16xf32>
        %parallel_loop3A_471 = arith.constant 16 : i32
        %parallel_loop3A_472 = arith.muli %parallel_loop3A_447, %parallel_loop3A_471 : i32
        %parallel_loop3A_473 = arith.constant 16384 : i32
        %parallel_loop3A_474 = arith.addi %parallel_loop3A_473, %parallel_loop3A_472 : i32
        %parallel_loop3A_475 = arith.index_cast %parallel_loop3A_474 : i32 to index
        %parallel_loop3A_476 = tpu.vector_load %arg11[%parallel_loop3A_475] {strides = array<i32>} : memref<32784xi32, #tpu.memory_space<vmem>>, vector<16xi32>,
        tpu.vector_store %arg11[%parallel_loop3A_475], %parallel_loop3A_468 {strides = array<i32>} : memref<32784xi32, #tpu.memory_space<vmem>>, vector<16xi32>,
        %parallel_loop3A_477 = arith.constant 16 : i32
        %parallel_loop3A_478 = arith.muli %parallel_loop3A_447, %parallel_loop3A_477 : i32
        %parallel_loop3A_479 = arith.constant 16384 : i32
        %parallel_loop3A_480 = arith.addi %parallel_loop3A_479, %parallel_loop3A_478 : i32
        %parallel_loop3A_481 = arith.index_cast %parallel_loop3A_480 : i32 to index
        %parallel_loop3A_482 = tpu.vector_load %arg12[%parallel_loop3A_481] {strides = array<i32>} : memref<32784xf32, #tpu.memory_space<vmem>>, vector<16xf32>,
        tpu.vector_store %arg12[%parallel_loop3A_481], %parallel_loop3A_470 {strides = array<i32>} : memref<32784xf32, #tpu.memory_space<vmem>>, vector<16xf32>,
        %parallel_loop3A_483 = arith.constant 24 : i32
        %parallel_loop3A_484 = vector.broadcast %parallel_loop3A_483 : i32 to vector<16xi32>
        %parallel_loop3A_485 = arith.shrui %parallel_loop3A_468, %parallel_loop3A_484 : vector<16xi32>
        %parallel_loop3A_486 = arith.addi %mul3A_3, %parallel_loop3A_485 : vector<16xi32>
        tpu.vector_store_idx %arg9[%parallel_loop3A_486], %broadcast_in_dim3A_4 {add = true} : memref<4096xi32, #tpu.memory_space<vmem>>[vector<16xi32>], vector<16xi32>,
      } {sc.loop_unroll_factor = 2 : i64, sc.parallel_access}
      %add3A_120 = arith.constant 1 : i32
      %add3A_121 = arith.addi %scan3A_45, %add3A_120 : i32
      %lt3A = arith.constant 4 : i32
      %lt3A_122 = arith.cmpi slt, %add3A_121, %lt3A : i32
      %convert_element_type3A = arith.extui %lt3A_122 : i1 to i32
      %cond3A = arith.constant 0 : i32
      %cond3A_123 = arith.cmpi ne, %convert_element_type3A, %cond3A : i32
      scf.if %cond3A_123 {
        %add3A_447 = arith.constant 1 : i32
        %add3A_448 = arith.addi %add3A_49, %add3A_447 : i32
        %dma_start3A_449 = arith.constant 0 : i32
        %dma_start3A_450 = tpu.memref_slice %arg2[%add3A_448, %dma_start3A_449] : memref<128x32768xf32, #tpu.memory_space<hbm>> -> memref<1x8192xf32, #tpu.memory_space<hbm>>
        %dma_start3A_451 = tpu.memref_squeeze %dma_start3A_450 : memref<1x8192xf32, #tpu.memory_space<hbm>> -> memref<8192xf32, #tpu.memory_space<hbm>>
        %dma_start3A_452 = arith.constant 0 : i32
        %dma_start3A_453 = tpu.memref_slice %arg2[%add3A_448, %dma_start3A_452] : memref<128x32768xf32, #tpu.memory_space<hbm>> -> memref<1x8192xf32, #tpu.memory_space<hbm>>
        %dma_start3A_454 = tpu.memref_squeeze %dma_start3A_453 : memref<1x8192xf32, #tpu.memory_space<hbm>> -> memref<8192xf32, #tpu.memory_space<hbm>>
        tpu.enqueue_dma source(%dma_start3A_454 : memref<8192xf32, #tpu.memory_space<hbm>>) target(%arg5 : memref<8192xf32, #tpu.memory_space<vmem>>) target_semaphore(%arg14 : memref<!tpu.dma_semaphore, #tpu.memory_space<semaphore_mem>>)
        %dma_start3A_455 = arith.constant 0 : i32
        %dma_start3A_456 = tpu.memref_slice %arg3[%add3A_448, %dma_start3A_455] : memref<128x32768xf32, #tpu.memory_space<hbm>> -> memref<1x8192xf32, #tpu.memory_space<hbm>>
        %dma_start3A_457 = tpu.memref_squeeze %dma_start3A_456 : memref<1x8192xf32, #tpu.memory_space<hbm>> -> memref<8192xf32, #tpu.memory_space<hbm>>
        %dma_start3A_458 = arith.constant 0 : i32
        %dma_start3A_459 = tpu.memref_slice %arg3[%add3A_448, %dma_start3A_458] : memref<128x32768xf32, #tpu.memory_space<hbm>> -> memref<1x8192xf32, #tpu.memory_space<hbm>>
        %dma_start3A_460 = tpu.memref_squeeze %dma_start3A_459 : memref<1x8192xf32, #tpu.memory_space<hbm>> -> memref<8192xf32, #tpu.memory_space<hbm>>
        tpu.enqueue_dma source(%dma_start3A_460 : memref<8192xf32, #tpu.memory_space<hbm>>) target(%arg6 : memref<8192xf32, #tpu.memory_space<vmem>>) target_semaphore(%arg15 : memref<!tpu.dma_semaphore, #tpu.memory_space<semaphore_mem>>)
      } else {
      }
      %dma_wait3A_124 = arith.constant 24576 : i32
      %dma_wait3A_125 = tpu.memref_slice %arg2[%add3A_49, %dma_wait3A_124] : memref<128x32768xf32, #tpu.memory_space<hbm>> -> memref<1x8192xf32, #tpu.memory_space<hbm>>
      %dma_wait3A_126 = tpu.memref_squeeze %dma_wait3A_125 : memref<1x8192xf32, #tpu.memory_space<hbm>> -> memref<8192xf32, #tpu.memory_space<hbm>>
      %dma_wait3A_127 = arith.constant 24576 : i32
      %dma_wait3A_128 = tpu.memref_slice %arg2[%add3A_49, %dma_wait3A_127] : memref<128x32768xf32, #tpu.memory_space<hbm>> -> memref<1x8192xf32, #tpu.memory_space<hbm>>
      %dma_wait3A_129 = tpu.memref_squeeze %dma_wait3A_128 : memref<1x8192xf32, #tpu.memory_space<hbm>> -> memref<8192xf32, #tpu.memory_space<hbm>>
      tpu.wait_dma2 semaphore(%arg16 : memref<!tpu.dma_semaphore, #tpu.memory_space<semaphore_mem>>) src(%dma_wait3A_129 : memref<8192xf32, #tpu.memory_space<hbm>>) dst(%arg7 : memref<8192xf32, #tpu.memory_space<vmem>>)
      %dma_wait3A_130 = arith.constant 24576 : i32
      %dma_wait3A_131 = tpu.memref_slice %arg3[%add3A_49, %dma_wait3A_130] : memref<128x32768xf32, #tpu.memory_space<hbm>> -> memref<1x8192xf32, #tpu.memory_space<hbm>>
      %dma_wait3A_132 = tpu.memref_squeeze %dma_wait3A_131 : memref<1x8192xf32, #tpu.memory_space<hbm>> -> memref<8192xf32, #tpu.memory_space<hbm>>
      %dma_wait3A_133 = arith.constant 24576 : i32
      %dma_wait3A_134 = tpu.memref_slice %arg3[%add3A_49, %dma_wait3A_133] : memref<128x32768xf32, #tpu.memory_space<hbm>> -> memref<1x8192xf32, #tpu.memory_space<hbm>>
      %dma_wait3A_135 = tpu.memref_squeeze %dma_wait3A_134 : memref<1x8192xf32, #tpu.memory_space<hbm>> -> memref<8192xf32, #tpu.memory_space<hbm>>
      tpu.wait_dma2 semaphore(%arg17 : memref<!tpu.dma_semaphore, #tpu.memory_space<semaphore_mem>>) src(%dma_wait3A_135 : memref<8192xf32, #tpu.memory_space<hbm>>) dst(%arg8 : memref<8192xf32, #tpu.memory_space<vmem>>)
      %parallel_loop3A_136 = arith.constant 0 : i32
      %parallel_loop3A_137 = arith.constant 512 : i32
      %parallel_loop3A_138 = arith.constant 1 : i32
      scf.for %parallel_loop3A_447 = %parallel_loop3A_136 to %parallel_loop3A_137 step %parallel_loop3A_138  : i32 {
        %parallel_loop3A_448 = arith.constant 16 : i32
        %parallel_loop3A_449 = arith.muli %parallel_loop3A_447, %parallel_loop3A_448 : i32
        %parallel_loop3A_450 = arith.index_cast %parallel_loop3A_449 : i32 to index
        %parallel_loop3A_451 = tpu.vector_load %arg7[%parallel_loop3A_450] {strides = array<i32>} : memref<8192xf32, #tpu.memory_space<vmem>>, vector<16xf32>,
        %parallel_loop3A_452 = arith.constant 16 : i32
        %parallel_loop3A_453 = arith.muli %parallel_loop3A_447, %parallel_loop3A_452 : i32
        %parallel_loop3A_454 = arith.index_cast %parallel_loop3A_453 : i32 to index
        %parallel_loop3A_455 = tpu.vector_load %arg8[%parallel_loop3A_454] {strides = array<i32>} : memref<8192xf32, #tpu.memory_space<vmem>>, vector<16xf32>,
        %parallel_loop3A_456 = arith.constant 0.000000e+00 : f32
        %parallel_loop3A_457 = vector.broadcast %parallel_loop3A_456 : f32 to vector<16xf32>
        %parallel_loop3A_458 = arith.addf %parallel_loop3A_451, %parallel_loop3A_457 : vector<16xf32>
        %parallel_loop3A_459 = tpu.bitcast %parallel_loop3A_458 : vector<16xf32> -> vector<16xi32>
        %parallel_loop3A_460 = arith.constant 0 : i32
        %parallel_loop3A_461 = vector.broadcast %parallel_loop3A_460 : i32 to vector<16xi32>
        %parallel_loop3A_462 = arith.cmpi sge, %parallel_loop3A_459, %parallel_loop3A_461 : vector<16xi32>
        %parallel_loop3A_463 = arith.constant -2147483648 : i32
        %parallel_loop3A_464 = vector.broadcast %parallel_loop3A_463 : i32 to vector<16xi32>
        %parallel_loop3A_465 = arith.xori %parallel_loop3A_459, %parallel_loop3A_464 : vector<16xi32>
        %parallel_loop3A_466 = arith.constant dense<-1> : vector<16xi32>
        %parallel_loop3A_467 = arith.xori %parallel_loop3A_459, %parallel_loop3A_466 : vector<16xi32>
        %parallel_loop3A_468 = arith.select %parallel_loop3A_462, %parallel_loop3A_465, %parallel_loop3A_467 : vector<16xi1>, vector<16xi32>
        %parallel_loop3A_469 = arith.subf %parallel_loop3A_451, %parallel_loop3A_455 : vector<16xf32>
        %parallel_loop3A_470 = arith.mulf %parallel_loop3A_469, %parallel_loop3A_469 : vector<16xf32>
        %parallel_loop3A_471 = arith.constant 16 : i32
        %parallel_loop3A_472 = arith.muli %parallel_loop3A_447, %parallel_loop3A_471 : i32
        %parallel_loop3A_473 = arith.constant 24576 : i32
        %parallel_loop3A_474 = arith.addi %parallel_loop3A_473, %parallel_loop3A_472 : i32
        %parallel_loop3A_475 = arith.index_cast %parallel_loop3A_474 : i32 to index
        %parallel_loop3A_476 = tpu.vector_load %arg11[%parallel_loop3A_475] {strides = array<i32>} : memref<32784xi32, #tpu.memory_space<vmem>>, vector<16xi32>,
        tpu.vector_store %arg11[%parallel_loop3A_475], %parallel_loop3A_468 {strides = array<i32>} : memref<32784xi32, #tpu.memory_space<vmem>>, vector<16xi32>,
        %parallel_loop3A_477 = arith.constant 16 : i32
        %parallel_loop3A_478 = arith.muli %parallel_loop3A_447, %parallel_loop3A_477 : i32
        %parallel_loop3A_479 = arith.constant 24576 : i32
        %parallel_loop3A_480 = arith.addi %parallel_loop3A_479, %parallel_loop3A_478 : i32
        %parallel_loop3A_481 = arith.index_cast %parallel_loop3A_480 : i32 to index
        %parallel_loop3A_482 = tpu.vector_load %arg12[%parallel_loop3A_481] {strides = array<i32>} : memref<32784xf32, #tpu.memory_space<vmem>>, vector<16xf32>,
        tpu.vector_store %arg12[%parallel_loop3A_481], %parallel_loop3A_470 {strides = array<i32>} : memref<32784xf32, #tpu.memory_space<vmem>>, vector<16xf32>,
        %parallel_loop3A_483 = arith.constant 24 : i32
        %parallel_loop3A_484 = vector.broadcast %parallel_loop3A_483 : i32 to vector<16xi32>
        %parallel_loop3A_485 = arith.shrui %parallel_loop3A_468, %parallel_loop3A_484 : vector<16xi32>
        %parallel_loop3A_486 = arith.addi %mul3A_3, %parallel_loop3A_485 : vector<16xi32>
        tpu.vector_store_idx %arg9[%parallel_loop3A_486], %broadcast_in_dim3A_4 {add = true} : memref<4096xi32, #tpu.memory_space<vmem>>[vector<16xi32>], vector<16xi32>,
      } {sc.loop_unroll_factor = 2 : i64, sc.parallel_access}
      %add3A_139 = arith.constant 1 : i32
      %add3A_140 = arith.addi %scan3A_45, %add3A_139 : i32
      %lt3A_141 = arith.constant 4 : i32
      %lt3A_142 = arith.cmpi slt, %add3A_140, %lt3A_141 : i32
      %convert_element_type3A_143 = arith.extui %lt3A_142 : i1 to i32
      %cond3A_144 = arith.constant 0 : i32
      %cond3A_145 = arith.cmpi ne, %convert_element_type3A_143, %cond3A_144 : i32
      scf.if %cond3A_145 {
        %add3A_447 = arith.constant 1 : i32
        %add3A_448 = arith.addi %add3A_49, %add3A_447 : i32
        %dma_start3A_449 = arith.constant 8192 : i32
        %dma_start3A_450 = tpu.memref_slice %arg2[%add3A_448, %dma_start3A_449] : memref<128x32768xf32, #tpu.memory_space<hbm>> -> memref<1x8192xf32, #tpu.memory_space<hbm>>
        %dma_start3A_451 = tpu.memref_squeeze %dma_start3A_450 : memref<1x8192xf32, #tpu.memory_space<hbm>> -> memref<8192xf32, #tpu.memory_space<hbm>>
        %dma_start3A_452 = arith.constant 8192 : i32
        %dma_start3A_453 = tpu.memref_slice %arg2[%add3A_448, %dma_start3A_452] : memref<128x32768xf32, #tpu.memory_space<hbm>> -> memref<1x8192xf32, #tpu.memory_space<hbm>>
        %dma_start3A_454 = tpu.memref_squeeze %dma_start3A_453 : memref<1x8192xf32, #tpu.memory_space<hbm>> -> memref<8192xf32, #tpu.memory_space<hbm>>
        tpu.enqueue_dma source(%dma_start3A_454 : memref<8192xf32, #tpu.memory_space<hbm>>) target(%arg7 : memref<8192xf32, #tpu.memory_space<vmem>>) target_semaphore(%arg16 : memref<!tpu.dma_semaphore, #tpu.memory_space<semaphore_mem>>)
        %dma_start3A_455 = arith.constant 8192 : i32
        %dma_start3A_456 = tpu.memref_slice %arg3[%add3A_448, %dma_start3A_455] : memref<128x32768xf32, #tpu.memory_space<hbm>> -> memref<1x8192xf32, #tpu.memory_space<hbm>>
        %dma_start3A_457 = tpu.memref_squeeze %dma_start3A_456 : memref<1x8192xf32, #tpu.memory_space<hbm>> -> memref<8192xf32, #tpu.memory_space<hbm>>
        %dma_start3A_458 = arith.constant 8192 : i32
        %dma_start3A_459 = tpu.memref_slice %arg3[%add3A_448, %dma_start3A_458] : memref<128x32768xf32, #tpu.memory_space<hbm>> -> memref<1x8192xf32, #tpu.memory_space<hbm>>
        %dma_start3A_460 = tpu.memref_squeeze %dma_start3A_459 : memref<1x8192xf32, #tpu.memory_space<hbm>> -> memref<8192xf32, #tpu.memory_space<hbm>>
        tpu.enqueue_dma source(%dma_start3A_460 : memref<8192xf32, #tpu.memory_space<hbm>>) target(%arg8 : memref<8192xf32, #tpu.memory_space<vmem>>) target_semaphore(%arg17 : memref<!tpu.dma_semaphore, #tpu.memory_space<semaphore_mem>>)
      } else {
      }
      %parallel_loop3A_146 = arith.constant 0 : i32
      %parallel_loop3A_147 = arith.constant 16 : i32
      %parallel_loop3A_148 = arith.constant 1 : i32
      scf.for %parallel_loop3A_447 = %parallel_loop3A_146 to %parallel_loop3A_147 step %parallel_loop3A_148  : i32 {
        %parallel_loop3A_448 = arith.constant 16 : i32
        %parallel_loop3A_449 = arith.muli %parallel_loop3A_447, %parallel_loop3A_448 : i32
        %parallel_loop3A_450 = arith.constant 0 : i32
        %parallel_loop3A_451 = arith.addi %parallel_loop3A_450, %parallel_loop3A_449 : i32
        %parallel_loop3A_452 = arith.index_cast %parallel_loop3A_451 : i32 to index
        %parallel_loop3A_453 = tpu.vector_load %arg9[%parallel_loop3A_452] {strides = array<i32>} : memref<4096xi32, #tpu.memory_space<vmem>>, vector<16xi32>,
        %parallel_loop3A_454 = arith.constant 16 : i32
        %parallel_loop3A_455 = arith.muli %parallel_loop3A_447, %parallel_loop3A_454 : i32
        %parallel_loop3A_456 = arith.constant 256 : i32
        %parallel_loop3A_457 = arith.addi %parallel_loop3A_456, %parallel_loop3A_455 : i32
        %parallel_loop3A_458 = arith.index_cast %parallel_loop3A_457 : i32 to index
        %parallel_loop3A_459 = tpu.vector_load %arg9[%parallel_loop3A_458] {strides = array<i32>} : memref<4096xi32, #tpu.memory_space<vmem>>, vector<16xi32>,
        %parallel_loop3A_460 = arith.constant 16 : i32
        %parallel_loop3A_461 = arith.muli %parallel_loop3A_447, %parallel_loop3A_460 : i32
        %parallel_loop3A_462 = arith.constant 512 : i32
        %parallel_loop3A_463 = arith.addi %parallel_loop3A_462, %parallel_loop3A_461 : i32
        %parallel_loop3A_464 = arith.index_cast %parallel_loop3A_463 : i32 to index
        %parallel_loop3A_465 = tpu.vector_load %arg9[%parallel_loop3A_464] {strides = array<i32>} : memref<4096xi32, #tpu.memory_space<vmem>>, vector<16xi32>,
        %parallel_loop3A_466 = arith.constant 16 : i32
        %parallel_loop3A_467 = arith.muli %parallel_loop3A_447, %parallel_loop3A_466 : i32
        %parallel_loop3A_468 = arith.constant 768 : i32
        %parallel_loop3A_469 = arith.addi %parallel_loop3A_468, %parallel_loop3A_467 : i32
        %parallel_loop3A_470 = arith.index_cast %parallel_loop3A_469 : i32 to index
        %parallel_loop3A_471 = tpu.vector_load %arg9[%parallel_loop3A_470] {strides = array<i32>} : memref<4096xi32, #tpu.memory_space<vmem>>, vector<16xi32>,
        %parallel_loop3A_472 = arith.constant 16 : i32
        %parallel_loop3A_473 = arith.muli %parallel_loop3A_447, %parallel_loop3A_472 : i32
        %parallel_loop3A_474 = arith.constant 1024 : i32
        %parallel_loop3A_475 = arith.addi %parallel_loop3A_474, %parallel_loop3A_473 : i32
        %parallel_loop3A_476 = arith.index_cast %parallel_loop3A_475 : i32 to index
        %parallel_loop3A_477 = tpu.vector_load %arg9[%parallel_loop3A_476] {strides = array<i32>} : memref<4096xi32, #tpu.memory_space<vmem>>, vector<16xi32>,
        %parallel_loop3A_478 = arith.constant 16 : i32
        %parallel_loop3A_479 = arith.muli %parallel_loop3A_447, %parallel_loop3A_478 : i32
        %parallel_loop3A_480 = arith.constant 1280 : i32
        %parallel_loop3A_481 = arith.addi %parallel_loop3A_480, %parallel_loop3A_479 : i32
        %parallel_loop3A_482 = arith.index_cast %parallel_loop3A_481 : i32 to index
        %parallel_loop3A_483 = tpu.vector_load %arg9[%parallel_loop3A_482] {strides = array<i32>} : memref<4096xi32, #tpu.memory_space<vmem>>, vector<16xi32>,
        %parallel_loop3A_484 = arith.constant 16 : i32
        %parallel_loop3A_485 = arith.muli %parallel_loop3A_447, %parallel_loop3A_484 : i32
        %parallel_loop3A_486 = arith.constant 1536 : i32
        %parallel_loop3A_487 = arith.addi %parallel_loop3A_486, %parallel_loop3A_485 : i32
        %parallel_loop3A_488 = arith.index_cast %parallel_loop3A_487 : i32 to index
        %parallel_loop3A_489 = tpu.vector_load %arg9[%parallel_loop3A_488] {strides = array<i32>} : memref<4096xi32, #tpu.memory_space<vmem>>, vector<16xi32>,
        %parallel_loop3A_490 = arith.constant 16 : i32
        %parallel_loop3A_491 = arith.muli %parallel_loop3A_447, %parallel_loop3A_490 : i32
        %parallel_loop3A_492 = arith.constant 1792 : i32
        %parallel_loop3A_493 = arith.addi %parallel_loop3A_492, %parallel_loop3A_491 : i32
        %parallel_loop3A_494 = arith.index_cast %parallel_loop3A_493 : i32 to index
        %parallel_loop3A_495 = tpu.vector_load %arg9[%parallel_loop3A_494] {strides = array<i32>} : memref<4096xi32, #tpu.memory_space<vmem>>, vector<16xi32>,
        %parallel_loop3A_496 = arith.constant 16 : i32
        %parallel_loop3A_497 = arith.muli %parallel_loop3A_447, %parallel_loop3A_496 : i32
        %parallel_loop3A_498 = arith.constant 2048 : i32
        %parallel_loop3A_499 = arith.addi %parallel_loop3A_498, %parallel_loop3A_497 : i32
        %parallel_loop3A_500 = arith.index_cast %parallel_loop3A_499 : i32 to index
        %parallel_loop3A_501 = tpu.vector_load %arg9[%parallel_loop3A_500] {strides = array<i32>} : memref<4096xi32, #tpu.memory_space<vmem>>, vector<16xi32>,
        %parallel_loop3A_502 = arith.constant 16 : i32
        %parallel_loop3A_503 = arith.muli %parallel_loop3A_447, %parallel_loop3A_502 : i32
        %parallel_loop3A_504 = arith.constant 2304 : i32
        %parallel_loop3A_505 = arith.addi %parallel_loop3A_504, %parallel_loop3A_503 : i32
        %parallel_loop3A_506 = arith.index_cast %parallel_loop3A_505 : i32 to index
        %parallel_loop3A_507 = tpu.vector_load %arg9[%parallel_loop3A_506] {strides = array<i32>} : memref<4096xi32, #tpu.memory_space<vmem>>, vector<16xi32>,
        %parallel_loop3A_508 = arith.constant 16 : i32
        %parallel_loop3A_509 = arith.muli %parallel_loop3A_447, %parallel_loop3A_508 : i32
        %parallel_loop3A_510 = arith.constant 2560 : i32
        %parallel_loop3A_511 = arith.addi %parallel_loop3A_510, %parallel_loop3A_509 : i32
        %parallel_loop3A_512 = arith.index_cast %parallel_loop3A_511 : i32 to index
        %parallel_loop3A_513 = tpu.vector_load %arg9[%parallel_loop3A_512] {strides = array<i32>} : memref<4096xi32, #tpu.memory_space<vmem>>, vector<16xi32>,
        %parallel_loop3A_514 = arith.constant 16 : i32
        %parallel_loop3A_515 = arith.muli %parallel_loop3A_447, %parallel_loop3A_514 : i32
        %parallel_loop3A_516 = arith.constant 2816 : i32
        %parallel_loop3A_517 = arith.addi %parallel_loop3A_516, %parallel_loop3A_515 : i32
        %parallel_loop3A_518 = arith.index_cast %parallel_loop3A_517 : i32 to index
        %parallel_loop3A_519 = tpu.vector_load %arg9[%parallel_loop3A_518] {strides = array<i32>} : memref<4096xi32, #tpu.memory_space<vmem>>, vector<16xi32>,
        %parallel_loop3A_520 = arith.constant 16 : i32
        %parallel_loop3A_521 = arith.muli %parallel_loop3A_447, %parallel_loop3A_520 : i32
        %parallel_loop3A_522 = arith.constant 3072 : i32
        %parallel_loop3A_523 = arith.addi %parallel_loop3A_522, %parallel_loop3A_521 : i32
        %parallel_loop3A_524 = arith.index_cast %parallel_loop3A_523 : i32 to index
        %parallel_loop3A_525 = tpu.vector_load %arg9[%parallel_loop3A_524] {strides = array<i32>} : memref<4096xi32, #tpu.memory_space<vmem>>, vector<16xi32>,
        %parallel_loop3A_526 = arith.constant 16 : i32
        %parallel_loop3A_527 = arith.muli %parallel_loop3A_447, %parallel_loop3A_526 : i32
        %parallel_loop3A_528 = arith.constant 3328 : i32
        %parallel_loop3A_529 = arith.addi %parallel_loop3A_528, %parallel_loop3A_527 : i32
        %parallel_loop3A_530 = arith.index_cast %parallel_loop3A_529 : i32 to index
        %parallel_loop3A_531 = tpu.vector_load %arg9[%parallel_loop3A_530] {strides = array<i32>} : memref<4096xi32, #tpu.memory_space<vmem>>, vector<16xi32>,
        %parallel_loop3A_532 = arith.constant 16 : i32
        %parallel_loop3A_533 = arith.muli %parallel_loop3A_447, %parallel_loop3A_532 : i32
        %parallel_loop3A_534 = arith.constant 3584 : i32
        %parallel_loop3A_535 = arith.addi %parallel_loop3A_534, %parallel_loop3A_533 : i32
        %parallel_loop3A_536 = arith.index_cast %parallel_loop3A_535 : i32 to index
        %parallel_loop3A_537 = tpu.vector_load %arg9[%parallel_loop3A_536] {strides = array<i32>} : memref<4096xi32, #tpu.memory_space<vmem>>, vector<16xi32>,
        %parallel_loop3A_538 = arith.constant 16 : i32
        %parallel_loop3A_539 = arith.muli %parallel_loop3A_447, %parallel_loop3A_538 : i32
        %parallel_loop3A_540 = arith.constant 3840 : i32
        %parallel_loop3A_541 = arith.addi %parallel_loop3A_540, %parallel_loop3A_539 : i32
        %parallel_loop3A_542 = arith.index_cast %parallel_loop3A_541 : i32 to index
        %parallel_loop3A_543 = tpu.vector_load %arg9[%parallel_loop3A_542] {strides = array<i32>} : memref<4096xi32, #tpu.memory_space<vmem>>, vector<16xi32>,
        %parallel_loop3A_544 = arith.addi %parallel_loop3A_453, %parallel_loop3A_459 : vector<16xi32>
        %parallel_loop3A_545 = arith.addi %parallel_loop3A_465, %parallel_loop3A_471 : vector<16xi32>
        %parallel_loop3A_546 = arith.addi %parallel_loop3A_477, %parallel_loop3A_483 : vector<16xi32>
        %parallel_loop3A_547 = arith.addi %parallel_loop3A_489, %parallel_loop3A_495 : vector<16xi32>
        %parallel_loop3A_548 = arith.addi %parallel_loop3A_501, %parallel_loop3A_507 : vector<16xi32>
        %parallel_loop3A_549 = arith.addi %parallel_loop3A_513, %parallel_loop3A_519 : vector<16xi32>
        %parallel_loop3A_550 = arith.addi %parallel_loop3A_525, %parallel_loop3A_531 : vector<16xi32>
        %parallel_loop3A_551 = arith.addi %parallel_loop3A_537, %parallel_loop3A_543 : vector<16xi32>
        %parallel_loop3A_552 = arith.addi %parallel_loop3A_544, %parallel_loop3A_545 : vector<16xi32>
        %parallel_loop3A_553 = arith.addi %parallel_loop3A_546, %parallel_loop3A_547 : vector<16xi32>
        %parallel_loop3A_554 = arith.addi %parallel_loop3A_548, %parallel_loop3A_549 : vector<16xi32>
        %parallel_loop3A_555 = arith.addi %parallel_loop3A_550, %parallel_loop3A_551 : vector<16xi32>
        %parallel_loop3A_556 = arith.addi %parallel_loop3A_552, %parallel_loop3A_553 : vector<16xi32>
        %parallel_loop3A_557 = arith.addi %parallel_loop3A_554, %parallel_loop3A_555 : vector<16xi32>
        %parallel_loop3A_558 = arith.addi %parallel_loop3A_556, %parallel_loop3A_557 : vector<16xi32>
        %parallel_loop3A_559 = arith.constant 16 : i32
        %parallel_loop3A_560 = arith.muli %parallel_loop3A_447, %parallel_loop3A_559 : i32
        %parallel_loop3A_561 = arith.index_cast %parallel_loop3A_560 : i32 to index
        %parallel_loop3A_562 = tpu.vector_load %arg10[%parallel_loop3A_561] {strides = array<i32>} : memref<256xi32, #tpu.memory_space<vmem>>, vector<16xi32>,
        tpu.vector_store %arg10[%parallel_loop3A_561], %parallel_loop3A_558 {strides = array<i32>} : memref<256xi32, #tpu.memory_space<vmem>>, vector<16xi32>,
      } {sc.loop_unroll_factor = 2 : i64, sc.parallel_access}
      %broadcast_in_dim3A_149 = arith.constant 0 : i32
      %broadcast_in_dim3A_150 = vector.broadcast %broadcast_in_dim3A_149 : i32 to vector<16xi32>
      %sub3A = arith.constant 1 : i32
      %sub3A_151 = vector.broadcast %sub3A : i32 to vector<16xi32>
      %sub3A_152 = arith.subi %broadcast_in_dim3A_150, %sub3A_151 : vector<16xi32>
      %sub3A_153 = arith.constant 1 : i32
      %sub3A_154 = vector.broadcast %sub3A_153 : i32 to vector<16xi32>
      %sub3A_155 = arith.subi %broadcast_in_dim3A_150, %sub3A_154 : vector<16xi32>
      %scan3A_156 = arith.constant 256 : i32
      %scan3A_157 = arith.constant 0 : i32
      %scan3A_158 = arith.constant 16 : i32
      %scan3A_159 = arith.addi %scan3A_157, %scan3A_158 : i32
      %scan3A_160 = arith.constant 1 : i32
      %scan3A_161:3 = scf.for %scan3A_447 = %scan3A_157 to %scan3A_159 step %scan3A_160 iter_args(%scan3A_448 = %broadcast_in_dim3A_150, %scan3A_449 = %sub3A_152, %scan3A_450 = %sub3A_155) -> (vector<16xi32>, vector<16xi32>, vector<16xi32>)  : i32 {
        %sub3A_451 = arith.constant 15 : i32
        %sub3A_452 = arith.subi %sub3A_451, %scan3A_447 : i32
        %mul3A_453 = arith.constant 16 : i32
        %mul3A_454 = arith.muli %sub3A_452, %mul3A_453 : i32
        %get3A = arith.index_cast %mul3A_454 : i32 to index
        %get3A_455 = tpu.vector_load %arg10[%get3A] {strides = array<i32>} : memref<256xi32, #tpu.memory_space<vmem>>, vector<16xi32>,
        %rev3A = arith.constant 15 : i32
        %rev3A_456 = vector.broadcast %rev3A : i32 to vector<16xi32>
        %rev3A_457 = tpu.iota {dimensions = array<i32: 0>} : vector<16xi32>
        %rev3A_458 = arith.subi %rev3A_456, %rev3A_457 : vector<16xi32>
        %rev3A_459 = tpu.dynamic_gather %get3A_455[%rev3A_458] in [0] : vector<16xi32>, vector<16xi32> -> vector<16xi32>
        %broadcast_in_dim3A_460 = arith.constant true
        %broadcast_in_dim3A_461 = vector.broadcast %broadcast_in_dim3A_460 : i1 to vector<16xi1>
        %masked_cumsum3A = tpu.scan <sum>, %rev3A_459 masked %broadcast_in_dim3A_461 : vector<16xi32>, vector<16xi1> -> vector<16xi32>
        %sub3A_462 = arith.subi %masked_cumsum3A, %rev3A_459 : vector<16xi32>
        %rev3A_463 = arith.constant 15 : i32
        %rev3A_464 = vector.broadcast %rev3A_463 : i32 to vector<16xi32>
        %rev3A_465 = tpu.iota {dimensions = array<i32: 0>} : vector<16xi32>
        %rev3A_466 = arith.subi %rev3A_464, %rev3A_465 : vector<16xi32>
        %rev3A_467 = tpu.dynamic_gather %sub3A_462[%rev3A_466] in [0] : vector<16xi32>, vector<16xi32> -> vector<16xi32>
        %add3A_468 = arith.addi %rev3A_467, %scan3A_448 : vector<16xi32>
        %lt3A_469 = vector.broadcast %scan3A_156 : i32 to vector<16xi32>
        %lt3A_470 = arith.cmpi slt, %add3A_468, %lt3A_469 : vector<16xi32>
        %add3A_471 = arith.addi %add3A_468, %get3A_455 : vector<16xi32>
        %ge3A = vector.broadcast %scan3A_156 : i32 to vector<16xi32>
        %ge3A_472 = arith.cmpi sge, %add3A_471, %ge3A : vector<16xi32>
        %and3A_473 = arith.andi %lt3A_470, %ge3A_472 : vector<16xi1>
        %mul3A_474 = arith.constant 16 : i32
        %mul3A_475 = arith.muli %sub3A_452, %mul3A_474 : i32
        %add3A_476 = vector.broadcast %mul3A_475 : i32 to vector<16xi32>
        %add3A_477 = arith.addi %add3A_476, %iota3A : vector<16xi32>
        %jit3A_478 = arith.constant -1 : i32
        %broadcast_in_dim3A_479 = vector.broadcast %jit3A_478 : i32 to vector<16xi32>
        %select_n3A_480 = arith.select %and3A_473, %add3A_477, %broadcast_in_dim3A_479 : vector<16xi1>, vector<16xi32>
        %max3A = arith.maxsi %scan3A_449, %select_n3A_480 : vector<16xi32>
        %jit3A_481 = arith.constant -1 : i32
        %broadcast_in_dim3A_482 = vector.broadcast %jit3A_481 : i32 to vector<16xi32>
        %select_n3A_483 = arith.select %and3A_473, %add3A_468, %broadcast_in_dim3A_482 : vector<16xi1>, vector<16xi32>
        %max3A_484 = arith.maxsi %scan3A_450, %select_n3A_483 : vector<16xi32>
        %slice3A_485 = vector.extract_strided_slice %masked_cumsum3A {offsets = [15], sizes = [1], strides = [1]} : vector<16xi32> to vector<1xi32>
        %squeeze3A_486 = vector.extract %slice3A_485[0] : i32 from vector<1xi32>
        %add3A_487 = vector.broadcast %squeeze3A_486 : i32 to vector<16xi32>
        %add3A_488 = arith.addi %scan3A_448, %add3A_487 : vector<16xi32>
        scf.yield %add3A_488, %max3A, %max3A_484 : vector<16xi32>, vector<16xi32>, vector<16xi32>
      }
      %scan3A_162 = arith.constant 16 : i32
      %reduce_max3A = arith.constant true
      %reduce_max3A_163 = vector.broadcast %reduce_max3A : i1 to vector<16xi1>
      %reduce_max3A_164 = arith.constant -2147483648 : i32
      %reduce_max3A_165 = vector.broadcast %reduce_max3A_164 : i32 to vector<16xi32>
      %reduce_max3A_166 = arith.xori %scan3A_161#1, %reduce_max3A_165 : vector<16xi32>
      %reduce_max3A_167 = tpu.scan <max>, %reduce_max3A_166 masked %reduce_max3A_163 : vector<16xi32>, vector<16xi1> -> vector<16xi32>
      %reduce_max3A_168 = arith.xori %reduce_max3A_167, %reduce_max3A_165 : vector<16xi32>
      %reduce_max3A_169 = vector.extract %reduce_max3A_168[15] : i32 from vector<16xi32>
      %reduce_max3A_170 = arith.constant true
      %reduce_max3A_171 = vector.broadcast %reduce_max3A_170 : i1 to vector<16xi1>
      %reduce_max3A_172 = arith.constant -2147483648 : i32
      %reduce_max3A_173 = vector.broadcast %reduce_max3A_172 : i32 to vector<16xi32>
      %reduce_max3A_174 = arith.xori %scan3A_161#2, %reduce_max3A_173 : vector<16xi32>
      %reduce_max3A_175 = tpu.scan <max>, %reduce_max3A_174 masked %reduce_max3A_171 : vector<16xi32>, vector<16xi1> -> vector<16xi32>
      %reduce_max3A_176 = arith.xori %reduce_max3A_175, %reduce_max3A_173 : vector<16xi32>
      %reduce_max3A_177 = vector.extract %reduce_max3A_176[15] : i32 from vector<16xi32>
      %broadcast_in_dim3A_178 = arith.constant 0.000000e+00 : f32
      %broadcast_in_dim3A_179 = vector.broadcast %broadcast_in_dim3A_178 : f32 to vector<16xf32>
      %broadcast_in_dim3A_180 = arith.constant 0 : i32
      %broadcast_in_dim3A_181 = vector.broadcast %broadcast_in_dim3A_180 : i32 to vector<16xi32>
      %parallel_loop3A_182 = arith.constant 0 : i32
      %parallel_loop3A_183 = arith.constant 2048 : i32
      %parallel_loop3A_184 = arith.constant 1 : i32
      %parallel_loop3A_185:2 = scf.for %parallel_loop3A_447 = %parallel_loop3A_182 to %parallel_loop3A_183 step %parallel_loop3A_184 iter_args(%parallel_loop3A_448 = %broadcast_in_dim3A_179, %parallel_loop3A_449 = %broadcast_in_dim3A_181) -> (vector<16xf32>, vector<16xi32>)  : i32 {
        %parallel_loop3A_450 = arith.constant 16 : i32
        %parallel_loop3A_451 = arith.muli %parallel_loop3A_447, %parallel_loop3A_450 : i32
        %parallel_loop3A_452 = arith.index_cast %parallel_loop3A_451 : i32 to index
        %parallel_loop3A_453 = tpu.vector_load %arg11[%parallel_loop3A_452] {strides = array<i32>} : memref<32784xi32, #tpu.memory_space<vmem>>, vector<16xi32>,
        %parallel_loop3A_454 = arith.constant 24 : i32
        %parallel_loop3A_455 = vector.broadcast %parallel_loop3A_454 : i32 to vector<16xi32>
        %parallel_loop3A_456 = arith.shrui %parallel_loop3A_453, %parallel_loop3A_455 : vector<16xi32>
        %parallel_loop3A_457 = arith.constant 16 : i32
        %parallel_loop3A_458 = arith.muli %parallel_loop3A_447, %parallel_loop3A_457 : i32
        %parallel_loop3A_459 = arith.index_cast %parallel_loop3A_458 : i32 to index
        %parallel_loop3A_460 = tpu.vector_load %arg12[%parallel_loop3A_459] {strides = array<i32>} : memref<32784xf32, #tpu.memory_space<vmem>>, vector<16xf32>,
        %parallel_loop3A_461 = vector.broadcast %reduce_max3A_169 : i32 to vector<16xi32>
        %parallel_loop3A_462 = arith.cmpi sgt, %parallel_loop3A_456, %parallel_loop3A_461 : vector<16xi32>
        %parallel_loop3A_463 = arith.constant 0.000000e+00 : f32
        %parallel_loop3A_464 = vector.broadcast %parallel_loop3A_463 : f32 to vector<16xf32>
        %parallel_loop3A_465 = arith.select %parallel_loop3A_462, %parallel_loop3A_460, %parallel_loop3A_464 : vector<16xi1>, vector<16xf32>
        %parallel_loop3A_466 = arith.addf %parallel_loop3A_448, %parallel_loop3A_465 : vector<16xf32>
        %parallel_loop3A_467 = vector.broadcast %reduce_max3A_169 : i32 to vector<16xi32>
        %parallel_loop3A_468 = arith.cmpi eq, %parallel_loop3A_456, %parallel_loop3A_467 : vector<16xi32>
        %parallel_loop3A_469 = tpu.scan <sum>, %broadcast_in_dim3A_4 masked %parallel_loop3A_468 : vector<16xi32>, vector<16xi1> -> vector<16xi32>
        %parallel_loop3A_470 = arith.addi %parallel_loop3A_449, %parallel_loop3A_469 : vector<16xi32>
        %parallel_loop3A_471 = arith.constant 1 : i32
        %parallel_loop3A_472 = vector.broadcast %parallel_loop3A_471 : i32 to vector<16xi32>
        %parallel_loop3A_473 = arith.subi %parallel_loop3A_470, %parallel_loop3A_472 : vector<16xi32>
        %parallel_loop3A_474 = arith.constant 0 : i32
        %parallel_loop3A_475 = vector.broadcast %parallel_loop3A_474 : i32 to vector<16xi32>
        %parallel_loop3A_476 = arith.maxsi %parallel_loop3A_473, %parallel_loop3A_475 : vector<16xi32>
        tpu.vector_store_idx %arg11[%parallel_loop3A_476], %parallel_loop3A_453 masked %parallel_loop3A_468 : memref<32784xi32, #tpu.memory_space<vmem>>[vector<16xi32>], vector<16xi32>, vector<16xi1>
        tpu.vector_store_idx %arg12[%parallel_loop3A_476], %parallel_loop3A_460 masked %parallel_loop3A_468 : memref<32784xf32, #tpu.memory_space<vmem>>[vector<16xi32>], vector<16xf32>, vector<16xi1>
        %parallel_loop3A_477 = tpu.all_reduce %parallel_loop3A_468 {dim = 0 : i64, kind = #tpu.reduction_kind<sum>} : vector<16xi1> -> vector<16xi32>
        %parallel_loop3A_478 = arith.addi %parallel_loop3A_449, %parallel_loop3A_477 : vector<16xi32>
        scf.yield %parallel_loop3A_466, %parallel_loop3A_478 : vector<16xf32>, vector<16xi32>
      } {sc.loop_unroll_factor = 4 : i64, sc.parallel_access}
      %slice3A = vector.extract_strided_slice %parallel_loop3A_185#1 {offsets = [0], sizes = [1], strides = [1]} : vector<16xi32> to vector<1xi32>
      %squeeze3A = vector.extract %slice3A[0] : i32 from vector<1xi32>
      %sub3A_186 = arith.constant 256 : i32
      %sub3A_187 = arith.subi %sub3A_186, %reduce_max3A_177 : i32
      %add3A_188 = arith.constant 16 : i32
      %add3A_189 = arith.addi %squeeze3A, %add3A_188 : i32
      %sub3A_190 = arith.constant 1 : i32
      %sub3A_191 = arith.subi %add3A_189, %sub3A_190 : i32
      %jit3A_192 = arith.constant 16 : i32
      %div3A = arith.divsi %sub3A_191, %jit3A_192 : i32
      %sign3A = arith.constant 0 : i32
      %sign3A_193 = arith.cmpi sgt, %sub3A_191, %sign3A : i32
      %sign3A_194 = arith.extui %sign3A_193 : i1 to i32
      %sign3A_195 = arith.constant 0 : i32
      %sign3A_196 = arith.cmpi slt, %sub3A_191, %sign3A_195 : i32
      %sign3A_197 = arith.extui %sign3A_196 : i1 to i32
      %sign3A_198 = arith.subi %sign3A_194, %sign3A_197 : i32
      %sign3A_199 = arith.constant 0 : i32
      %sign3A_200 = arith.cmpi sgt, %jit3A_192, %sign3A_199 : i32
      %sign3A_201 = arith.extui %sign3A_200 : i1 to i32
      %sign3A_202 = arith.constant 0 : i32
      %sign3A_203 = arith.cmpi slt, %jit3A_192, %sign3A_202 : i32
      %sign3A_204 = arith.extui %sign3A_203 : i1 to i32
      %sign3A_205 = arith.subi %sign3A_201, %sign3A_204 : i32
      %ne3A = arith.cmpi ne, %sign3A_198, %sign3A_205 : i32
      %rem3A = arith.remsi %sub3A_191, %jit3A_192 : i32
      %ne3A_206 = arith.constant 0 : i32
      %ne3A_207 = arith.cmpi ne, %rem3A, %ne3A_206 : i32
      %and3A = arith.andi %ne3A, %ne3A_207 : i1
      %sub3A_208 = arith.constant 1 : i32
      %sub3A_209 = arith.subi %div3A, %sub3A_208 : i32
      %select_n3A_210 = arith.select %and3A, %sub3A_209, %div3A : i32
      %parallel_loop3A_211 = arith.constant 0 : i32
      %parallel_loop3A_212 = arith.constant 256 : i32
      %parallel_loop3A_213 = arith.constant 1 : i32
      scf.for %parallel_loop3A_447 = %parallel_loop3A_211 to %parallel_loop3A_212 step %parallel_loop3A_213  : i32 {
        %parallel_loop3A_448 = arith.constant 0 : i32
        %parallel_loop3A_449 = vector.broadcast %parallel_loop3A_448 : i32 to vector<16xi32>
        %parallel_loop3A_450 = arith.constant 16 : i32
        %parallel_loop3A_451 = arith.muli %parallel_loop3A_447, %parallel_loop3A_450 : i32
        %parallel_loop3A_452 = arith.index_cast %parallel_loop3A_451 : i32 to index
        %parallel_loop3A_453 = tpu.vector_load %arg9[%parallel_loop3A_452] {strides = array<i32>} : memref<4096xi32, #tpu.memory_space<vmem>>, vector<16xi32>,
        tpu.vector_store %arg9[%parallel_loop3A_452], %parallel_loop3A_449 {strides = array<i32>} : memref<4096xi32, #tpu.memory_space<vmem>>, vector<16xi32>,
      } {sc.loop_unroll_factor = 4 : i64, sc.parallel_access}
      %parallel_loop3A_214 = arith.constant 0 : i32
      %parallel_loop3A_215 = arith.constant 1 : i32
      scf.for %parallel_loop3A_447 = %parallel_loop3A_214 to %select_n3A_210 step %parallel_loop3A_215  : i32 {
        %parallel_loop3A_448 = arith.constant 16 : i32
        %parallel_loop3A_449 = arith.muli %parallel_loop3A_447, %parallel_loop3A_448 : i32
        %parallel_loop3A_450 = arith.index_cast %parallel_loop3A_449 : i32 to index
        %parallel_loop3A_451 = tpu.vector_load %arg11[%parallel_loop3A_450] {strides = array<i32>} : memref<32784xi32, #tpu.memory_space<vmem>>, vector<16xi32>,
        %parallel_loop3A_452 = arith.constant 16 : i32
        %parallel_loop3A_453 = arith.muli %parallel_loop3A_447, %parallel_loop3A_452 : i32
        %parallel_loop3A_454 = vector.broadcast %parallel_loop3A_453 : i32 to vector<16xi32>
        %parallel_loop3A_455 = arith.addi %parallel_loop3A_454, %iota3A : vector<16xi32>
        %parallel_loop3A_456 = vector.broadcast %squeeze3A : i32 to vector<16xi32>
        %parallel_loop3A_457 = arith.cmpi slt, %parallel_loop3A_455, %parallel_loop3A_456 : vector<16xi32>
        %parallel_loop3A_458 = arith.constant 16 : i32
        %parallel_loop3A_459 = vector.broadcast %parallel_loop3A_458 : i32 to vector<16xi32>
        %parallel_loop3A_460 = arith.shrui %parallel_loop3A_451, %parallel_loop3A_459 : vector<16xi32>
        %parallel_loop3A_461 = arith.constant 255 : i32
        %parallel_loop3A_462 = vector.broadcast %parallel_loop3A_461 : i32 to vector<16xi32>
        %parallel_loop3A_463 = arith.andi %parallel_loop3A_460, %parallel_loop3A_462 : vector<16xi32>
        %parallel_loop3A_464 = arith.addi %mul3A_3, %parallel_loop3A_463 : vector<16xi32>
        tpu.vector_store_idx %arg9[%parallel_loop3A_464], %broadcast_in_dim3A_4 masked %parallel_loop3A_457 {add = true} : memref<4096xi32, #tpu.memory_space<vmem>>[vector<16xi32>], vector<16xi32>, vector<16xi1>
      } {sc.loop_unroll_factor = 1 : i64, sc.parallel_access}
      %parallel_loop3A_216 = arith.constant 0 : i32
      %parallel_loop3A_217 = arith.constant 16 : i32
      %parallel_loop3A_218 = arith.constant 1 : i32
      scf.for %parallel_loop3A_447 = %parallel_loop3A_216 to %parallel_loop3A_217 step %parallel_loop3A_218  : i32 {
        %parallel_loop3A_448 = arith.constant 16 : i32
        %parallel_loop3A_449 = arith.muli %parallel_loop3A_447, %parallel_loop3A_448 : i32
        %parallel_loop3A_450 = arith.constant 0 : i32
        %parallel_loop3A_451 = arith.addi %parallel_loop3A_450, %parallel_loop3A_449 : i32
        %parallel_loop3A_452 = arith.index_cast %parallel_loop3A_451 : i32 to index
        %parallel_loop3A_453 = tpu.vector_load %arg9[%parallel_loop3A_452] {strides = array<i32>} : memref<4096xi32, #tpu.memory_space<vmem>>, vector<16xi32>,
        %parallel_loop3A_454 = arith.constant 16 : i32
        %parallel_loop3A_455 = arith.muli %parallel_loop3A_447, %parallel_loop3A_454 : i32
        %parallel_loop3A_456 = arith.constant 256 : i32
        %parallel_loop3A_457 = arith.addi %parallel_loop3A_456, %parallel_loop3A_455 : i32
        %parallel_loop3A_458 = arith.index_cast %parallel_loop3A_457 : i32 to index
        %parallel_loop3A_459 = tpu.vector_load %arg9[%parallel_loop3A_458] {strides = array<i32>} : memref<4096xi32, #tpu.memory_space<vmem>>, vector<16xi32>,
        %parallel_loop3A_460 = arith.constant 16 : i32
        %parallel_loop3A_461 = arith.muli %parallel_loop3A_447, %parallel_loop3A_460 : i32
        %parallel_loop3A_462 = arith.constant 512 : i32
        %parallel_loop3A_463 = arith.addi %parallel_loop3A_462, %parallel_loop3A_461 : i32
        %parallel_loop3A_464 = arith.index_cast %parallel_loop3A_463 : i32 to index
        %parallel_loop3A_465 = tpu.vector_load %arg9[%parallel_loop3A_464] {strides = array<i32>} : memref<4096xi32, #tpu.memory_space<vmem>>, vector<16xi32>,
        %parallel_loop3A_466 = arith.constant 16 : i32
        %parallel_loop3A_467 = arith.muli %parallel_loop3A_447, %parallel_loop3A_466 : i32
        %parallel_loop3A_468 = arith.constant 768 : i32
        %parallel_loop3A_469 = arith.addi %parallel_loop3A_468, %parallel_loop3A_467 : i32
        %parallel_loop3A_470 = arith.index_cast %parallel_loop3A_469 : i32 to index
        %parallel_loop3A_471 = tpu.vector_load %arg9[%parallel_loop3A_470] {strides = array<i32>} : memref<4096xi32, #tpu.memory_space<vmem>>, vector<16xi32>,
        %parallel_loop3A_472 = arith.constant 16 : i32
        %parallel_loop3A_473 = arith.muli %parallel_loop3A_447, %parallel_loop3A_472 : i32
        %parallel_loop3A_474 = arith.constant 1024 : i32
        %parallel_loop3A_475 = arith.addi %parallel_loop3A_474, %parallel_loop3A_473 : i32
        %parallel_loop3A_476 = arith.index_cast %parallel_loop3A_475 : i32 to index
        %parallel_loop3A_477 = tpu.vector_load %arg9[%parallel_loop3A_476] {strides = array<i32>} : memref<4096xi32, #tpu.memory_space<vmem>>, vector<16xi32>,
        %parallel_loop3A_478 = arith.constant 16 : i32
        %parallel_loop3A_479 = arith.muli %parallel_loop3A_447, %parallel_loop3A_478 : i32
        %parallel_loop3A_480 = arith.constant 1280 : i32
        %parallel_loop3A_481 = arith.addi %parallel_loop3A_480, %parallel_loop3A_479 : i32
        %parallel_loop3A_482 = arith.index_cast %parallel_loop3A_481 : i32 to index
        %parallel_loop3A_483 = tpu.vector_load %arg9[%parallel_loop3A_482] {strides = array<i32>} : memref<4096xi32, #tpu.memory_space<vmem>>, vector<16xi32>,
        %parallel_loop3A_484 = arith.constant 16 : i32
        %parallel_loop3A_485 = arith.muli %parallel_loop3A_447, %parallel_loop3A_484 : i32
        %parallel_loop3A_486 = arith.constant 1536 : i32
        %parallel_loop3A_487 = arith.addi %parallel_loop3A_486, %parallel_loop3A_485 : i32
        %parallel_loop3A_488 = arith.index_cast %parallel_loop3A_487 : i32 to index
        %parallel_loop3A_489 = tpu.vector_load %arg9[%parallel_loop3A_488] {strides = array<i32>} : memref<4096xi32, #tpu.memory_space<vmem>>, vector<16xi32>,
        %parallel_loop3A_490 = arith.constant 16 : i32
        %parallel_loop3A_491 = arith.muli %parallel_loop3A_447, %parallel_loop3A_490 : i32
        %parallel_loop3A_492 = arith.constant 1792 : i32
        %parallel_loop3A_493 = arith.addi %parallel_loop3A_492, %parallel_loop3A_491 : i32
        %parallel_loop3A_494 = arith.index_cast %parallel_loop3A_493 : i32 to index
        %parallel_loop3A_495 = tpu.vector_load %arg9[%parallel_loop3A_494] {strides = array<i32>} : memref<4096xi32, #tpu.memory_space<vmem>>, vector<16xi32>,
        %parallel_loop3A_496 = arith.constant 16 : i32
        %parallel_loop3A_497 = arith.muli %parallel_loop3A_447, %parallel_loop3A_496 : i32
        %parallel_loop3A_498 = arith.constant 2048 : i32
        %parallel_loop3A_499 = arith.addi %parallel_loop3A_498, %parallel_loop3A_497 : i32
        %parallel_loop3A_500 = arith.index_cast %parallel_loop3A_499 : i32 to index
        %parallel_loop3A_501 = tpu.vector_load %arg9[%parallel_loop3A_500] {strides = array<i32>} : memref<4096xi32, #tpu.memory_space<vmem>>, vector<16xi32>,
        %parallel_loop3A_502 = arith.constant 16 : i32
        %parallel_loop3A_503 = arith.muli %parallel_loop3A_447, %parallel_loop3A_502 : i32
        %parallel_loop3A_504 = arith.constant 2304 : i32
        %parallel_loop3A_505 = arith.addi %parallel_loop3A_504, %parallel_loop3A_503 : i32
        %parallel_loop3A_506 = arith.index_cast %parallel_loop3A_505 : i32 to index
        %parallel_loop3A_507 = tpu.vector_load %arg9[%parallel_loop3A_506] {strides = array<i32>} : memref<4096xi32, #tpu.memory_space<vmem>>, vector<16xi32>,
        %parallel_loop3A_508 = arith.constant 16 : i32
        %parallel_loop3A_509 = arith.muli %parallel_loop3A_447, %parallel_loop3A_508 : i32
        %parallel_loop3A_510 = arith.constant 2560 : i32
        %parallel_loop3A_511 = arith.addi %parallel_loop3A_510, %parallel_loop3A_509 : i32
        %parallel_loop3A_512 = arith.index_cast %parallel_loop3A_511 : i32 to index
        %parallel_loop3A_513 = tpu.vector_load %arg9[%parallel_loop3A_512] {strides = array<i32>} : memref<4096xi32, #tpu.memory_space<vmem>>, vector<16xi32>,
        %parallel_loop3A_514 = arith.constant 16 : i32
        %parallel_loop3A_515 = arith.muli %parallel_loop3A_447, %parallel_loop3A_514 : i32
        %parallel_loop3A_516 = arith.constant 2816 : i32
        %parallel_loop3A_517 = arith.addi %parallel_loop3A_516, %parallel_loop3A_515 : i32
        %parallel_loop3A_518 = arith.index_cast %parallel_loop3A_517 : i32 to index
        %parallel_loop3A_519 = tpu.vector_load %arg9[%parallel_loop3A_518] {strides = array<i32>} : memref<4096xi32, #tpu.memory_space<vmem>>, vector<16xi32>,
        %parallel_loop3A_520 = arith.constant 16 : i32
        %parallel_loop3A_521 = arith.muli %parallel_loop3A_447, %parallel_loop3A_520 : i32
        %parallel_loop3A_522 = arith.constant 3072 : i32
        %parallel_loop3A_523 = arith.addi %parallel_loop3A_522, %parallel_loop3A_521 : i32
        %parallel_loop3A_524 = arith.index_cast %parallel_loop3A_523 : i32 to index
        %parallel_loop3A_525 = tpu.vector_load %arg9[%parallel_loop3A_524] {strides = array<i32>} : memref<4096xi32, #tpu.memory_space<vmem>>, vector<16xi32>,
        %parallel_loop3A_526 = arith.constant 16 : i32
        %parallel_loop3A_527 = arith.muli %parallel_loop3A_447, %parallel_loop3A_526 : i32
        %parallel_loop3A_528 = arith.constant 3328 : i32
        %parallel_loop3A_529 = arith.addi %parallel_loop3A_528, %parallel_loop3A_527 : i32
        %parallel_loop3A_530 = arith.index_cast %parallel_loop3A_529 : i32 to index
        %parallel_loop3A_531 = tpu.vector_load %arg9[%parallel_loop3A_530] {strides = array<i32>} : memref<4096xi32, #tpu.memory_space<vmem>>, vector<16xi32>,
        %parallel_loop3A_532 = arith.constant 16 : i32
        %parallel_loop3A_533 = arith.muli %parallel_loop3A_447, %parallel_loop3A_532 : i32
        %parallel_loop3A_534 = arith.constant 3584 : i32
        %parallel_loop3A_535 = arith.addi %parallel_loop3A_534, %parallel_loop3A_533 : i32
        %parallel_loop3A_536 = arith.index_cast %parallel_loop3A_535 : i32 to index
        %parallel_loop3A_537 = tpu.vector_load %arg9[%parallel_loop3A_536] {strides = array<i32>} : memref<4096xi32, #tpu.memory_space<vmem>>, vector<16xi32>,
        %parallel_loop3A_538 = arith.constant 16 : i32
        %parallel_loop3A_539 = arith.muli %parallel_loop3A_447, %parallel_loop3A_538 : i32
        %parallel_loop3A_540 = arith.constant 3840 : i32
        %parallel_loop3A_541 = arith.addi %parallel_loop3A_540, %parallel_loop3A_539 : i32
        %parallel_loop3A_542 = arith.index_cast %parallel_loop3A_541 : i32 to index
        %parallel_loop3A_543 = tpu.vector_load %arg9[%parallel_loop3A_542] {strides = array<i32>} : memref<4096xi32, #tpu.memory_space<vmem>>, vector<16xi32>,
        %parallel_loop3A_544 = arith.addi %parallel_loop3A_453, %parallel_loop3A_459 : vector<16xi32>
        %parallel_loop3A_545 = arith.addi %parallel_loop3A_465, %parallel_loop3A_471 : vector<16xi32>
        %parallel_loop3A_546 = arith.addi %parallel_loop3A_477, %parallel_loop3A_483 : vector<16xi32>
        %parallel_loop3A_547 = arith.addi %parallel_loop3A_489, %parallel_loop3A_495 : vector<16xi32>
        %parallel_loop3A_548 = arith.addi %parallel_loop3A_501, %parallel_loop3A_507 : vector<16xi32>
        %parallel_loop3A_549 = arith.addi %parallel_loop3A_513, %parallel_loop3A_519 : vector<16xi32>
        %parallel_loop3A_550 = arith.addi %parallel_loop3A_525, %parallel_loop3A_531 : vector<16xi32>
        %parallel_loop3A_551 = arith.addi %parallel_loop3A_537, %parallel_loop3A_543 : vector<16xi32>
        %parallel_loop3A_552 = arith.addi %parallel_loop3A_544, %parallel_loop3A_545 : vector<16xi32>
        %parallel_loop3A_553 = arith.addi %parallel_loop3A_546, %parallel_loop3A_547 : vector<16xi32>
        %parallel_loop3A_554 = arith.addi %parallel_loop3A_548, %parallel_loop3A_549 : vector<16xi32>
        %parallel_loop3A_555 = arith.addi %parallel_loop3A_550, %parallel_loop3A_551 : vector<16xi32>
        %parallel_loop3A_556 = arith.addi %parallel_loop3A_552, %parallel_loop3A_553 : vector<16xi32>
        %parallel_loop3A_557 = arith.addi %parallel_loop3A_554, %parallel_loop3A_555 : vector<16xi32>
        %parallel_loop3A_558 = arith.addi %parallel_loop3A_556, %parallel_loop3A_557 : vector<16xi32>
        %parallel_loop3A_559 = arith.constant 16 : i32
        %parallel_loop3A_560 = arith.muli %parallel_loop3A_447, %parallel_loop3A_559 : i32
        %parallel_loop3A_561 = arith.index_cast %parallel_loop3A_560 : i32 to index
        %parallel_loop3A_562 = tpu.vector_load %arg10[%parallel_loop3A_561] {strides = array<i32>} : memref<256xi32, #tpu.memory_space<vmem>>, vector<16xi32>,
        tpu.vector_store %arg10[%parallel_loop3A_561], %parallel_loop3A_558 {strides = array<i32>} : memref<256xi32, #tpu.memory_space<vmem>>, vector<16xi32>,
      } {sc.loop_unroll_factor = 2 : i64, sc.parallel_access}
      %broadcast_in_dim3A_219 = arith.constant 0 : i32
      %broadcast_in_dim3A_220 = vector.broadcast %broadcast_in_dim3A_219 : i32 to vector<16xi32>
      %sub3A_221 = arith.constant 1 : i32
      %sub3A_222 = vector.broadcast %sub3A_221 : i32 to vector<16xi32>
      %sub3A_223 = arith.subi %broadcast_in_dim3A_220, %sub3A_222 : vector<16xi32>
      %sub3A_224 = arith.constant 1 : i32
      %sub3A_225 = vector.broadcast %sub3A_224 : i32 to vector<16xi32>
      %sub3A_226 = arith.subi %broadcast_in_dim3A_220, %sub3A_225 : vector<16xi32>
      %scan3A_227 = arith.constant 0 : i32
      %scan3A_228 = arith.constant 16 : i32
      %scan3A_229 = arith.addi %scan3A_227, %scan3A_228 : i32
      %scan3A_230 = arith.constant 1 : i32
      %scan3A_231:3 = scf.for %scan3A_447 = %scan3A_227 to %scan3A_229 step %scan3A_230 iter_args(%scan3A_448 = %broadcast_in_dim3A_220, %scan3A_449 = %sub3A_223, %scan3A_450 = %sub3A_226) -> (vector<16xi32>, vector<16xi32>, vector<16xi32>)  : i32 {
        %sub3A_451 = arith.constant 15 : i32
        %sub3A_452 = arith.subi %sub3A_451, %scan3A_447 : i32
        %mul3A_453 = arith.constant 16 : i32
        %mul3A_454 = arith.muli %sub3A_452, %mul3A_453 : i32
        %get3A = arith.index_cast %mul3A_454 : i32 to index
        %get3A_455 = tpu.vector_load %arg10[%get3A] {strides = array<i32>} : memref<256xi32, #tpu.memory_space<vmem>>, vector<16xi32>,
        %rev3A = arith.constant 15 : i32
        %rev3A_456 = vector.broadcast %rev3A : i32 to vector<16xi32>
        %rev3A_457 = tpu.iota {dimensions = array<i32: 0>} : vector<16xi32>
        %rev3A_458 = arith.subi %rev3A_456, %rev3A_457 : vector<16xi32>
        %rev3A_459 = tpu.dynamic_gather %get3A_455[%rev3A_458] in [0] : vector<16xi32>, vector<16xi32> -> vector<16xi32>
        %broadcast_in_dim3A_460 = arith.constant true
        %broadcast_in_dim3A_461 = vector.broadcast %broadcast_in_dim3A_460 : i1 to vector<16xi1>
        %masked_cumsum3A = tpu.scan <sum>, %rev3A_459 masked %broadcast_in_dim3A_461 : vector<16xi32>, vector<16xi1> -> vector<16xi32>
        %sub3A_462 = arith.subi %masked_cumsum3A, %rev3A_459 : vector<16xi32>
        %rev3A_463 = arith.constant 15 : i32
        %rev3A_464 = vector.broadcast %rev3A_463 : i32 to vector<16xi32>
        %rev3A_465 = tpu.iota {dimensions = array<i32: 0>} : vector<16xi32>
        %rev3A_466 = arith.subi %rev3A_464, %rev3A_465 : vector<16xi32>
        %rev3A_467 = tpu.dynamic_gather %sub3A_462[%rev3A_466] in [0] : vector<16xi32>, vector<16xi32> -> vector<16xi32>
        %add3A_468 = arith.addi %rev3A_467, %scan3A_448 : vector<16xi32>
        %lt3A_469 = vector.broadcast %sub3A_187 : i32 to vector<16xi32>
        %lt3A_470 = arith.cmpi slt, %add3A_468, %lt3A_469 : vector<16xi32>
        %add3A_471 = arith.addi %add3A_468, %get3A_455 : vector<16xi32>
        %ge3A = vector.broadcast %sub3A_187 : i32 to vector<16xi32>
        %ge3A_472 = arith.cmpi sge, %add3A_471, %ge3A : vector<16xi32>
        %and3A_473 = arith.andi %lt3A_470, %ge3A_472 : vector<16xi1>
        %mul3A_474 = arith.constant 16 : i32
        %mul3A_475 = arith.muli %sub3A_452, %mul3A_474 : i32
        %add3A_476 = vector.broadcast %mul3A_475 : i32 to vector<16xi32>
        %add3A_477 = arith.addi %add3A_476, %iota3A : vector<16xi32>
        %jit3A_478 = arith.constant -1 : i32
        %broadcast_in_dim3A_479 = vector.broadcast %jit3A_478 : i32 to vector<16xi32>
        %select_n3A_480 = arith.select %and3A_473, %add3A_477, %broadcast_in_dim3A_479 : vector<16xi1>, vector<16xi32>
        %max3A = arith.maxsi %scan3A_449, %select_n3A_480 : vector<16xi32>
        %jit3A_481 = arith.constant -1 : i32
        %broadcast_in_dim3A_482 = vector.broadcast %jit3A_481 : i32 to vector<16xi32>
        %select_n3A_483 = arith.select %and3A_473, %add3A_468, %broadcast_in_dim3A_482 : vector<16xi1>, vector<16xi32>
        %max3A_484 = arith.maxsi %scan3A_450, %select_n3A_483 : vector<16xi32>
        %slice3A_485 = vector.extract_strided_slice %masked_cumsum3A {offsets = [15], sizes = [1], strides = [1]} : vector<16xi32> to vector<1xi32>
        %squeeze3A_486 = vector.extract %slice3A_485[0] : i32 from vector<1xi32>
        %add3A_487 = vector.broadcast %squeeze3A_486 : i32 to vector<16xi32>
        %add3A_488 = arith.addi %scan3A_448, %add3A_487 : vector<16xi32>
        scf.yield %add3A_488, %max3A, %max3A_484 : vector<16xi32>, vector<16xi32>, vector<16xi32>
      }
      %scan3A_232 = arith.constant 16 : i32
      %reduce_max3A_233 = arith.constant true
      %reduce_max3A_234 = vector.broadcast %reduce_max3A_233 : i1 to vector<16xi1>
      %reduce_max3A_235 = arith.constant -2147483648 : i32
      %reduce_max3A_236 = vector.broadcast %reduce_max3A_235 : i32 to vector<16xi32>
      %reduce_max3A_237 = arith.xori %scan3A_231#1, %reduce_max3A_236 : vector<16xi32>
      %reduce_max3A_238 = tpu.scan <max>, %reduce_max3A_237 masked %reduce_max3A_234 : vector<16xi32>, vector<16xi1> -> vector<16xi32>
      %reduce_max3A_239 = arith.xori %reduce_max3A_238, %reduce_max3A_236 : vector<16xi32>
      %reduce_max3A_240 = vector.extract %reduce_max3A_239[15] : i32 from vector<16xi32>
      %reduce_max3A_241 = arith.constant true
      %reduce_max3A_242 = vector.broadcast %reduce_max3A_241 : i1 to vector<16xi1>
      %reduce_max3A_243 = arith.constant -2147483648 : i32
      %reduce_max3A_244 = vector.broadcast %reduce_max3A_243 : i32 to vector<16xi32>
      %reduce_max3A_245 = arith.xori %scan3A_231#2, %reduce_max3A_244 : vector<16xi32>
      %reduce_max3A_246 = tpu.scan <max>, %reduce_max3A_245 masked %reduce_max3A_242 : vector<16xi32>, vector<16xi1> -> vector<16xi32>
      %reduce_max3A_247 = arith.xori %reduce_max3A_246, %reduce_max3A_244 : vector<16xi32>
      %reduce_max3A_248 = vector.extract %reduce_max3A_247[15] : i32 from vector<16xi32>
      %broadcast_in_dim3A_249 = arith.constant 0 : i32
      %broadcast_in_dim3A_250 = vector.broadcast %broadcast_in_dim3A_249 : i32 to vector<16xi32>
      %parallel_loop3A_251 = arith.constant 0 : i32
      %parallel_loop3A_252 = arith.constant 1 : i32
      %parallel_loop3A_253:2 = scf.for %parallel_loop3A_447 = %parallel_loop3A_251 to %select_n3A_210 step %parallel_loop3A_252 iter_args(%parallel_loop3A_448 = %parallel_loop3A_185#0, %parallel_loop3A_449 = %broadcast_in_dim3A_250) -> (vector<16xf32>, vector<16xi32>)  : i32 {
        %parallel_loop3A_450 = arith.constant 16 : i32
        %parallel_loop3A_451 = arith.muli %parallel_loop3A_447, %parallel_loop3A_450 : i32
        %parallel_loop3A_452 = arith.index_cast %parallel_loop3A_451 : i32 to index
        %parallel_loop3A_453 = tpu.vector_load %arg11[%parallel_loop3A_452] {strides = array<i32>} : memref<32784xi32, #tpu.memory_space<vmem>>, vector<16xi32>,
        %parallel_loop3A_454 = arith.constant 16 : i32
        %parallel_loop3A_455 = arith.muli %parallel_loop3A_447, %parallel_loop3A_454 : i32
        %parallel_loop3A_456 = arith.index_cast %parallel_loop3A_455 : i32 to index
        %parallel_loop3A_457 = tpu.vector_load %arg12[%parallel_loop3A_456] {strides = array<i32>} : memref<32784xf32, #tpu.memory_space<vmem>>, vector<16xf32>,
        %parallel_loop3A_458 = arith.constant 16 : i32
        %parallel_loop3A_459 = arith.muli %parallel_loop3A_447, %parallel_loop3A_458 : i32
        %parallel_loop3A_460 = vector.broadcast %parallel_loop3A_459 : i32 to vector<16xi32>
        %parallel_loop3A_461 = arith.addi %parallel_loop3A_460, %iota3A : vector<16xi32>
        %parallel_loop3A_462 = vector.broadcast %squeeze3A : i32 to vector<16xi32>
        %parallel_loop3A_463 = arith.cmpi slt, %parallel_loop3A_461, %parallel_loop3A_462 : vector<16xi32>
        %parallel_loop3A_464 = arith.constant 16 : i32
        %parallel_loop3A_465 = vector.broadcast %parallel_loop3A_464 : i32 to vector<16xi32>
        %parallel_loop3A_466 = arith.shrui %parallel_loop3A_453, %parallel_loop3A_465 : vector<16xi32>
        %parallel_loop3A_467 = arith.constant 255 : i32
        %parallel_loop3A_468 = vector.broadcast %parallel_loop3A_467 : i32 to vector<16xi32>
        %parallel_loop3A_469 = arith.andi %parallel_loop3A_466, %parallel_loop3A_468 : vector<16xi32>
        %parallel_loop3A_470 = vector.broadcast %reduce_max3A_240 : i32 to vector<16xi32>
        %parallel_loop3A_471 = arith.cmpi sgt, %parallel_loop3A_469, %parallel_loop3A_470 : vector<16xi32>
        %parallel_loop3A_472 = arith.andi %parallel_loop3A_463, %parallel_loop3A_471 : vector<16xi1>
        %parallel_loop3A_473 = arith.constant 0.000000e+00 : f32
        %parallel_loop3A_474 = vector.broadcast %parallel_loop3A_473 : f32 to vector<16xf32>
        %parallel_loop3A_475 = arith.select %parallel_loop3A_472, %parallel_loop3A_457, %parallel_loop3A_474 : vector<16xi1>, vector<16xf32>
        %parallel_loop3A_476 = arith.addf %parallel_loop3A_448, %parallel_loop3A_475 : vector<16xf32>
        %parallel_loop3A_477 = vector.broadcast %reduce_max3A_240 : i32 to vector<16xi32>
        %parallel_loop3A_478 = arith.cmpi eq, %parallel_loop3A_469, %parallel_loop3A_477 : vector<16xi32>
        %parallel_loop3A_479 = arith.andi %parallel_loop3A_463, %parallel_loop3A_478 : vector<16xi1>
        %parallel_loop3A_480 = tpu.scan <sum>, %broadcast_in_dim3A_4 masked %parallel_loop3A_479 : vector<16xi32>, vector<16xi1> -> vector<16xi32>
        %parallel_loop3A_481 = arith.addi %parallel_loop3A_449, %parallel_loop3A_480 : vector<16xi32>
        %parallel_loop3A_482 = arith.constant 1 : i32
        %parallel_loop3A_483 = vector.broadcast %parallel_loop3A_482 : i32 to vector<16xi32>
        %parallel_loop3A_484 = arith.subi %parallel_loop3A_481, %parallel_loop3A_483 : vector<16xi32>
        %parallel_loop3A_485 = arith.constant 0 : i32
        %parallel_loop3A_486 = vector.broadcast %parallel_loop3A_485 : i32 to vector<16xi32>
        %parallel_loop3A_487 = arith.maxsi %parallel_loop3A_484, %parallel_loop3A_486 : vector<16xi32>
        tpu.vector_store_idx %arg11[%parallel_loop3A_487], %parallel_loop3A_453 masked %parallel_loop3A_479 : memref<32784xi32, #tpu.memory_space<vmem>>[vector<16xi32>], vector<16xi32>, vector<16xi1>
        tpu.vector_store_idx %arg12[%parallel_loop3A_487], %parallel_loop3A_457 masked %parallel_loop3A_479 : memref<32784xf32, #tpu.memory_space<vmem>>[vector<16xi32>], vector<16xf32>, vector<16xi1>
        %parallel_loop3A_488 = tpu.all_reduce %parallel_loop3A_479 {dim = 0 : i64, kind = #tpu.reduction_kind<sum>} : vector<16xi1> -> vector<16xi32>
        %parallel_loop3A_489 = arith.addi %parallel_loop3A_449, %parallel_loop3A_488 : vector<16xi32>
        scf.yield %parallel_loop3A_476, %parallel_loop3A_489 : vector<16xf32>, vector<16xi32>
      } {sc.loop_unroll_factor = 1 : i64, sc.parallel_access}
      %slice3A_254 = vector.extract_strided_slice %parallel_loop3A_253#1 {offsets = [0], sizes = [1], strides = [1]} : vector<16xi32> to vector<1xi32>
      %squeeze3A_255 = vector.extract %slice3A_254[0] : i32 from vector<1xi32>
      %sub3A_256 = arith.subi %sub3A_187, %reduce_max3A_248 : i32
      %add3A_257 = arith.constant 16 : i32
      %add3A_258 = arith.addi %squeeze3A_255, %add3A_257 : i32
      %sub3A_259 = arith.constant 1 : i32
      %sub3A_260 = arith.subi %add3A_258, %sub3A_259 : i32
      %jit3A_261 = arith.constant 16 : i32
      %div3A_262 = arith.divsi %sub3A_260, %jit3A_261 : i32
      %sign3A_263 = arith.constant 0 : i32
      %sign3A_264 = arith.cmpi sgt, %sub3A_260, %sign3A_263 : i32
      %sign3A_265 = arith.extui %sign3A_264 : i1 to i32
      %sign3A_266 = arith.constant 0 : i32
      %sign3A_267 = arith.cmpi slt, %sub3A_260, %sign3A_266 : i32
      %sign3A_268 = arith.extui %sign3A_267 : i1 to i32
      %sign3A_269 = arith.subi %sign3A_265, %sign3A_268 : i32
      %sign3A_270 = arith.constant 0 : i32
      %sign3A_271 = arith.cmpi sgt, %jit3A_261, %sign3A_270 : i32
      %sign3A_272 = arith.extui %sign3A_271 : i1 to i32
      %sign3A_273 = arith.constant 0 : i32
      %sign3A_274 = arith.cmpi slt, %jit3A_261, %sign3A_273 : i32
      %sign3A_275 = arith.extui %sign3A_274 : i1 to i32
      %sign3A_276 = arith.subi %sign3A_272, %sign3A_275 : i32
      %ne3A_277 = arith.cmpi ne, %sign3A_269, %sign3A_276 : i32
      %rem3A_278 = arith.remsi %sub3A_260, %jit3A_261 : i32
      %ne3A_279 = arith.constant 0 : i32
      %ne3A_280 = arith.cmpi ne, %rem3A_278, %ne3A_279 : i32
      %and3A_281 = arith.andi %ne3A_277, %ne3A_280 : i1
      %sub3A_282 = arith.constant 1 : i32
      %sub3A_283 = arith.subi %div3A_262, %sub3A_282 : i32
      %select_n3A_284 = arith.select %and3A_281, %sub3A_283, %div3A_262 : i32
      %parallel_loop3A_285 = arith.constant 0 : i32
      %parallel_loop3A_286 = arith.constant 256 : i32
      %parallel_loop3A_287 = arith.constant 1 : i32
      scf.for %parallel_loop3A_447 = %parallel_loop3A_285 to %parallel_loop3A_286 step %parallel_loop3A_287  : i32 {
        %parallel_loop3A_448 = arith.constant 0 : i32
        %parallel_loop3A_449 = vector.broadcast %parallel_loop3A_448 : i32 to vector<16xi32>
        %parallel_loop3A_450 = arith.constant 16 : i32
        %parallel_loop3A_451 = arith.muli %parallel_loop3A_447, %parallel_loop3A_450 : i32
        %parallel_loop3A_452 = arith.index_cast %parallel_loop3A_451 : i32 to index
        %parallel_loop3A_453 = tpu.vector_load %arg9[%parallel_loop3A_452] {strides = array<i32>} : memref<4096xi32, #tpu.memory_space<vmem>>, vector<16xi32>,
        tpu.vector_store %arg9[%parallel_loop3A_452], %parallel_loop3A_449 {strides = array<i32>} : memref<4096xi32, #tpu.memory_space<vmem>>, vector<16xi32>,
      } {sc.loop_unroll_factor = 4 : i64, sc.parallel_access}
      %parallel_loop3A_288 = arith.constant 0 : i32
      %parallel_loop3A_289 = arith.constant 1 : i32
      scf.for %parallel_loop3A_447 = %parallel_loop3A_288 to %select_n3A_284 step %parallel_loop3A_289  : i32 {
        %parallel_loop3A_448 = arith.constant 16 : i32
        %parallel_loop3A_449 = arith.muli %parallel_loop3A_447, %parallel_loop3A_448 : i32
        %parallel_loop3A_450 = arith.index_cast %parallel_loop3A_449 : i32 to index
        %parallel_loop3A_451 = tpu.vector_load %arg11[%parallel_loop3A_450] {strides = array<i32>} : memref<32784xi32, #tpu.memory_space<vmem>>, vector<16xi32>,
        %parallel_loop3A_452 = arith.constant 16 : i32
        %parallel_loop3A_453 = arith.muli %parallel_loop3A_447, %parallel_loop3A_452 : i32
        %parallel_loop3A_454 = vector.broadcast %parallel_loop3A_453 : i32 to vector<16xi32>
        %parallel_loop3A_455 = arith.addi %parallel_loop3A_454, %iota3A : vector<16xi32>
        %parallel_loop3A_456 = vector.broadcast %squeeze3A_255 : i32 to vector<16xi32>
        %parallel_loop3A_457 = arith.cmpi slt, %parallel_loop3A_455, %parallel_loop3A_456 : vector<16xi32>
        %parallel_loop3A_458 = arith.constant 8 : i32
        %parallel_loop3A_459 = vector.broadcast %parallel_loop3A_458 : i32 to vector<16xi32>
        %parallel_loop3A_460 = arith.shrui %parallel_loop3A_451, %parallel_loop3A_459 : vector<16xi32>
        %parallel_loop3A_461 = arith.constant 255 : i32
        %parallel_loop3A_462 = vector.broadcast %parallel_loop3A_461 : i32 to vector<16xi32>
        %parallel_loop3A_463 = arith.andi %parallel_loop3A_460, %parallel_loop3A_462 : vector<16xi32>
        %parallel_loop3A_464 = arith.addi %mul3A_3, %parallel_loop3A_463 : vector<16xi32>
        tpu.vector_store_idx %arg9[%parallel_loop3A_464], %broadcast_in_dim3A_4 masked %parallel_loop3A_457 {add = true} : memref<4096xi32, #tpu.memory_space<vmem>>[vector<16xi32>], vector<16xi32>, vector<16xi1>
      } {sc.loop_unroll_factor = 1 : i64, sc.parallel_access}
      %parallel_loop3A_290 = arith.constant 0 : i32
      %parallel_loop3A_291 = arith.constant 16 : i32
      %parallel_loop3A_292 = arith.constant 1 : i32
      scf.for %parallel_loop3A_447 = %parallel_loop3A_290 to %parallel_loop3A_291 step %parallel_loop3A_292  : i32 {
        %parallel_loop3A_448 = arith.constant 16 : i32
        %parallel_loop3A_449 = arith.muli %parallel_loop3A_447, %parallel_loop3A_448 : i32
        %parallel_loop3A_450 = arith.constant 0 : i32
        %parallel_loop3A_451 = arith.addi %parallel_loop3A_450, %parallel_loop3A_449 : i32
        %parallel_loop3A_452 = arith.index_cast %parallel_loop3A_451 : i32 to index
        %parallel_loop3A_453 = tpu.vector_load %arg9[%parallel_loop3A_452] {strides = array<i32>} : memref<4096xi32, #tpu.memory_space<vmem>>, vector<16xi32>,
        %parallel_loop3A_454 = arith.constant 16 : i32
        %parallel_loop3A_455 = arith.muli %parallel_loop3A_447, %parallel_loop3A_454 : i32
        %parallel_loop3A_456 = arith.constant 256 : i32
        %parallel_loop3A_457 = arith.addi %parallel_loop3A_456, %parallel_loop3A_455 : i32
        %parallel_loop3A_458 = arith.index_cast %parallel_loop3A_457 : i32 to index
        %parallel_loop3A_459 = tpu.vector_load %arg9[%parallel_loop3A_458] {strides = array<i32>} : memref<4096xi32, #tpu.memory_space<vmem>>, vector<16xi32>,
        %parallel_loop3A_460 = arith.constant 16 : i32
        %parallel_loop3A_461 = arith.muli %parallel_loop3A_447, %parallel_loop3A_460 : i32
        %parallel_loop3A_462 = arith.constant 512 : i32
        %parallel_loop3A_463 = arith.addi %parallel_loop3A_462, %parallel_loop3A_461 : i32
        %parallel_loop3A_464 = arith.index_cast %parallel_loop3A_463 : i32 to index
        %parallel_loop3A_465 = tpu.vector_load %arg9[%parallel_loop3A_464] {strides = array<i32>} : memref<4096xi32, #tpu.memory_space<vmem>>, vector<16xi32>,
        %parallel_loop3A_466 = arith.constant 16 : i32
        %parallel_loop3A_467 = arith.muli %parallel_loop3A_447, %parallel_loop3A_466 : i32
        %parallel_loop3A_468 = arith.constant 768 : i32
        %parallel_loop3A_469 = arith.addi %parallel_loop3A_468, %parallel_loop3A_467 : i32
        %parallel_loop3A_470 = arith.index_cast %parallel_loop3A_469 : i32 to index
        %parallel_loop3A_471 = tpu.vector_load %arg9[%parallel_loop3A_470] {strides = array<i32>} : memref<4096xi32, #tpu.memory_space<vmem>>, vector<16xi32>,
        %parallel_loop3A_472 = arith.constant 16 : i32
        %parallel_loop3A_473 = arith.muli %parallel_loop3A_447, %parallel_loop3A_472 : i32
        %parallel_loop3A_474 = arith.constant 1024 : i32
        %parallel_loop3A_475 = arith.addi %parallel_loop3A_474, %parallel_loop3A_473 : i32
        %parallel_loop3A_476 = arith.index_cast %parallel_loop3A_475 : i32 to index
        %parallel_loop3A_477 = tpu.vector_load %arg9[%parallel_loop3A_476] {strides = array<i32>} : memref<4096xi32, #tpu.memory_space<vmem>>, vector<16xi32>,
        %parallel_loop3A_478 = arith.constant 16 : i32
        %parallel_loop3A_479 = arith.muli %parallel_loop3A_447, %parallel_loop3A_478 : i32
        %parallel_loop3A_480 = arith.constant 1280 : i32
        %parallel_loop3A_481 = arith.addi %parallel_loop3A_480, %parallel_loop3A_479 : i32
        %parallel_loop3A_482 = arith.index_cast %parallel_loop3A_481 : i32 to index
        %parallel_loop3A_483 = tpu.vector_load %arg9[%parallel_loop3A_482] {strides = array<i32>} : memref<4096xi32, #tpu.memory_space<vmem>>, vector<16xi32>,
        %parallel_loop3A_484 = arith.constant 16 : i32
        %parallel_loop3A_485 = arith.muli %parallel_loop3A_447, %parallel_loop3A_484 : i32
        %parallel_loop3A_486 = arith.constant 1536 : i32
        %parallel_loop3A_487 = arith.addi %parallel_loop3A_486, %parallel_loop3A_485 : i32
        %parallel_loop3A_488 = arith.index_cast %parallel_loop3A_487 : i32 to index
        %parallel_loop3A_489 = tpu.vector_load %arg9[%parallel_loop3A_488] {strides = array<i32>} : memref<4096xi32, #tpu.memory_space<vmem>>, vector<16xi32>,
        %parallel_loop3A_490 = arith.constant 16 : i32
        %parallel_loop3A_491 = arith.muli %parallel_loop3A_447, %parallel_loop3A_490 : i32
        %parallel_loop3A_492 = arith.constant 1792 : i32
        %parallel_loop3A_493 = arith.addi %parallel_loop3A_492, %parallel_loop3A_491 : i32
        %parallel_loop3A_494 = arith.index_cast %parallel_loop3A_493 : i32 to index
        %parallel_loop3A_495 = tpu.vector_load %arg9[%parallel_loop3A_494] {strides = array<i32>} : memref<4096xi32, #tpu.memory_space<vmem>>, vector<16xi32>,
        %parallel_loop3A_496 = arith.constant 16 : i32
        %parallel_loop3A_497 = arith.muli %parallel_loop3A_447, %parallel_loop3A_496 : i32
        %parallel_loop3A_498 = arith.constant 2048 : i32
        %parallel_loop3A_499 = arith.addi %parallel_loop3A_498, %parallel_loop3A_497 : i32
        %parallel_loop3A_500 = arith.index_cast %parallel_loop3A_499 : i32 to index
        %parallel_loop3A_501 = tpu.vector_load %arg9[%parallel_loop3A_500] {strides = array<i32>} : memref<4096xi32, #tpu.memory_space<vmem>>, vector<16xi32>,
        %parallel_loop3A_502 = arith.constant 16 : i32
        %parallel_loop3A_503 = arith.muli %parallel_loop3A_447, %parallel_loop3A_502 : i32
        %parallel_loop3A_504 = arith.constant 2304 : i32
        %parallel_loop3A_505 = arith.addi %parallel_loop3A_504, %parallel_loop3A_503 : i32
        %parallel_loop3A_506 = arith.index_cast %parallel_loop3A_505 : i32 to index
        %parallel_loop3A_507 = tpu.vector_load %arg9[%parallel_loop3A_506] {strides = array<i32>} : memref<4096xi32, #tpu.memory_space<vmem>>, vector<16xi32>,
        %parallel_loop3A_508 = arith.constant 16 : i32
        %parallel_loop3A_509 = arith.muli %parallel_loop3A_447, %parallel_loop3A_508 : i32
        %parallel_loop3A_510 = arith.constant 2560 : i32
        %parallel_loop3A_511 = arith.addi %parallel_loop3A_510, %parallel_loop3A_509 : i32
        %parallel_loop3A_512 = arith.index_cast %parallel_loop3A_511 : i32 to index
        %parallel_loop3A_513 = tpu.vector_load %arg9[%parallel_loop3A_512] {strides = array<i32>} : memref<4096xi32, #tpu.memory_space<vmem>>, vector<16xi32>,
        %parallel_loop3A_514 = arith.constant 16 : i32
        %parallel_loop3A_515 = arith.muli %parallel_loop3A_447, %parallel_loop3A_514 : i32
        %parallel_loop3A_516 = arith.constant 2816 : i32
        %parallel_loop3A_517 = arith.addi %parallel_loop3A_516, %parallel_loop3A_515 : i32
        %parallel_loop3A_518 = arith.index_cast %parallel_loop3A_517 : i32 to index
        %parallel_loop3A_519 = tpu.vector_load %arg9[%parallel_loop3A_518] {strides = array<i32>} : memref<4096xi32, #tpu.memory_space<vmem>>, vector<16xi32>,
        %parallel_loop3A_520 = arith.constant 16 : i32
        %parallel_loop3A_521 = arith.muli %parallel_loop3A_447, %parallel_loop3A_520 : i32
        %parallel_loop3A_522 = arith.constant 3072 : i32
        %parallel_loop3A_523 = arith.addi %parallel_loop3A_522, %parallel_loop3A_521 : i32
        %parallel_loop3A_524 = arith.index_cast %parallel_loop3A_523 : i32 to index
        %parallel_loop3A_525 = tpu.vector_load %arg9[%parallel_loop3A_524] {strides = array<i32>} : memref<4096xi32, #tpu.memory_space<vmem>>, vector<16xi32>,
        %parallel_loop3A_526 = arith.constant 16 : i32
        %parallel_loop3A_527 = arith.muli %parallel_loop3A_447, %parallel_loop3A_526 : i32
        %parallel_loop3A_528 = arith.constant 3328 : i32
        %parallel_loop3A_529 = arith.addi %parallel_loop3A_528, %parallel_loop3A_527 : i32
        %parallel_loop3A_530 = arith.index_cast %parallel_loop3A_529 : i32 to index
        %parallel_loop3A_531 = tpu.vector_load %arg9[%parallel_loop3A_530] {strides = array<i32>} : memref<4096xi32, #tpu.memory_space<vmem>>, vector<16xi32>,
        %parallel_loop3A_532 = arith.constant 16 : i32
        %parallel_loop3A_533 = arith.muli %parallel_loop3A_447, %parallel_loop3A_532 : i32
        %parallel_loop3A_534 = arith.constant 3584 : i32
        %parallel_loop3A_535 = arith.addi %parallel_loop3A_534, %parallel_loop3A_533 : i32
        %parallel_loop3A_536 = arith.index_cast %parallel_loop3A_535 : i32 to index
        %parallel_loop3A_537 = tpu.vector_load %arg9[%parallel_loop3A_536] {strides = array<i32>} : memref<4096xi32, #tpu.memory_space<vmem>>, vector<16xi32>,
        %parallel_loop3A_538 = arith.constant 16 : i32
        %parallel_loop3A_539 = arith.muli %parallel_loop3A_447, %parallel_loop3A_538 : i32
        %parallel_loop3A_540 = arith.constant 3840 : i32
        %parallel_loop3A_541 = arith.addi %parallel_loop3A_540, %parallel_loop3A_539 : i32
        %parallel_loop3A_542 = arith.index_cast %parallel_loop3A_541 : i32 to index
        %parallel_loop3A_543 = tpu.vector_load %arg9[%parallel_loop3A_542] {strides = array<i32>} : memref<4096xi32, #tpu.memory_space<vmem>>, vector<16xi32>,
        %parallel_loop3A_544 = arith.addi %parallel_loop3A_453, %parallel_loop3A_459 : vector<16xi32>
        %parallel_loop3A_545 = arith.addi %parallel_loop3A_465, %parallel_loop3A_471 : vector<16xi32>
        %parallel_loop3A_546 = arith.addi %parallel_loop3A_477, %parallel_loop3A_483 : vector<16xi32>
        %parallel_loop3A_547 = arith.addi %parallel_loop3A_489, %parallel_loop3A_495 : vector<16xi32>
        %parallel_loop3A_548 = arith.addi %parallel_loop3A_501, %parallel_loop3A_507 : vector<16xi32>
        %parallel_loop3A_549 = arith.addi %parallel_loop3A_513, %parallel_loop3A_519 : vector<16xi32>
        %parallel_loop3A_550 = arith.addi %parallel_loop3A_525, %parallel_loop3A_531 : vector<16xi32>
        %parallel_loop3A_551 = arith.addi %parallel_loop3A_537, %parallel_loop3A_543 : vector<16xi32>
        %parallel_loop3A_552 = arith.addi %parallel_loop3A_544, %parallel_loop3A_545 : vector<16xi32>
        %parallel_loop3A_553 = arith.addi %parallel_loop3A_546, %parallel_loop3A_547 : vector<16xi32>
        %parallel_loop3A_554 = arith.addi %parallel_loop3A_548, %parallel_loop3A_549 : vector<16xi32>
        %parallel_loop3A_555 = arith.addi %parallel_loop3A_550, %parallel_loop3A_551 : vector<16xi32>
        %parallel_loop3A_556 = arith.addi %parallel_loop3A_552, %parallel_loop3A_553 : vector<16xi32>
        %parallel_loop3A_557 = arith.addi %parallel_loop3A_554, %parallel_loop3A_555 : vector<16xi32>
        %parallel_loop3A_558 = arith.addi %parallel_loop3A_556, %parallel_loop3A_557 : vector<16xi32>
        %parallel_loop3A_559 = arith.constant 16 : i32
        %parallel_loop3A_560 = arith.muli %parallel_loop3A_447, %parallel_loop3A_559 : i32
        %parallel_loop3A_561 = arith.index_cast %parallel_loop3A_560 : i32 to index
        %parallel_loop3A_562 = tpu.vector_load %arg10[%parallel_loop3A_561] {strides = array<i32>} : memref<256xi32, #tpu.memory_space<vmem>>, vector<16xi32>,
        tpu.vector_store %arg10[%parallel_loop3A_561], %parallel_loop3A_558 {strides = array<i32>} : memref<256xi32, #tpu.memory_space<vmem>>, vector<16xi32>,
      } {sc.loop_unroll_factor = 2 : i64, sc.parallel_access}
      %broadcast_in_dim3A_293 = arith.constant 0 : i32
      %broadcast_in_dim3A_294 = vector.broadcast %broadcast_in_dim3A_293 : i32 to vector<16xi32>
      %sub3A_295 = arith.constant 1 : i32
      %sub3A_296 = vector.broadcast %sub3A_295 : i32 to vector<16xi32>
      %sub3A_297 = arith.subi %broadcast_in_dim3A_294, %sub3A_296 : vector<16xi32>
      %sub3A_298 = arith.constant 1 : i32
      %sub3A_299 = vector.broadcast %sub3A_298 : i32 to vector<16xi32>
      %sub3A_300 = arith.subi %broadcast_in_dim3A_294, %sub3A_299 : vector<16xi32>
      %scan3A_301 = arith.constant 0 : i32
      %scan3A_302 = arith.constant 16 : i32
      %scan3A_303 = arith.addi %scan3A_301, %scan3A_302 : i32
      %scan3A_304 = arith.constant 1 : i32
      %scan3A_305:3 = scf.for %scan3A_447 = %scan3A_301 to %scan3A_303 step %scan3A_304 iter_args(%scan3A_448 = %broadcast_in_dim3A_294, %scan3A_449 = %sub3A_297, %scan3A_450 = %sub3A_300) -> (vector<16xi32>, vector<16xi32>, vector<16xi32>)  : i32 {
        %sub3A_451 = arith.constant 15 : i32
        %sub3A_452 = arith.subi %sub3A_451, %scan3A_447 : i32
        %mul3A_453 = arith.constant 16 : i32
        %mul3A_454 = arith.muli %sub3A_452, %mul3A_453 : i32
        %get3A = arith.index_cast %mul3A_454 : i32 to index
        %get3A_455 = tpu.vector_load %arg10[%get3A] {strides = array<i32>} : memref<256xi32, #tpu.memory_space<vmem>>, vector<16xi32>,
        %rev3A = arith.constant 15 : i32
        %rev3A_456 = vector.broadcast %rev3A : i32 to vector<16xi32>
        %rev3A_457 = tpu.iota {dimensions = array<i32: 0>} : vector<16xi32>
        %rev3A_458 = arith.subi %rev3A_456, %rev3A_457 : vector<16xi32>
        %rev3A_459 = tpu.dynamic_gather %get3A_455[%rev3A_458] in [0] : vector<16xi32>, vector<16xi32> -> vector<16xi32>
        %broadcast_in_dim3A_460 = arith.constant true
        %broadcast_in_dim3A_461 = vector.broadcast %broadcast_in_dim3A_460 : i1 to vector<16xi1>
        %masked_cumsum3A = tpu.scan <sum>, %rev3A_459 masked %broadcast_in_dim3A_461 : vector<16xi32>, vector<16xi1> -> vector<16xi32>
        %sub3A_462 = arith.subi %masked_cumsum3A, %rev3A_459 : vector<16xi32>
        %rev3A_463 = arith.constant 15 : i32
        %rev3A_464 = vector.broadcast %rev3A_463 : i32 to vector<16xi32>
        %rev3A_465 = tpu.iota {dimensions = array<i32: 0>} : vector<16xi32>
        %rev3A_466 = arith.subi %rev3A_464, %rev3A_465 : vector<16xi32>
        %rev3A_467 = tpu.dynamic_gather %sub3A_462[%rev3A_466] in [0] : vector<16xi32>, vector<16xi32> -> vector<16xi32>
        %add3A_468 = arith.addi %rev3A_467, %scan3A_448 : vector<16xi32>
        %lt3A_469 = vector.broadcast %sub3A_256 : i32 to vector<16xi32>
        %lt3A_470 = arith.cmpi slt, %add3A_468, %lt3A_469 : vector<16xi32>
        %add3A_471 = arith.addi %add3A_468, %get3A_455 : vector<16xi32>
        %ge3A = vector.broadcast %sub3A_256 : i32 to vector<16xi32>
        %ge3A_472 = arith.cmpi sge, %add3A_471, %ge3A : vector<16xi32>
        %and3A_473 = arith.andi %lt3A_470, %ge3A_472 : vector<16xi1>
        %mul3A_474 = arith.constant 16 : i32
        %mul3A_475 = arith.muli %sub3A_452, %mul3A_474 : i32
        %add3A_476 = vector.broadcast %mul3A_475 : i32 to vector<16xi32>
        %add3A_477 = arith.addi %add3A_476, %iota3A : vector<16xi32>
        %jit3A_478 = arith.constant -1 : i32
        %broadcast_in_dim3A_479 = vector.broadcast %jit3A_478 : i32 to vector<16xi32>
        %select_n3A_480 = arith.select %and3A_473, %add3A_477, %broadcast_in_dim3A_479 : vector<16xi1>, vector<16xi32>
        %max3A = arith.maxsi %scan3A_449, %select_n3A_480 : vector<16xi32>
        %jit3A_481 = arith.constant -1 : i32
        %broadcast_in_dim3A_482 = vector.broadcast %jit3A_481 : i32 to vector<16xi32>
        %select_n3A_483 = arith.select %and3A_473, %add3A_468, %broadcast_in_dim3A_482 : vector<16xi1>, vector<16xi32>
        %max3A_484 = arith.maxsi %scan3A_450, %select_n3A_483 : vector<16xi32>
        %slice3A_485 = vector.extract_strided_slice %masked_cumsum3A {offsets = [15], sizes = [1], strides = [1]} : vector<16xi32> to vector<1xi32>
        %squeeze3A_486 = vector.extract %slice3A_485[0] : i32 from vector<1xi32>
        %add3A_487 = vector.broadcast %squeeze3A_486 : i32 to vector<16xi32>
        %add3A_488 = arith.addi %scan3A_448, %add3A_487 : vector<16xi32>
        scf.yield %add3A_488, %max3A, %max3A_484 : vector<16xi32>, vector<16xi32>, vector<16xi32>
      }
      %scan3A_306 = arith.constant 16 : i32
      %reduce_max3A_307 = arith.constant true
      %reduce_max3A_308 = vector.broadcast %reduce_max3A_307 : i1 to vector<16xi1>
      %reduce_max3A_309 = arith.constant -2147483648 : i32
      %reduce_max3A_310 = vector.broadcast %reduce_max3A_309 : i32 to vector<16xi32>
      %reduce_max3A_311 = arith.xori %scan3A_305#1, %reduce_max3A_310 : vector<16xi32>
      %reduce_max3A_312 = tpu.scan <max>, %reduce_max3A_311 masked %reduce_max3A_308 : vector<16xi32>, vector<16xi1> -> vector<16xi32>
      %reduce_max3A_313 = arith.xori %reduce_max3A_312, %reduce_max3A_310 : vector<16xi32>
      %reduce_max3A_314 = vector.extract %reduce_max3A_313[15] : i32 from vector<16xi32>
      %reduce_max3A_315 = arith.constant true
      %reduce_max3A_316 = vector.broadcast %reduce_max3A_315 : i1 to vector<16xi1>
      %reduce_max3A_317 = arith.constant -2147483648 : i32
      %reduce_max3A_318 = vector.broadcast %reduce_max3A_317 : i32 to vector<16xi32>
      %reduce_max3A_319 = arith.xori %scan3A_305#2, %reduce_max3A_318 : vector<16xi32>
      %reduce_max3A_320 = tpu.scan <max>, %reduce_max3A_319 masked %reduce_max3A_316 : vector<16xi32>, vector<16xi1> -> vector<16xi32>
      %reduce_max3A_321 = arith.xori %reduce_max3A_320, %reduce_max3A_318 : vector<16xi32>
      %reduce_max3A_322 = vector.extract %reduce_max3A_321[15] : i32 from vector<16xi32>
      %broadcast_in_dim3A_323 = arith.constant 0 : i32
      %broadcast_in_dim3A_324 = vector.broadcast %broadcast_in_dim3A_323 : i32 to vector<16xi32>
      %parallel_loop3A_325 = arith.constant 0 : i32
      %parallel_loop3A_326 = arith.constant 1 : i32
      %parallel_loop3A_327:2 = scf.for %parallel_loop3A_447 = %parallel_loop3A_325 to %select_n3A_284 step %parallel_loop3A_326 iter_args(%parallel_loop3A_448 = %parallel_loop3A_253#0, %parallel_loop3A_449 = %broadcast_in_dim3A_324) -> (vector<16xf32>, vector<16xi32>)  : i32 {
        %parallel_loop3A_450 = arith.constant 16 : i32
        %parallel_loop3A_451 = arith.muli %parallel_loop3A_447, %parallel_loop3A_450 : i32
        %parallel_loop3A_452 = arith.index_cast %parallel_loop3A_451 : i32 to index
        %parallel_loop3A_453 = tpu.vector_load %arg11[%parallel_loop3A_452] {strides = array<i32>} : memref<32784xi32, #tpu.memory_space<vmem>>, vector<16xi32>,
        %parallel_loop3A_454 = arith.constant 16 : i32
        %parallel_loop3A_455 = arith.muli %parallel_loop3A_447, %parallel_loop3A_454 : i32
        %parallel_loop3A_456 = arith.index_cast %parallel_loop3A_455 : i32 to index
        %parallel_loop3A_457 = tpu.vector_load %arg12[%parallel_loop3A_456] {strides = array<i32>} : memref<32784xf32, #tpu.memory_space<vmem>>, vector<16xf32>,
        %parallel_loop3A_458 = arith.constant 16 : i32
        %parallel_loop3A_459 = arith.muli %parallel_loop3A_447, %parallel_loop3A_458 : i32
        %parallel_loop3A_460 = vector.broadcast %parallel_loop3A_459 : i32 to vector<16xi32>
        %parallel_loop3A_461 = arith.addi %parallel_loop3A_460, %iota3A : vector<16xi32>
        %parallel_loop3A_462 = vector.broadcast %squeeze3A_255 : i32 to vector<16xi32>
        %parallel_loop3A_463 = arith.cmpi slt, %parallel_loop3A_461, %parallel_loop3A_462 : vector<16xi32>
        %parallel_loop3A_464 = arith.constant 8 : i32
        %parallel_loop3A_465 = vector.broadcast %parallel_loop3A_464 : i32 to vector<16xi32>
        %parallel_loop3A_466 = arith.shrui %parallel_loop3A_453, %parallel_loop3A_465 : vector<16xi32>
        %parallel_loop3A_467 = arith.constant 255 : i32
        %parallel_loop3A_468 = vector.broadcast %parallel_loop3A_467 : i32 to vector<16xi32>
        %parallel_loop3A_469 = arith.andi %parallel_loop3A_466, %parallel_loop3A_468 : vector<16xi32>
        %parallel_loop3A_470 = vector.broadcast %reduce_max3A_314 : i32 to vector<16xi32>
        %parallel_loop3A_471 = arith.cmpi sgt, %parallel_loop3A_469, %parallel_loop3A_470 : vector<16xi32>
        %parallel_loop3A_472 = arith.andi %parallel_loop3A_463, %parallel_loop3A_471 : vector<16xi1>
        %parallel_loop3A_473 = arith.constant 0.000000e+00 : f32
        %parallel_loop3A_474 = vector.broadcast %parallel_loop3A_473 : f32 to vector<16xf32>
        %parallel_loop3A_475 = arith.select %parallel_loop3A_472, %parallel_loop3A_457, %parallel_loop3A_474 : vector<16xi1>, vector<16xf32>
        %parallel_loop3A_476 = arith.addf %parallel_loop3A_448, %parallel_loop3A_475 : vector<16xf32>
        %parallel_loop3A_477 = vector.broadcast %reduce_max3A_314 : i32 to vector<16xi32>
        %parallel_loop3A_478 = arith.cmpi eq, %parallel_loop3A_469, %parallel_loop3A_477 : vector<16xi32>
        %parallel_loop3A_479 = arith.andi %parallel_loop3A_463, %parallel_loop3A_478 : vector<16xi1>
        %parallel_loop3A_480 = tpu.scan <sum>, %broadcast_in_dim3A_4 masked %parallel_loop3A_479 : vector<16xi32>, vector<16xi1> -> vector<16xi32>
        %parallel_loop3A_481 = arith.addi %parallel_loop3A_449, %parallel_loop3A_480 : vector<16xi32>
        %parallel_loop3A_482 = arith.constant 1 : i32
        %parallel_loop3A_483 = vector.broadcast %parallel_loop3A_482 : i32 to vector<16xi32>
        %parallel_loop3A_484 = arith.subi %parallel_loop3A_481, %parallel_loop3A_483 : vector<16xi32>
        %parallel_loop3A_485 = arith.constant 0 : i32
        %parallel_loop3A_486 = vector.broadcast %parallel_loop3A_485 : i32 to vector<16xi32>
        %parallel_loop3A_487 = arith.maxsi %parallel_loop3A_484, %parallel_loop3A_486 : vector<16xi32>
        tpu.vector_store_idx %arg11[%parallel_loop3A_487], %parallel_loop3A_453 masked %parallel_loop3A_479 : memref<32784xi32, #tpu.memory_space<vmem>>[vector<16xi32>], vector<16xi32>, vector<16xi1>
        tpu.vector_store_idx %arg12[%parallel_loop3A_487], %parallel_loop3A_457 masked %parallel_loop3A_479 : memref<32784xf32, #tpu.memory_space<vmem>>[vector<16xi32>], vector<16xf32>, vector<16xi1>
        %parallel_loop3A_488 = tpu.all_reduce %parallel_loop3A_479 {dim = 0 : i64, kind = #tpu.reduction_kind<sum>} : vector<16xi1> -> vector<16xi32>
        %parallel_loop3A_489 = arith.addi %parallel_loop3A_449, %parallel_loop3A_488 : vector<16xi32>
        scf.yield %parallel_loop3A_476, %parallel_loop3A_489 : vector<16xf32>, vector<16xi32>
      } {sc.loop_unroll_factor = 1 : i64, sc.parallel_access}
      %slice3A_328 = vector.extract_strided_slice %parallel_loop3A_327#1 {offsets = [0], sizes = [1], strides = [1]} : vector<16xi32> to vector<1xi32>
      %squeeze3A_329 = vector.extract %slice3A_328[0] : i32 from vector<1xi32>
      %sub3A_330 = arith.subi %sub3A_256, %reduce_max3A_322 : i32
      %add3A_331 = arith.constant 16 : i32
      %add3A_332 = arith.addi %squeeze3A_329, %add3A_331 : i32
      %sub3A_333 = arith.constant 1 : i32
      %sub3A_334 = arith.subi %add3A_332, %sub3A_333 : i32
      %jit3A_335 = arith.constant 16 : i32
      %div3A_336 = arith.divsi %sub3A_334, %jit3A_335 : i32
      %sign3A_337 = arith.constant 0 : i32
      %sign3A_338 = arith.cmpi sgt, %sub3A_334, %sign3A_337 : i32
      %sign3A_339 = arith.extui %sign3A_338 : i1 to i32
      %sign3A_340 = arith.constant 0 : i32
      %sign3A_341 = arith.cmpi slt, %sub3A_334, %sign3A_340 : i32
      %sign3A_342 = arith.extui %sign3A_341 : i1 to i32
      %sign3A_343 = arith.subi %sign3A_339, %sign3A_342 : i32
      %sign3A_344 = arith.constant 0 : i32
      %sign3A_345 = arith.cmpi sgt, %jit3A_335, %sign3A_344 : i32
      %sign3A_346 = arith.extui %sign3A_345 : i1 to i32
      %sign3A_347 = arith.constant 0 : i32
      %sign3A_348 = arith.cmpi slt, %jit3A_335, %sign3A_347 : i32
      %sign3A_349 = arith.extui %sign3A_348 : i1 to i32
      %sign3A_350 = arith.subi %sign3A_346, %sign3A_349 : i32
      %ne3A_351 = arith.cmpi ne, %sign3A_343, %sign3A_350 : i32
      %rem3A_352 = arith.remsi %sub3A_334, %jit3A_335 : i32
      %ne3A_353 = arith.constant 0 : i32
      %ne3A_354 = arith.cmpi ne, %rem3A_352, %ne3A_353 : i32
      %and3A_355 = arith.andi %ne3A_351, %ne3A_354 : i1
      %sub3A_356 = arith.constant 1 : i32
      %sub3A_357 = arith.subi %div3A_336, %sub3A_356 : i32
      %select_n3A_358 = arith.select %and3A_355, %sub3A_357, %div3A_336 : i32
      %parallel_loop3A_359 = arith.constant 0 : i32
      %parallel_loop3A_360 = arith.constant 256 : i32
      %parallel_loop3A_361 = arith.constant 1 : i32
      scf.for %parallel_loop3A_447 = %parallel_loop3A_359 to %parallel_loop3A_360 step %parallel_loop3A_361  : i32 {
        %parallel_loop3A_448 = arith.constant 0 : i32
        %parallel_loop3A_449 = vector.broadcast %parallel_loop3A_448 : i32 to vector<16xi32>
        %parallel_loop3A_450 = arith.constant 16 : i32
        %parallel_loop3A_451 = arith.muli %parallel_loop3A_447, %parallel_loop3A_450 : i32
        %parallel_loop3A_452 = arith.index_cast %parallel_loop3A_451 : i32 to index
        %parallel_loop3A_453 = tpu.vector_load %arg9[%parallel_loop3A_452] {strides = array<i32>} : memref<4096xi32, #tpu.memory_space<vmem>>, vector<16xi32>,
        tpu.vector_store %arg9[%parallel_loop3A_452], %parallel_loop3A_449 {strides = array<i32>} : memref<4096xi32, #tpu.memory_space<vmem>>, vector<16xi32>,
      } {sc.loop_unroll_factor = 4 : i64, sc.parallel_access}
      %parallel_loop3A_362 = arith.constant 0 : i32
      %parallel_loop3A_363 = arith.constant 1 : i32
      scf.for %parallel_loop3A_447 = %parallel_loop3A_362 to %select_n3A_358 step %parallel_loop3A_363  : i32 {
        %parallel_loop3A_448 = arith.constant 16 : i32
        %parallel_loop3A_449 = arith.muli %parallel_loop3A_447, %parallel_loop3A_448 : i32
        %parallel_loop3A_450 = arith.index_cast %parallel_loop3A_449 : i32 to index
        %parallel_loop3A_451 = tpu.vector_load %arg11[%parallel_loop3A_450] {strides = array<i32>} : memref<32784xi32, #tpu.memory_space<vmem>>, vector<16xi32>,
        %parallel_loop3A_452 = arith.constant 16 : i32
        %parallel_loop3A_453 = arith.muli %parallel_loop3A_447, %parallel_loop3A_452 : i32
        %parallel_loop3A_454 = vector.broadcast %parallel_loop3A_453 : i32 to vector<16xi32>
        %parallel_loop3A_455 = arith.addi %parallel_loop3A_454, %iota3A : vector<16xi32>
        %parallel_loop3A_456 = vector.broadcast %squeeze3A_329 : i32 to vector<16xi32>
        %parallel_loop3A_457 = arith.cmpi slt, %parallel_loop3A_455, %parallel_loop3A_456 : vector<16xi32>
        %parallel_loop3A_458 = arith.constant 0 : i32
        %parallel_loop3A_459 = vector.broadcast %parallel_loop3A_458 : i32 to vector<16xi32>
        %parallel_loop3A_460 = arith.shrui %parallel_loop3A_451, %parallel_loop3A_459 : vector<16xi32>
        %parallel_loop3A_461 = arith.constant 255 : i32
        %parallel_loop3A_462 = vector.broadcast %parallel_loop3A_461 : i32 to vector<16xi32>
        %parallel_loop3A_463 = arith.andi %parallel_loop3A_460, %parallel_loop3A_462 : vector<16xi32>
        %parallel_loop3A_464 = arith.addi %mul3A_3, %parallel_loop3A_463 : vector<16xi32>
        tpu.vector_store_idx %arg9[%parallel_loop3A_464], %broadcast_in_dim3A_4 masked %parallel_loop3A_457 {add = true} : memref<4096xi32, #tpu.memory_space<vmem>>[vector<16xi32>], vector<16xi32>, vector<16xi1>
      } {sc.loop_unroll_factor = 1 : i64, sc.parallel_access}
      %parallel_loop3A_364 = arith.constant 0 : i32
      %parallel_loop3A_365 = arith.constant 16 : i32
      %parallel_loop3A_366 = arith.constant 1 : i32
      scf.for %parallel_loop3A_447 = %parallel_loop3A_364 to %parallel_loop3A_365 step %parallel_loop3A_366  : i32 {
        %parallel_loop3A_448 = arith.constant 16 : i32
        %parallel_loop3A_449 = arith.muli %parallel_loop3A_447, %parallel_loop3A_448 : i32
        %parallel_loop3A_450 = arith.constant 0 : i32
        %parallel_loop3A_451 = arith.addi %parallel_loop3A_450, %parallel_loop3A_449 : i32
        %parallel_loop3A_452 = arith.index_cast %parallel_loop3A_451 : i32 to index
        %parallel_loop3A_453 = tpu.vector_load %arg9[%parallel_loop3A_452] {strides = array<i32>} : memref<4096xi32, #tpu.memory_space<vmem>>, vector<16xi32>,
        %parallel_loop3A_454 = arith.constant 16 : i32
        %parallel_loop3A_455 = arith.muli %parallel_loop3A_447, %parallel_loop3A_454 : i32
        %parallel_loop3A_456 = arith.constant 256 : i32
        %parallel_loop3A_457 = arith.addi %parallel_loop3A_456, %parallel_loop3A_455 : i32
        %parallel_loop3A_458 = arith.index_cast %parallel_loop3A_457 : i32 to index
        %parallel_loop3A_459 = tpu.vector_load %arg9[%parallel_loop3A_458] {strides = array<i32>} : memref<4096xi32, #tpu.memory_space<vmem>>, vector<16xi32>,
        %parallel_loop3A_460 = arith.constant 16 : i32
        %parallel_loop3A_461 = arith.muli %parallel_loop3A_447, %parallel_loop3A_460 : i32
        %parallel_loop3A_462 = arith.constant 512 : i32
        %parallel_loop3A_463 = arith.addi %parallel_loop3A_462, %parallel_loop3A_461 : i32
        %parallel_loop3A_464 = arith.index_cast %parallel_loop3A_463 : i32 to index
        %parallel_loop3A_465 = tpu.vector_load %arg9[%parallel_loop3A_464] {strides = array<i32>} : memref<4096xi32, #tpu.memory_space<vmem>>, vector<16xi32>,
        %parallel_loop3A_466 = arith.constant 16 : i32
        %parallel_loop3A_467 = arith.muli %parallel_loop3A_447, %parallel_loop3A_466 : i32
        %parallel_loop3A_468 = arith.constant 768 : i32
        %parallel_loop3A_469 = arith.addi %parallel_loop3A_468, %parallel_loop3A_467 : i32
        %parallel_loop3A_470 = arith.index_cast %parallel_loop3A_469 : i32 to index
        %parallel_loop3A_471 = tpu.vector_load %arg9[%parallel_loop3A_470] {strides = array<i32>} : memref<4096xi32, #tpu.memory_space<vmem>>, vector<16xi32>,
        %parallel_loop3A_472 = arith.constant 16 : i32
        %parallel_loop3A_473 = arith.muli %parallel_loop3A_447, %parallel_loop3A_472 : i32
        %parallel_loop3A_474 = arith.constant 1024 : i32
        %parallel_loop3A_475 = arith.addi %parallel_loop3A_474, %parallel_loop3A_473 : i32
        %parallel_loop3A_476 = arith.index_cast %parallel_loop3A_475 : i32 to index
        %parallel_loop3A_477 = tpu.vector_load %arg9[%parallel_loop3A_476] {strides = array<i32>} : memref<4096xi32, #tpu.memory_space<vmem>>, vector<16xi32>,
        %parallel_loop3A_478 = arith.constant 16 : i32
        %parallel_loop3A_479 = arith.muli %parallel_loop3A_447, %parallel_loop3A_478 : i32
        %parallel_loop3A_480 = arith.constant 1280 : i32
        %parallel_loop3A_481 = arith.addi %parallel_loop3A_480, %parallel_loop3A_479 : i32
        %parallel_loop3A_482 = arith.index_cast %parallel_loop3A_481 : i32 to index
        %parallel_loop3A_483 = tpu.vector_load %arg9[%parallel_loop3A_482] {strides = array<i32>} : memref<4096xi32, #tpu.memory_space<vmem>>, vector<16xi32>,
        %parallel_loop3A_484 = arith.constant 16 : i32
        %parallel_loop3A_485 = arith.muli %parallel_loop3A_447, %parallel_loop3A_484 : i32
        %parallel_loop3A_486 = arith.constant 1536 : i32
        %parallel_loop3A_487 = arith.addi %parallel_loop3A_486, %parallel_loop3A_485 : i32
        %parallel_loop3A_488 = arith.index_cast %parallel_loop3A_487 : i32 to index
        %parallel_loop3A_489 = tpu.vector_load %arg9[%parallel_loop3A_488] {strides = array<i32>} : memref<4096xi32, #tpu.memory_space<vmem>>, vector<16xi32>,
        %parallel_loop3A_490 = arith.constant 16 : i32
        %parallel_loop3A_491 = arith.muli %parallel_loop3A_447, %parallel_loop3A_490 : i32
        %parallel_loop3A_492 = arith.constant 1792 : i32
        %parallel_loop3A_493 = arith.addi %parallel_loop3A_492, %parallel_loop3A_491 : i32
        %parallel_loop3A_494 = arith.index_cast %parallel_loop3A_493 : i32 to index
        %parallel_loop3A_495 = tpu.vector_load %arg9[%parallel_loop3A_494] {strides = array<i32>} : memref<4096xi32, #tpu.memory_space<vmem>>, vector<16xi32>,
        %parallel_loop3A_496 = arith.constant 16 : i32
        %parallel_loop3A_497 = arith.muli %parallel_loop3A_447, %parallel_loop3A_496 : i32
        %parallel_loop3A_498 = arith.constant 2048 : i32
        %parallel_loop3A_499 = arith.addi %parallel_loop3A_498, %parallel_loop3A_497 : i32
        %parallel_loop3A_500 = arith.index_cast %parallel_loop3A_499 : i32 to index
        %parallel_loop3A_501 = tpu.vector_load %arg9[%parallel_loop3A_500] {strides = array<i32>} : memref<4096xi32, #tpu.memory_space<vmem>>, vector<16xi32>,
        %parallel_loop3A_502 = arith.constant 16 : i32
        %parallel_loop3A_503 = arith.muli %parallel_loop3A_447, %parallel_loop3A_502 : i32
        %parallel_loop3A_504 = arith.constant 2304 : i32
        %parallel_loop3A_505 = arith.addi %parallel_loop3A_504, %parallel_loop3A_503 : i32
        %parallel_loop3A_506 = arith.index_cast %parallel_loop3A_505 : i32 to index
        %parallel_loop3A_507 = tpu.vector_load %arg9[%parallel_loop3A_506] {strides = array<i32>} : memref<4096xi32, #tpu.memory_space<vmem>>, vector<16xi32>,
        %parallel_loop3A_508 = arith.constant 16 : i32
        %parallel_loop3A_509 = arith.muli %parallel_loop3A_447, %parallel_loop3A_508 : i32
        %parallel_loop3A_510 = arith.constant 2560 : i32
        %parallel_loop3A_511 = arith.addi %parallel_loop3A_510, %parallel_loop3A_509 : i32
        %parallel_loop3A_512 = arith.index_cast %parallel_loop3A_511 : i32 to index
        %parallel_loop3A_513 = tpu.vector_load %arg9[%parallel_loop3A_512] {strides = array<i32>} : memref<4096xi32, #tpu.memory_space<vmem>>, vector<16xi32>,
        %parallel_loop3A_514 = arith.constant 16 : i32
        %parallel_loop3A_515 = arith.muli %parallel_loop3A_447, %parallel_loop3A_514 : i32
        %parallel_loop3A_516 = arith.constant 2816 : i32
        %parallel_loop3A_517 = arith.addi %parallel_loop3A_516, %parallel_loop3A_515 : i32
        %parallel_loop3A_518 = arith.index_cast %parallel_loop3A_517 : i32 to index
        %parallel_loop3A_519 = tpu.vector_load %arg9[%parallel_loop3A_518] {strides = array<i32>} : memref<4096xi32, #tpu.memory_space<vmem>>, vector<16xi32>,
        %parallel_loop3A_520 = arith.constant 16 : i32
        %parallel_loop3A_521 = arith.muli %parallel_loop3A_447, %parallel_loop3A_520 : i32
        %parallel_loop3A_522 = arith.constant 3072 : i32
        %parallel_loop3A_523 = arith.addi %parallel_loop3A_522, %parallel_loop3A_521 : i32
        %parallel_loop3A_524 = arith.index_cast %parallel_loop3A_523 : i32 to index
        %parallel_loop3A_525 = tpu.vector_load %arg9[%parallel_loop3A_524] {strides = array<i32>} : memref<4096xi32, #tpu.memory_space<vmem>>, vector<16xi32>,
        %parallel_loop3A_526 = arith.constant 16 : i32
        %parallel_loop3A_527 = arith.muli %parallel_loop3A_447, %parallel_loop3A_526 : i32
        %parallel_loop3A_528 = arith.constant 3328 : i32
        %parallel_loop3A_529 = arith.addi %parallel_loop3A_528, %parallel_loop3A_527 : i32
        %parallel_loop3A_530 = arith.index_cast %parallel_loop3A_529 : i32 to index
        %parallel_loop3A_531 = tpu.vector_load %arg9[%parallel_loop3A_530] {strides = array<i32>} : memref<4096xi32, #tpu.memory_space<vmem>>, vector<16xi32>,
        %parallel_loop3A_532 = arith.constant 16 : i32
        %parallel_loop3A_533 = arith.muli %parallel_loop3A_447, %parallel_loop3A_532 : i32
        %parallel_loop3A_534 = arith.constant 3584 : i32
        %parallel_loop3A_535 = arith.addi %parallel_loop3A_534, %parallel_loop3A_533 : i32
        %parallel_loop3A_536 = arith.index_cast %parallel_loop3A_535 : i32 to index
        %parallel_loop3A_537 = tpu.vector_load %arg9[%parallel_loop3A_536] {strides = array<i32>} : memref<4096xi32, #tpu.memory_space<vmem>>, vector<16xi32>,
        %parallel_loop3A_538 = arith.constant 16 : i32
        %parallel_loop3A_539 = arith.muli %parallel_loop3A_447, %parallel_loop3A_538 : i32
        %parallel_loop3A_540 = arith.constant 3840 : i32
        %parallel_loop3A_541 = arith.addi %parallel_loop3A_540, %parallel_loop3A_539 : i32
        %parallel_loop3A_542 = arith.index_cast %parallel_loop3A_541 : i32 to index
        %parallel_loop3A_543 = tpu.vector_load %arg9[%parallel_loop3A_542] {strides = array<i32>} : memref<4096xi32, #tpu.memory_space<vmem>>, vector<16xi32>,
        %parallel_loop3A_544 = arith.addi %parallel_loop3A_453, %parallel_loop3A_459 : vector<16xi32>
        %parallel_loop3A_545 = arith.addi %parallel_loop3A_465, %parallel_loop3A_471 : vector<16xi32>
        %parallel_loop3A_546 = arith.addi %parallel_loop3A_477, %parallel_loop3A_483 : vector<16xi32>
        %parallel_loop3A_547 = arith.addi %parallel_loop3A_489, %parallel_loop3A_495 : vector<16xi32>
        %parallel_loop3A_548 = arith.addi %parallel_loop3A_501, %parallel_loop3A_507 : vector<16xi32>
        %parallel_loop3A_549 = arith.addi %parallel_loop3A_513, %parallel_loop3A_519 : vector<16xi32>
        %parallel_loop3A_550 = arith.addi %parallel_loop3A_525, %parallel_loop3A_531 : vector<16xi32>
        %parallel_loop3A_551 = arith.addi %parallel_loop3A_537, %parallel_loop3A_543 : vector<16xi32>
        %parallel_loop3A_552 = arith.addi %parallel_loop3A_544, %parallel_loop3A_545 : vector<16xi32>
        %parallel_loop3A_553 = arith.addi %parallel_loop3A_546, %parallel_loop3A_547 : vector<16xi32>
        %parallel_loop3A_554 = arith.addi %parallel_loop3A_548, %parallel_loop3A_549 : vector<16xi32>
        %parallel_loop3A_555 = arith.addi %parallel_loop3A_550, %parallel_loop3A_551 : vector<16xi32>
        %parallel_loop3A_556 = arith.addi %parallel_loop3A_552, %parallel_loop3A_553 : vector<16xi32>
        %parallel_loop3A_557 = arith.addi %parallel_loop3A_554, %parallel_loop3A_555 : vector<16xi32>
        %parallel_loop3A_558 = arith.addi %parallel_loop3A_556, %parallel_loop3A_557 : vector<16xi32>
        %parallel_loop3A_559 = arith.constant 16 : i32
        %parallel_loop3A_560 = arith.muli %parallel_loop3A_447, %parallel_loop3A_559 : i32
        %parallel_loop3A_561 = arith.index_cast %parallel_loop3A_560 : i32 to index
        %parallel_loop3A_562 = tpu.vector_load %arg10[%parallel_loop3A_561] {strides = array<i32>} : memref<256xi32, #tpu.memory_space<vmem>>, vector<16xi32>,
        tpu.vector_store %arg10[%parallel_loop3A_561], %parallel_loop3A_558 {strides = array<i32>} : memref<256xi32, #tpu.memory_space<vmem>>, vector<16xi32>,
      } {sc.loop_unroll_factor = 2 : i64, sc.parallel_access}
      %broadcast_in_dim3A_367 = arith.constant 0 : i32
      %broadcast_in_dim3A_368 = vector.broadcast %broadcast_in_dim3A_367 : i32 to vector<16xi32>
      %sub3A_369 = arith.constant 1 : i32
      %sub3A_370 = vector.broadcast %sub3A_369 : i32 to vector<16xi32>
      %sub3A_371 = arith.subi %broadcast_in_dim3A_368, %sub3A_370 : vector<16xi32>
      %sub3A_372 = arith.constant 1 : i32
      %sub3A_373 = vector.broadcast %sub3A_372 : i32 to vector<16xi32>
      %sub3A_374 = arith.subi %broadcast_in_dim3A_368, %sub3A_373 : vector<16xi32>
      %scan3A_375 = arith.constant 0 : i32
      %scan3A_376 = arith.constant 16 : i32
      %scan3A_377 = arith.addi %scan3A_375, %scan3A_376 : i32
      %scan3A_378 = arith.constant 1 : i32
      %scan3A_379:3 = scf.for %scan3A_447 = %scan3A_375 to %scan3A_377 step %scan3A_378 iter_args(%scan3A_448 = %broadcast_in_dim3A_368, %scan3A_449 = %sub3A_371, %scan3A_450 = %sub3A_374) -> (vector<16xi32>, vector<16xi32>, vector<16xi32>)  : i32 {
        %sub3A_451 = arith.constant 15 : i32
        %sub3A_452 = arith.subi %sub3A_451, %scan3A_447 : i32
        %mul3A_453 = arith.constant 16 : i32
        %mul3A_454 = arith.muli %sub3A_452, %mul3A_453 : i32
        %get3A = arith.index_cast %mul3A_454 : i32 to index
        %get3A_455 = tpu.vector_load %arg10[%get3A] {strides = array<i32>} : memref<256xi32, #tpu.memory_space<vmem>>, vector<16xi32>,
        %rev3A = arith.constant 15 : i32
        %rev3A_456 = vector.broadcast %rev3A : i32 to vector<16xi32>
        %rev3A_457 = tpu.iota {dimensions = array<i32: 0>} : vector<16xi32>
        %rev3A_458 = arith.subi %rev3A_456, %rev3A_457 : vector<16xi32>
        %rev3A_459 = tpu.dynamic_gather %get3A_455[%rev3A_458] in [0] : vector<16xi32>, vector<16xi32> -> vector<16xi32>
        %broadcast_in_dim3A_460 = arith.constant true
        %broadcast_in_dim3A_461 = vector.broadcast %broadcast_in_dim3A_460 : i1 to vector<16xi1>
        %masked_cumsum3A = tpu.scan <sum>, %rev3A_459 masked %broadcast_in_dim3A_461 : vector<16xi32>, vector<16xi1> -> vector<16xi32>
        %sub3A_462 = arith.subi %masked_cumsum3A, %rev3A_459 : vector<16xi32>
        %rev3A_463 = arith.constant 15 : i32
        %rev3A_464 = vector.broadcast %rev3A_463 : i32 to vector<16xi32>
        %rev3A_465 = tpu.iota {dimensions = array<i32: 0>} : vector<16xi32>
        %rev3A_466 = arith.subi %rev3A_464, %rev3A_465 : vector<16xi32>
        %rev3A_467 = tpu.dynamic_gather %sub3A_462[%rev3A_466] in [0] : vector<16xi32>, vector<16xi32> -> vector<16xi32>
        %add3A_468 = arith.addi %rev3A_467, %scan3A_448 : vector<16xi32>
        %lt3A_469 = vector.broadcast %sub3A_330 : i32 to vector<16xi32>
        %lt3A_470 = arith.cmpi slt, %add3A_468, %lt3A_469 : vector<16xi32>
        %add3A_471 = arith.addi %add3A_468, %get3A_455 : vector<16xi32>
        %ge3A = vector.broadcast %sub3A_330 : i32 to vector<16xi32>
        %ge3A_472 = arith.cmpi sge, %add3A_471, %ge3A : vector<16xi32>
        %and3A_473 = arith.andi %lt3A_470, %ge3A_472 : vector<16xi1>
        %mul3A_474 = arith.constant 16 : i32
        %mul3A_475 = arith.muli %sub3A_452, %mul3A_474 : i32
        %add3A_476 = vector.broadcast %mul3A_475 : i32 to vector<16xi32>
        %add3A_477 = arith.addi %add3A_476, %iota3A : vector<16xi32>
        %jit3A_478 = arith.constant -1 : i32
        %broadcast_in_dim3A_479 = vector.broadcast %jit3A_478 : i32 to vector<16xi32>
        %select_n3A_480 = arith.select %and3A_473, %add3A_477, %broadcast_in_dim3A_479 : vector<16xi1>, vector<16xi32>
        %max3A = arith.maxsi %scan3A_449, %select_n3A_480 : vector<16xi32>
        %jit3A_481 = arith.constant -1 : i32
        %broadcast_in_dim3A_482 = vector.broadcast %jit3A_481 : i32 to vector<16xi32>
        %select_n3A_483 = arith.select %and3A_473, %add3A_468, %broadcast_in_dim3A_482 : vector<16xi1>, vector<16xi32>
        %max3A_484 = arith.maxsi %scan3A_450, %select_n3A_483 : vector<16xi32>
        %slice3A_485 = vector.extract_strided_slice %masked_cumsum3A {offsets = [15], sizes = [1], strides = [1]} : vector<16xi32> to vector<1xi32>
        %squeeze3A_486 = vector.extract %slice3A_485[0] : i32 from vector<1xi32>
        %add3A_487 = vector.broadcast %squeeze3A_486 : i32 to vector<16xi32>
        %add3A_488 = arith.addi %scan3A_448, %add3A_487 : vector<16xi32>
        scf.yield %add3A_488, %max3A, %max3A_484 : vector<16xi32>, vector<16xi32>, vector<16xi32>
      }
      %scan3A_380 = arith.constant 16 : i32
      %reduce_max3A_381 = arith.constant true
      %reduce_max3A_382 = vector.broadcast %reduce_max3A_381 : i1 to vector<16xi1>
      %reduce_max3A_383 = arith.constant -2147483648 : i32
      %reduce_max3A_384 = vector.broadcast %reduce_max3A_383 : i32 to vector<16xi32>
      %reduce_max3A_385 = arith.xori %scan3A_379#1, %reduce_max3A_384 : vector<16xi32>
      %reduce_max3A_386 = tpu.scan <max>, %reduce_max3A_385 masked %reduce_max3A_382 : vector<16xi32>, vector<16xi1> -> vector<16xi32>
      %reduce_max3A_387 = arith.xori %reduce_max3A_386, %reduce_max3A_384 : vector<16xi32>
      %reduce_max3A_388 = vector.extract %reduce_max3A_387[15] : i32 from vector<16xi32>
      %reduce_max3A_389 = arith.constant true
      %reduce_max3A_390 = vector.broadcast %reduce_max3A_389 : i1 to vector<16xi1>
      %reduce_max3A_391 = arith.constant -2147483648 : i32
      %reduce_max3A_392 = vector.broadcast %reduce_max3A_391 : i32 to vector<16xi32>
      %reduce_max3A_393 = arith.xori %scan3A_379#2, %reduce_max3A_392 : vector<16xi32>
      %reduce_max3A_394 = tpu.scan <max>, %reduce_max3A_393 masked %reduce_max3A_390 : vector<16xi32>, vector<16xi1> -> vector<16xi32>
      %reduce_max3A_395 = arith.xori %reduce_max3A_394, %reduce_max3A_392 : vector<16xi32>
      %reduce_max3A_396 = vector.extract %reduce_max3A_395[15] : i32 from vector<16xi32>
      %broadcast_in_dim3A_397 = arith.constant 0 : i32
      %broadcast_in_dim3A_398 = vector.broadcast %broadcast_in_dim3A_397 : i32 to vector<16xi32>
      %parallel_loop3A_399 = arith.constant 0 : i32
      %parallel_loop3A_400 = arith.constant 1 : i32
      %parallel_loop3A_401:2 = scf.for %parallel_loop3A_447 = %parallel_loop3A_399 to %select_n3A_358 step %parallel_loop3A_400 iter_args(%parallel_loop3A_448 = %parallel_loop3A_327#0, %parallel_loop3A_449 = %broadcast_in_dim3A_398) -> (vector<16xf32>, vector<16xi32>)  : i32 {
        %parallel_loop3A_450 = arith.constant 16 : i32
        %parallel_loop3A_451 = arith.muli %parallel_loop3A_447, %parallel_loop3A_450 : i32
        %parallel_loop3A_452 = arith.index_cast %parallel_loop3A_451 : i32 to index
        %parallel_loop3A_453 = tpu.vector_load %arg11[%parallel_loop3A_452] {strides = array<i32>} : memref<32784xi32, #tpu.memory_space<vmem>>, vector<16xi32>,
        %parallel_loop3A_454 = arith.constant 16 : i32
        %parallel_loop3A_455 = arith.muli %parallel_loop3A_447, %parallel_loop3A_454 : i32
        %parallel_loop3A_456 = arith.index_cast %parallel_loop3A_455 : i32 to index
        %parallel_loop3A_457 = tpu.vector_load %arg12[%parallel_loop3A_456] {strides = array<i32>} : memref<32784xf32, #tpu.memory_space<vmem>>, vector<16xf32>,
        %parallel_loop3A_458 = arith.constant 16 : i32
        %parallel_loop3A_459 = arith.muli %parallel_loop3A_447, %parallel_loop3A_458 : i32
        %parallel_loop3A_460 = vector.broadcast %parallel_loop3A_459 : i32 to vector<16xi32>
        %parallel_loop3A_461 = arith.addi %parallel_loop3A_460, %iota3A : vector<16xi32>
        %parallel_loop3A_462 = vector.broadcast %squeeze3A_329 : i32 to vector<16xi32>
        %parallel_loop3A_463 = arith.cmpi slt, %parallel_loop3A_461, %parallel_loop3A_462 : vector<16xi32>
        %parallel_loop3A_464 = arith.constant 0 : i32
        %parallel_loop3A_465 = vector.broadcast %parallel_loop3A_464 : i32 to vector<16xi32>
        %parallel_loop3A_466 = arith.shrui %parallel_loop3A_453, %parallel_loop3A_465 : vector<16xi32>
        %parallel_loop3A_467 = arith.constant 255 : i32
        %parallel_loop3A_468 = vector.broadcast %parallel_loop3A_467 : i32 to vector<16xi32>
        %parallel_loop3A_469 = arith.andi %parallel_loop3A_466, %parallel_loop3A_468 : vector<16xi32>
        %parallel_loop3A_470 = vector.broadcast %reduce_max3A_388 : i32 to vector<16xi32>
        %parallel_loop3A_471 = arith.cmpi sgt, %parallel_loop3A_469, %parallel_loop3A_470 : vector<16xi32>
        %parallel_loop3A_472 = arith.andi %parallel_loop3A_463, %parallel_loop3A_471 : vector<16xi1>
        %parallel_loop3A_473 = arith.constant 0.000000e+00 : f32
        %parallel_loop3A_474 = vector.broadcast %parallel_loop3A_473 : f32 to vector<16xf32>
        %parallel_loop3A_475 = arith.select %parallel_loop3A_472, %parallel_loop3A_457, %parallel_loop3A_474 : vector<16xi1>, vector<16xf32>
        %parallel_loop3A_476 = arith.addf %parallel_loop3A_448, %parallel_loop3A_475 : vector<16xf32>
        %parallel_loop3A_477 = vector.broadcast %reduce_max3A_388 : i32 to vector<16xi32>
        %parallel_loop3A_478 = arith.cmpi eq, %parallel_loop3A_469, %parallel_loop3A_477 : vector<16xi32>
        %parallel_loop3A_479 = arith.andi %parallel_loop3A_463, %parallel_loop3A_478 : vector<16xi1>
        %parallel_loop3A_480 = tpu.scan <sum>, %broadcast_in_dim3A_4 masked %parallel_loop3A_479 : vector<16xi32>, vector<16xi1> -> vector<16xi32>
        %parallel_loop3A_481 = arith.addi %parallel_loop3A_449, %parallel_loop3A_480 : vector<16xi32>
        %parallel_loop3A_482 = arith.constant 1 : i32
        %parallel_loop3A_483 = vector.broadcast %parallel_loop3A_482 : i32 to vector<16xi32>
        %parallel_loop3A_484 = arith.subi %parallel_loop3A_481, %parallel_loop3A_483 : vector<16xi32>
        %parallel_loop3A_485 = arith.constant 0 : i32
        %parallel_loop3A_486 = vector.broadcast %parallel_loop3A_485 : i32 to vector<16xi32>
        %parallel_loop3A_487 = arith.maxsi %parallel_loop3A_484, %parallel_loop3A_486 : vector<16xi32>
        tpu.vector_store_idx %arg11[%parallel_loop3A_487], %parallel_loop3A_453 masked %parallel_loop3A_479 : memref<32784xi32, #tpu.memory_space<vmem>>[vector<16xi32>], vector<16xi32>, vector<16xi1>
        tpu.vector_store_idx %arg12[%parallel_loop3A_487], %parallel_loop3A_457 masked %parallel_loop3A_479 : memref<32784xf32, #tpu.memory_space<vmem>>[vector<16xi32>], vector<16xf32>, vector<16xi1>
        %parallel_loop3A_488 = tpu.all_reduce %parallel_loop3A_479 {dim = 0 : i64, kind = #tpu.reduction_kind<sum>} : vector<16xi1> -> vector<16xi32>
        %parallel_loop3A_489 = arith.addi %parallel_loop3A_449, %parallel_loop3A_488 : vector<16xi32>
        scf.yield %parallel_loop3A_476, %parallel_loop3A_489 : vector<16xf32>, vector<16xi32>
      } {sc.loop_unroll_factor = 1 : i64, sc.parallel_access}
      %slice3A_402 = vector.extract_strided_slice %parallel_loop3A_401#1 {offsets = [0], sizes = [1], strides = [1]} : vector<16xi32> to vector<1xi32>
      %squeeze3A_403 = vector.extract %slice3A_402[0] : i32 from vector<1xi32>
      %sub3A_404 = arith.subi %sub3A_330, %reduce_max3A_396 : i32
      %add3A_405 = arith.constant 16 : i32
      %add3A_406 = arith.addi %sub3A_404, %add3A_405 : i32
      %sub3A_407 = arith.constant 1 : i32
      %sub3A_408 = arith.subi %add3A_406, %sub3A_407 : i32
      %jit3A_409 = arith.constant 16 : i32
      %div3A_410 = arith.divsi %sub3A_408, %jit3A_409 : i32
      %sign3A_411 = arith.constant 0 : i32
      %sign3A_412 = arith.cmpi sgt, %sub3A_408, %sign3A_411 : i32
      %sign3A_413 = arith.extui %sign3A_412 : i1 to i32
      %sign3A_414 = arith.constant 0 : i32
      %sign3A_415 = arith.cmpi slt, %sub3A_408, %sign3A_414 : i32
      %sign3A_416 = arith.extui %sign3A_415 : i1 to i32
      %sign3A_417 = arith.subi %sign3A_413, %sign3A_416 : i32
      %sign3A_418 = arith.constant 0 : i32
      %sign3A_419 = arith.cmpi sgt, %jit3A_409, %sign3A_418 : i32
      %sign3A_420 = arith.extui %sign3A_419 : i1 to i32
      %sign3A_421 = arith.constant 0 : i32
      %sign3A_422 = arith.cmpi slt, %jit3A_409, %sign3A_421 : i32
      %sign3A_423 = arith.extui %sign3A_422 : i1 to i32
      %sign3A_424 = arith.subi %sign3A_420, %sign3A_423 : i32
      %ne3A_425 = arith.cmpi ne, %sign3A_417, %sign3A_424 : i32
      %rem3A_426 = arith.remsi %sub3A_408, %jit3A_409 : i32
      %ne3A_427 = arith.constant 0 : i32
      %ne3A_428 = arith.cmpi ne, %rem3A_426, %ne3A_427 : i32
      %and3A_429 = arith.andi %ne3A_425, %ne3A_428 : i1
      %sub3A_430 = arith.constant 1 : i32
      %sub3A_431 = arith.subi %div3A_410, %sub3A_430 : i32
      %select_n3A_432 = arith.select %and3A_429, %sub3A_431, %div3A_410 : i32
      %while3A = arith.constant 0 : i32
      %while3A_433 = arith.subi %select_n3A_432, %while3A : i32
      %while3A_434 = arith.addi %while3A, %while3A_433 : i32
      %while3A_435 = arith.constant 1 : i32
      %while3A_436 = arith.divsi %while3A_433, %while3A_435 : i32
      %while3A_437 = arith.muli %while3A_436, %while3A_435 : i32
      %while3A_438 = arith.addi %while3A, %while3A_437 : i32
      %while3A_439 = arith.constant 1 : i32
      %while3A_440 = scf.for %while3A_447 = %while3A to %while3A_438 step %while3A_439 iter_args(%while3A_448 = %parallel_loop3A_401#0) -> (vector<16xf32>)  : i32 {
        %mul3A_449 = arith.constant 16 : i32
        %mul3A_450 = arith.muli %while3A_447, %mul3A_449 : i32
        %get3A = arith.index_cast %mul3A_450 : i32 to index
        %get3A_451 = tpu.vector_load %arg12[%get3A] {strides = array<i32>} : memref<32784xf32, #tpu.memory_space<vmem>>, vector<16xf32>,
        %mul3A_452 = arith.constant 16 : i32
        %mul3A_453 = arith.muli %while3A_447, %mul3A_452 : i32
        %add3A_454 = vector.broadcast %mul3A_453 : i32 to vector<16xi32>
        %add3A_455 = arith.addi %add3A_454, %iota3A : vector<16xi32>
        %lt3A_456 = vector.broadcast %sub3A_404 : i32 to vector<16xi32>
        %lt3A_457 = arith.cmpi slt, %add3A_455, %lt3A_456 : vector<16xi32>
        %jit3A_458 = arith.constant 0.000000e+00 : f32
        %broadcast_in_dim3A_459 = vector.broadcast %jit3A_458 : f32 to vector<16xf32>
        %select_n3A_460 = arith.select %lt3A_457, %get3A_451, %broadcast_in_dim3A_459 : vector<16xi1>, vector<16xf32>
        %add3A_461 = arith.addf %while3A_448, %select_n3A_460 : vector<16xf32>
        scf.yield %add3A_461 : vector<16xf32>
      }
      %while3A_441 = arith.constant 1 : i32
      %while3A_442 = scf.for %while3A_447 = %while3A_438 to %while3A_434 step %while3A_441 iter_args(%while3A_448 = %while3A_440) -> (vector<16xf32>)  : i32 {
        %mul3A_449 = arith.constant 16 : i32
        %mul3A_450 = arith.muli %while3A_447, %mul3A_449 : i32
        %get3A = arith.index_cast %mul3A_450 : i32 to index
        %get3A_451 = tpu.vector_load %arg12[%get3A] {strides = array<i32>} : memref<32784xf32, #tpu.memory_space<vmem>>, vector<16xf32>,
        %mul3A_452 = arith.constant 16 : i32
        %mul3A_453 = arith.muli %while3A_447, %mul3A_452 : i32
        %add3A_454 = vector.broadcast %mul3A_453 : i32 to vector<16xi32>
        %add3A_455 = arith.addi %add3A_454, %iota3A : vector<16xi32>
        %lt3A_456 = vector.broadcast %sub3A_404 : i32 to vector<16xi32>
        %lt3A_457 = arith.cmpi slt, %add3A_455, %lt3A_456 : vector<16xi32>
        %jit3A_458 = arith.constant 0.000000e+00 : f32
        %broadcast_in_dim3A_459 = vector.broadcast %jit3A_458 : f32 to vector<16xf32>
        %select_n3A_460 = arith.select %lt3A_457, %get3A_451, %broadcast_in_dim3A_459 : vector<16xi1>, vector<16xf32>
        %add3A_461 = arith.addf %while3A_448, %select_n3A_460 : vector<16xf32>
        scf.yield %add3A_461 : vector<16xf32>
      }
      %reduce_sum3A = arith.constant true
      %reduce_sum3A_443 = vector.broadcast %reduce_sum3A : i1 to vector<16xi1>
      %reduce_sum3A_444 = tpu.scan <sum>, %while3A_442 masked %reduce_sum3A_443 : vector<16xf32>, vector<16xi1> -> vector<16xf32>
      %reduce_sum3A_445 = vector.extract %reduce_sum3A_444[15] : f32 from vector<16xf32>
      %add3A_446 = arith.addf %scan3A_46, %reduce_sum3A_445 : f32
      scf.yield %add3A_446 : f32
    }
    %scan3A_37 = arith.constant 4 : i32
    %eq3A = arith.constant 0 : i32
    %eq3A_38 = vector.broadcast %eq3A : i32 to vector<16xi32>
    %eq3A_39 = arith.cmpi eq, %iota3A, %eq3A_38 : vector<16xi32>
    %mul3A_40 = arith.constant 3.05175781E-5 : f32
    %mul3A_41 = arith.mulf %scan3A_36, %mul3A_40 : f32
    %jit3A = arith.constant 0.000000e+00 : f32
    %broadcast_in_dim3A_42 = vector.broadcast %mul3A_41 : f32 to vector<16xf32>
    %broadcast_in_dim3A_43 = vector.broadcast %jit3A : f32 to vector<16xf32>
    %select_n3A = arith.select %eq3A_39, %broadcast_in_dim3A_42, %broadcast_in_dim3A_43 : vector<16xi1>, vector<16xf32>
    %swap3A = arith.constant 0 : index
    %swap3A_44 = tpu.vector_load %arg13[%swap3A] {strides = array<i32>} : memref<16xf32, #tpu.memory_space<vmem>>, vector<16xf32>,
    tpu.vector_store %arg13[%swap3A], %select_n3A {strides = array<i32>} : memref<16xf32, #tpu.memory_space<vmem>>, vector<16xf32>,
    "tpu.region"() ({
      %run_scoped3A = tpu.sem_alloc : memref<!tpu.dma_semaphore, #tpu.memory_space<semaphore_mem>>
      %dma_start3A_45 = arith.constant 0 : i32
      %dma_start3A_46 = tpu.memref_slice %arg4[%add3A, %dma_start3A_45] : memref<32x16xf32, #tpu.memory_space<hbm>> -> memref<1x16xf32, #tpu.memory_space<hbm>>
      %dma_start3A_47 = tpu.memref_squeeze %dma_start3A_46 : memref<1x16xf32, #tpu.memory_space<hbm>> -> memref<16xf32, #tpu.memory_space<hbm>>
      %dma_start3A_48 = arith.constant 0 : i32
      %dma_start3A_49 = tpu.memref_slice %arg4[%add3A, %dma_start3A_48] : memref<32x16xf32, #tpu.memory_space<hbm>> -> memref<1x16xf32, #tpu.memory_space<hbm>>
      %dma_start3A_50 = tpu.memref_squeeze %dma_start3A_49 : memref<1x16xf32, #tpu.memory_space<hbm>> -> memref<16xf32, #tpu.memory_space<hbm>>
      tpu.enqueue_dma source(%arg13 : memref<16xf32, #tpu.memory_space<vmem>>) target(%dma_start3A_50 : memref<16xf32, #tpu.memory_space<hbm>>) target_semaphore(%run_scoped3A : memref<!tpu.dma_semaphore, #tpu.memory_space<semaphore_mem>>)
      %dma_wait3A = arith.constant 0 : i32
      %dma_wait3A_51 = tpu.memref_slice %arg4[%add3A, %dma_wait3A] : memref<32x16xf32, #tpu.memory_space<hbm>> -> memref<1x16xf32, #tpu.memory_space<hbm>>
      %dma_wait3A_52 = tpu.memref_squeeze %dma_wait3A_51 : memref<1x16xf32, #tpu.memory_space<hbm>> -> memref<16xf32, #tpu.memory_space<hbm>>
      %dma_wait3A_53 = arith.constant 0 : i32
      %dma_wait3A_54 = tpu.memref_slice %arg4[%add3A, %dma_wait3A_53] : memref<32x16xf32, #tpu.memory_space<hbm>> -> memref<1x16xf32, #tpu.memory_space<hbm>>
      %dma_wait3A_55 = tpu.memref_squeeze %dma_wait3A_54 : memref<1x16xf32, #tpu.memory_space<hbm>> -> memref<16xf32, #tpu.memory_space<hbm>>
      tpu.wait_dma2 semaphore(%run_scoped3A : memref<!tpu.dma_semaphore, #tpu.memory_space<semaphore_mem>>) src(%arg13 : memref<16xf32, #tpu.memory_space<vmem>>) dst(%dma_wait3A_55 : memref<16xf32, #tpu.memory_space<hbm>>)
      tpu.yield
    }) : () -> ()
    return
  }
}

</mosaic_0001>

<sc_bundles>
// kernel: _topk_mse.3.cloned.1.call-start
scs
__scs_entry_jumppad:
0x0: {  	(pc) =	sbr.rel $0x88, $3  }
0x1: {  	(tag) =	ssettag $0x0;
	lr =	simm.s32 $0x1  }
0x2: {  	[smem:$0x3F9F] =	sst lr;
	_ =	strace $0xD0000000  }
0x3: {  	_ = 	snop  }
0x4: {  	_ = 	snop  }
0x5: {  	_ = 	snop  }
0x6: {  	_ = 	snop  }
0x7: {  	_ = 	snop  }
__scs_overlays_trampoline_lowered:
0x8: {  	[smem:$0x3FAE] =	sst s0  }
0x9: {  	[smem:$0x3FAF] =	sst s1  }
0xa: {  	[smem:$0x3FB0] =	sst s2  }
0xb: {  	[smem:$0x3FB1] =	sst s3  }
0xc: {  	[smem:$0x3FB2] =	sst s4  }
0xd: {  	[smem:$0x3FB3] =	sst s5  }
0xe: {  	[smem:$0x3FB4] =	sst s6  }
0xf: {  	[smem:$0x3FB5] =	sst s7  }
0x10: {  	[smem:$0x3FB6] =	sst s8  }
0x11: {  	[smem:$0x3FB7] =	sst s9;
	s0 =	simm.s32 @!p0 $0x0  }
0x12: {  	s1 =	sld [smem:$0x3F9D];
	s0 =	simm.s32 @p0 $0x1  }
0x13: {  	[smem:$0x3FB8] =	sst s0;
	s0 =	simm.s32 @!p1 $0x0  }
0x14: {  	s2 =	sld [smem:$0x3F9C];
	s0 =	simm.s32 @p1 $0x1  }
0x15: {  	[smem:$0x3FB9] =	sst s0;
	s0 =	simm.s32 @!p2 $0x0  }
0x16: {  	s3 =	sld [smem:$0x3FDB];
	s0 =	simm.s32 @p2 $0x1  }
0x17: {  	s4 =	simm.s32 $0x1BF5;
	[smem:$0x3FBB] =	sst s0  }
0x18: {  	s0 =	sld [smem:$0x3F9E];
	_ =	swait.ge [sflag:s4], $0x0  }
0x19: {  	s7 =	sld [smem:$0x3F9F]  }
0x1a: {  	s8 =	sadd.s32 $0xFFFFE003, lr  }
0x1b: {  	s9 =	sadd.s32 $0xFFFFFEF7, lr;
	s5 =	simm.s32 $0xFFFFFFFF;
	p2 =	slt.u32 s8, $0xFFFFF086  }
0x1c: {  	p1 =	slt.u32 s9, $0xF7A;
	s5 =	simm.s32 @!p2 $0x0  }
0x1d: {  	s5 =	simm.s32 @p1 $0x1;
	p0 =	seq.s32 s7, s2  }
0x1e: {  	s7 =	smul.u32 @!p0 $0xF7A, s2;
	p2 =	seq.s32 @!p0 s5, $0x0  }
0x1f: {  	s9 =	smul.u32 $0xF7A, s1;
	s8 =	simm.s32 @!p0 $0x1BF5;
	p2 =	por !p2, p0  }
0x20: {  	[sflag:s8] =	ssyncset.s32 @!p0 $0xFFFFF086;
	s6 =	sadd.s32 @!p0 s3, s7;
	s7 =	simm.s32 @!p0 $0x108  }
0x21: {  	s3 =	sadd.s32 s3, s9;
	s6 =	sadd.s32 @!p0 $0x88, s6;
	s7 =	simm.s32 @p2 $0x1082  }
0x22: {  	[simem:s7], [sflag:s8] =	dma.local @!p0 [hbm:s6], $0xF7A  }
0x23: {  	s9 =	sor.u32 $0xD0000000, s2;
	s6 =	simm.s32 $0x108;
	_ =	swait.ge @!p0 [sflag:s8], $0x0  }
0x24: {  	s3 =	sadd.s32 $0x88, s3;
	s6 =	simm.s32 @!p1 $0x1082;
	[sflag:s4] =	ssyncset.s32 $0xFFFFF086  }
0x25: {  	[simem:s6], [sflag:s4] =	dma.local [hbm:s3], $0xF7A  }
0x26: {  	[smem:$0x3F9F] =	sst s1;
	(tag) =	ssettag s2;
	_ =	strace s9  }
0x27: {  	s1 =	sld [smem:$0x3FAF]  }
0x28: {  	s2 =	sld [smem:$0x3FB0]  }
0x29: {  	s4 =	sld [smem:$0x3FB2]  }
0x2a: {  	p0 =	seq.s32 s5, $0x0;
	s5 =	sld [smem:$0x3FB3]  }
0x2b: {  	s6 =	sld [smem:$0x3FB4]  }
0x2c: {  	s7 =	sld [smem:$0x3FB5]  }
0x2d: {  	s3 =	simm.s32 $0x108;
	s8 =	sld [smem:$0x3FB6]  }
0x2e: {  	s3 =	simm.s32 @!p0 $0x1082;
	s9 =	sld [smem:$0x3FB7]  }
0x2f: {  	lr =	sadd.s32 s0, s3;
	s0 =	sld [smem:$0x3FAE]  }
0x30: {  	s3 =	sld [smem:$0x3FB1]  }
0x31: {  	[smem:$0x3FBA] =	sst s10  }
0x32: {  	s10 =	sld [smem:$0x3FB8];
	_ =	sdelay $0x3  }
0x33: {  	p0 =	seq.s32 s10, $0x1;
	s10 =	sld [smem:$0x3FBA];
	_ =	sdelay $0x3  }
0x34: {  	[smem:$0x3FBA] =	sst s10  }
0x35: {  	s10 =	sld [smem:$0x3FB9];
	_ =	sdelay $0x3  }
0x36: {  	p1 =	seq.s32 s10, $0x1;
	s10 =	sld [smem:$0x3FBA];
	_ =	sdelay $0x3  }
0x37: {  	[smem:$0x3FBA] =	sst s10  }
0x38: {  	s10 =	sld [smem:$0x3FBB]  }
0x39: {  	_ = 	snop;
	(pc) =	sbr.ind lr, $3  }
0x3a: {  	_ = 	snop  }
0x3b: {  	_ = 	snop  }
0x3c: {  	p2 =	seq.s32 s10, $0x1;
	s10 =	sld [smem:$0x3FBA]  }
0x3d: {  	_ =	shalt  }
0x3e: {  	_ =	shalt  }
0x3f: {  	_ =	shalt  }
0x40: {  	_ =	shalt  }
0x41: {  	_ =	shalt  }
0x42: {  	_ =	shalt  }
0x43: {  	_ =	shalt  }
0x44: {  	_ =	shalt  }
0x45: {  	_ =	shalt  }
0x46: {  	_ =	shalt  }
0x47: {  	_ =	shalt  }
0x48: {  	_ =	shalt  }
0x49: {  	_ =	shalt  }
0x4a: {  	_ =	shalt  }
0x4b: {  	_ =	shalt  }
0x4c: {  	_ =	shalt  }
0x4d: {  	_ =	shalt  }
0x4e: {  	_ =	shalt  }
0x4f: {  	_ =	shalt  }
0x50: {  	_ =	shalt  }
0x51: {  	_ =	shalt  }
0x52: {  	_ =	shalt  }
0x53: {  	_ =	shalt  }
0x54: {  	_ =	shalt  }
0x55: {  	_ =	shalt  }
0x56: {  	_ =	shalt  }
0x57: {  	_ =	shalt  }
0x58: {  	_ =	shalt  }
0x59: {  	_ =	shalt  }
0x5a: {  	_ =	shalt  }
0x5b: {  	_ =	shalt  }
0x5c: {  	_ =	shalt  }
0x5d: {  	_ =	shalt  }
0x5e: {  	_ =	shalt  }
0x5f: {  	_ =	shalt  }
0x60: {  	_ =	shalt  }
0x61: {  	_ =	shalt  }
0x62: {  	_ =	shalt  }
0x63: {  	_ =	shalt  }
0x64: {  	_ =	shalt  }
0x65: {  	_ =	shalt  }
0x66: {  	_ =	shalt  }
0x67: {  	_ =	shalt  }
0x68: {  	_ =	shalt  }
0x69: {  	_ =	shalt  }
0x6a: {  	_ =	shalt  }
0x6b: {  	_ =	shalt  }
0x6c: {  	_ =	shalt  }
0x6d: {  	_ =	shalt  }
0x6e: {  	_ =	shalt  }
0x6f: {  	_ =	shalt  }
0x70: {  	_ =	shalt  }
0x71: {  	_ =	shalt  }
0x72: {  	_ =	shalt  }
0x73: {  	_ =	shalt  }
0x74: {  	_ =	shalt  }
0x75: {  	_ =	shalt  }
0x76: {  	_ =	shalt  }
0x77: {  	_ =	shalt  }
0x78: {  	_ =	shalt  }
0x79: {  	_ =	shalt  }
0x7a: {  	_ =	shalt  }
0x7b: {  	_ =	shalt  }
0x7c: {  	_ =	shalt  }
0x7d: {  	_ =	shalt  }
0x7e: {  	_ =	shalt  }
0x7f: {  	_ =	shalt  }
0x80: {  	_ =	shalt  }
0x81: {  	_ =	shalt  }
0x82: {  	_ =	shalt  }
0x83: {  	_ =	shalt  }
0x84: {  	_ =	shalt  }
0x85: {  	_ =	shalt  }
0x86: {  	_ =	shalt  }
0x87: {  	_ =	shalt  }
.Lfunc_end0:
.L_simem_size_0:
called_computation_lowered:
.L_overlay_start_0:
0x88: {  	s2 =	sld [smem:$0x3FD9]  }
0x89: {  	s3 =	sld [smem:$0x3FFE];
	_ =	sdelay $0x1  }
0x8a: {  	s1 =	srdreg.scid  }
0x8b: {  	s0 =	sand.u32 $0x1, s1  }
0x8c: {  	s17 =	sshll.u32 s0, $0xA;
	s2 =	sadd.s32 s3, s2  }
0x8d: {  	s2 =	sadd.s32 s2, s17  }
0x8e: {  	[smem:$0x3FC6] =	sst s2  }
0x8f: {  	_ = 	snop  }
0x90: {  	s2 =	sld [smem:$0x3FC9]  }
0x91: {  	s18 =	sld [smem:$0x3FC8];
	(tm) =	ssettm $0x1  }
0x92: {  	s4 =	sld [smem:$0x3FFB];
	_ =	sdelay $0x3  }
0x93: {  	_ =	strace s4  }
0x94: {  	s4 =	sld [smem:$0x3FFC];
	_ =	sdelay $0x3  }
0x95: {  	_ =	strace s4  }
0x96: {  	s4 =	sld [smem:$0x3FFD];
	_ =	sdelay $0x3  }
0x97: {  	_ =	strace s4  }
0x98: {  	_ =	strace $0x8FFFFFFF  }
0x99: {  	s19 =	sld [smem:$0x3FDB];
	_ =	sdelay $0x1  }
0x9a: {  	s5 =	simm.s32 $_scs_section_size  }
0x9b: {  	s6 =	simm.s32 $_size__tile_overlayer_lowered;
	s7 =	simm.s32 $_tile_overlayer_lowered  }
0x9c: {  	s22 =	simm.s32 $0x1BFF;
	s21 =	sshll.u32 s7, $0x1;
	s4 =	sadd.s32 s5, s19  }
0x9d: {  	s8 =	simm.s32 $0x0;
	s20 =	sshll.u32 s6, $0x1;
	s6 =	sadd.s32 s21, s4  }
0x9e: {  	[timem:s8], [sflag:s22] =	dma.local [hbm:s6], s20  }
0x9f: {  	_ =	swait.ge [sflag:s22], s20  }
0xa0: {  	s5 =	ssub.s32 $0x0, s20;
	[sflag:s22] =	ssyncset.done $0x0  }
0xa1: {  	[sflag:s22] =	ssyncadd.s32 s5;
	_ =	sdelay $0x1  }
0xa2: {  	s23 =	simm.s32 $0x1B8B  }
0xa3: {  	_ =	swait.ge [sflag:s23], $0x1  }
0xa4: {  	[sflag:s23] =	ssyncset.done $0x0  }
0xa5: {  	s25 =	simm.s32 $0x1B8E;
	s24 =	sld [smem:$0x3FFE];
	[sflag:s23] =	ssyncadd.s32 $0xFFFFFFFF  }
0xa6: {  	s26 =	simm.s32 $execute0_lowered;
	[smem:$0x3FD2] =	sst s25  }
0xa7: {  	s6 =	sshll.u32 s26, $0x1;
	_ =	strace $0x80000046;
	[dreg:$0x1] =	wrdreg $0xFFFFFFFF  }
0xa8: {  	s28 =	simm.s32 $_size_execute0_lowered;
	s4 =	sadd.s32 s4, s6;
	[dreg:$0x0] =	wrdreg $0x0  }
0xa9: {  	s6 =	sshll.u32 s28, $0x1;
	[dreg:$0x2] =	wrdreg s4  }
0xaa: {  	[dreg:$0x3] =	wrdreg s6  }
0xab: {  	[dreg:$0x4] =	wrdreg $0xC0  }
0xac: {  	_ =	task [dreg:s8], $0x5FFFF  }
0xad: {  	[dreg:$0x1] =	wrdreg $0xFFFFFFFF  }
0xae: {  	[dreg:$0x0] =	wrdreg $0x60  }
0xaf: {  	[dreg:$0x2] =	wrdreg s2  }
0xb0: {  	[dreg:$0x3] =	wrdreg s18  }
0xb1: {  	[dreg:$0x4] =	wrdreg s24  }
0xb2: {  	[dreg:$0x5] =	wrdreg $0x9  }
0xb3: {  	_ =	task.clear_ibuf [dreg:s8], $0x6FFFF;
	_ =	strace $0x90000046  }
0xb4: {  	s29 =	simm.s32 $0x9;
	_ =	strace $0x80000048  }
0xb5: {  	_ =	swait.ge [sflag:s29], $0x1  }
0xb6: {  	[sflag:s29] =	ssyncadd.s32 $0xFFFFFFFF  }
0xb7: {  	_ =	strace $0x90000048  }
0xb8: {  	_ =	sfence  }
0xb9: {  	s30 =	sld [smem:$0x0];
	_ =	sdelay $0x2  }
0xba: {  	s31 =	sshll.u32 s1, $0xD;
	s1 =	sshrl.u32 s1, $0x2  }
0xbb: {  	s3 =	sand.u32 $0x4000, s31;
	s1 =	sadd.s32 s1, s30  }
0xbc: {  	s0 =	sor.u32 s3, s0;
	s1 =	sshll.u32 s1, $0x11  }
0xbd: {  	s0 =	sor.u32 s1, s0  }
0xbe: {  	s0 =	sadd.s32 $0x8F2B, s0  }
0xbf: {  	[sflag:s0] =	ssyncadd.remote.s32 $0x1  }
0xc0: {  	_ =	sfence.sel $0xFFFF  }
0xc1: {  	[dreg:$0x0] =	wrdreg $0xFFFFFFFF;
	(pc) =	sbr.abs _section_cstart, $3  }
0xc2: {  	[dreg:$0x1] =	wrdreg $0xFFFFFFFF  }
0xc3: {  	_ =	task.clear_ibuf [dreg:s8], $0x2FFFF;
	_ =	strace $0x9FFFFFFF  }
0xc4: {  	(tm) =	ssettm $0x7FFFFFFF  }
0xc5: {  	_ =	shalt  }
tec
execute0_lowered:
.L_overlay_start_1:
0x0: {  	(tag) =	ssettag $0x1  }
0x1: {  	s1 =	rddreg [dreg:$0x0]  }
0x2: {  	s3 =	rddreg [dreg:$0x1]  }
0x3: {  	s0 =	rddreg [dreg:$0x2];
	s2 =	srdreg.scid  }
0x4: {  	s9 =	stileid.u32;
	s4 =	simm.s32 $0x0;
	s13 =	simm.s32 $0x80  }
0x5: {  	s14 =	simm.s32 $0x400;
	s15 =	simm.s32 $0x2000;
	s16 =	simm.s32 $0x4000  }
0x6: {  	s17 =	simm.s32 $0x6000;
	s18 =	simm.s32 $0x1;
	s19 =	simm.s32 $0x2  }
0x7: {  	s20 =	simm.s32 $0x8000;
	s21 =	simm.s32 $0x3;
	s22 =	simm.s32 $0x4  }
0x8: {  	s23 =	simm.s32 $0x9100;
	s24 =	simm.s32 $0x11180;
	s28 =	simm.s32 $0x0  }
0x9: {  	s2 =	sand.u32 $0x1, s2;
	s5 =	sshll.u32 s9, $0x1;
	[smem:$0x7FF] =	sst s4  }
0xa: {  	s6 =	sor.u32 s2, s5;
	_ =	strace $0x80000047;
	s8 =	ssub.s32 $0x2, s2  }
0xb: {  	s5 =	sshll.u32 s9, $0xF;
	s2 =	sshll.u32 s2, $0x6;
	s7 =	sshll.u32 s6, $0x4  }
0xc: {  	s25 =	sshrl.u32 s8, $0x1;
	s2 =	sor.u32 s2, s5;
	s6 =	sshll.u32 s6, $0x2  }
.Ltmp0:
0xd: {  	s0 =	sadd.s32 s7, s0;
	s29 =	sadd.s32 s1, s2;
	(pc) =	sbr.rel .LBB2_1-.Ltmp0, $4  }
0xe: {  	v0 =	vlaneseq.u32;
	s26 =	sor.u32 $0x2000, s2;
	s2 =	sadd.s32 s3, s2;
	[dreg:$0x4] =	wrdreg s29  }
0xf: {  	v4 =	vmul.u32 $0xFFFFFFFF, v0;
	s7 =	ssub.s32 s8, s25;
	[dreg:$0x5] =	wrdreg s2;
	s30 =	sadd.s32 s1, s26  }
0x10: {  	v1 =	vimm.s32 $0x0;
	v2 =	vmul.u32 $0x100, v0;
	s31 =	sadd.s32 s3, s26;
	s11 =	sadd.s32 $0x400, s0;
	[dreg:$0x6] =	wrdreg s30  }
0x11: {  	v3 =	vimm.s32 $0x1;
	vm0 =	vcmask $0x300;
	v4 =	vadd.s32 $0xF, v4;
	s12 =	smax.u32 s7, $0x1;
	s26 =	simm.s32 $0x5;
	[dreg:$0x7] =	wrdreg s31  }
.LBB2_86:
0x12: {  	s0 =	smul.f32 $3.051757810e-05, s29;
	_ =	sdelay $0x1  }
0x13: {  	s28 =	sadd.s32 $0x1, s28;
	v5 =	vmov s0  }
0x14: {  	p0 =	sne.s32 s28, s12;
	v5 =	vnsel vm0, $0x0, v5  }
.Ltmp1:
0x15: {  	s31 =	simm.s32 $0x19200;
	[tilespmem:$0x19200] =	vst v5;
	(pc) =	sbr.rel @!p0 .LBB2_87-.Ltmp1, $4  }
0x16: {  	[hbm4b:s11+s4] =	stream.linear.scatter [tilespmem:s31], [sflag:$0x5], $0x80, $0x38;
	[tilespmem:$0x19280] =	vst v63  }
0x17: {  	_ =	swait.ge [sflag:s26], $0x80  }
0x18: {  	[sflag:s26] =	ssyncset.done $0x0  }
0x19: {  	[sflag:s26] =	ssyncadd.s32 $0xFFFFFF80  }
.LBB2_1:
0x1a: {  	s0 =	rddreg [dreg:$0x4]  }
0x1b: {  	[tilespmem:s4], [sflag:$0x1] =	stream.strided.gather [hbm4b:s0+s13], $0x2000, s14, s13, $0x38;
	[tilespmem:$0x19280] =	vst v63  }
0x1c: {  	s10 =	rddreg [dreg:$0x5]  }
0x1d: {  	[tilespmem:s15], [sflag:$0x2] =	stream.strided.gather [hbm4b:s10+s13], $0x2000, s14, s13, $0x38;
	[tilespmem:$0x19280] =	vst v63  }
.Ltmp2:
0x1e: {  	_ = 	snop;
	(pc) =	sbr.rel .LBB2_2-.Ltmp2, $4  }
0x1f: {  	s25 =	rddreg [dreg:$0x6]  }
0x20: {  	[tilespmem:s16], [sflag:$0x3] =	stream.strided.gather [hbm4b:s25+s13], $0x2000, s14, s13, $0x38;
	[tilespmem:$0x19280] =	vst v63  }
0x21: {  	s31 =	rddreg [dreg:$0x7];
	s29 =	simm.f32 $0.0e+00;
	s30 =	simm.s32 $0x0  }
0x22: {  	[tilespmem:s17], [sflag:$0x4] =	stream.strided.gather [hbm4b:s31+s13], $0x2000, s14, s13, $0x38;
	[tilespmem:$0x19280] =	vst v63  }
.LBB2_84:
0x23: {  	v5 =	vadd.f32 v7, v5  }
.LBB2_85:
0x24: {  	_ = 	snop  }
0x25: {  	(xrf2) =	vadd.scan.msk.f32 $0xffff, v5;
	_ =	sdelay $0x9  }
0x26: {  	v5, _, _ =	vpop (xrf2)  }
0x27: {  	(v2sf) =	vpush v5, $0xF;
	_ =	sdelay $0xb  }
0x28: {  	p0 =	sne.s32 s30, $0x4  }
.Ltmp3:
0x29: {  	_ = 	snop;
	(pc) =	sbr.rel @!p0 .LBB2_86-.Ltmp3, $3  }
0x2a: {  	_ = 	snop  }
0x2b: {  	s0 =	spop (v2sf)  }
0x2c: {  	s29 =	sadd.f32 s0, s29;
	_ =	sdelay $0x1  }
.LBB2_2:
0x2d: {  	s0 =	simm.s32 $0x8020  }
0x2e: {  	[tilespmem:s0+$0xFFFFFFE0] =	vst v1  }
0x2f: {  	[tilespmem:s0+$0x10] =	vst v1  }
0x30: {  	s2 =	simm.s32 $0x0;
	[tilespmem:s0+$0x0] =	vst v1  }
.LBB2_3:
0x31: {  	s2 =	sadd.s32 $0x4, s2  }
0x32: {  	[tilespmem:s0+$0xFFFFFFF0] =	vst v1;
	s0 =	sadd.s32 $0x40, s0;
	p0 =	slt.u32 s2, $0xFC  }
.Ltmp4:
0x33: {  	[tilespmem:s0+$0xFFFFFFE0] =	vst v1;
	(pc) =	sbr.rel @p0 .LBB2_3-.Ltmp4, $3  }
0x34: {  	_ =	sdelay $0x1  }
0x35: {  	[tilespmem:s0+$0x10] =	vst v1  }
0x36: {  	[tilespmem:s0+$0x0] =	vst v1  }
0x37: {  	[tilespmem:s0+$0xFFFFFFF0] =	vst v1  }
0x38: {  	_ =	swait.ge [sflag:s18], $0x2000  }
0x39: {  	[sflag:s18] =	ssyncset.done $0x0  }
0x3a: {  	[sflag:s18] =	ssyncadd.s32 $0xFFFFE000  }
0x3b: {  	_ =	swait.ge [sflag:s19], $0x2000  }
0x3c: {  	[sflag:s19] =	ssyncset.done $0x0  }
0x3d: {  	s10 =	simm.s32 $0x10;
	[sflag:s19] =	ssyncadd.s32 $0xFFFFE000  }
0x3e: {  	v6 =	vld [tilespmem:s10+$0x0]  }
0x3f: {  	v7 =	vld [tilespmem:s10+$0xFFFFFFF0];
	_ =	sdelay $0x2  }
0x40: {  	s2 =	simm.s32 $0x30  }
0x41: {  	s25 =	simm.s32 $0x2010;
	v12 =	vld [tilespmem:s2+$0x0];
	v5 =	vadd.f32 $0.0e+00, v6  }
0x42: {  	v8 =	vld [tilespmem:s25+$0x0];
	v11 =	vadd.f32 $0.0e+00, v7  }
0x43: {  	v9 =	vxor.u32 $0x80000000, v5;
	v10 =	vxor.u32 $0xFFFFFFFF, v5;
	vm1 =	vlt.s32 v5, $0x0  }
0x44: {  	v13 =	vxor.u32 $0x80000000, v11;
	v9 =	vsel vm1, v10, v9  }
0x45: {  	v5 =	vld [tilespmem:s2+$0xFFFFFFF0];
	v14 =	vxor.u32 $0xFFFFFFFF, v11;
	vm1 =	vlt.s32 v11, $0x0;
	v10 =	vshrl.u32 v9, $0x18  }
0x46: {  	v11 =	vld [tilespmem:s25+$0xFFFFFFF0];
	v13 =	vsel vm1, v14, v13;
	v14 =	vadd.f32 $0.0e+00, v12;
	v15 =	vand.u32 $0x80, v10  }
0x47: {  	v6 =	vsub.f32 v6, v8;
	v10 =	vand.u32 $0x7F, v10;
	v15 =	vor.u32 v2, v15  }
0x48: {  	v8 =	vshrl.u32 v13, $0x18;
	v17 =	vxor.u32 $0x80000000, v14;
	v10 =	vor.u32 v10, v15  }
0x49: {  	s31 =	simm.s32 $0x2030;
	s8 =	simm.s32 $0x9110;
	v18 =	vxor.u32 $0xFFFFFFFF, v14;
	vm1 =	vlt.s32 v14, $0x0;
	v14 =	vmul.f32 v6, v6  }
0x4a: {  	s7 =	simm.s32 $0x50;
	v16 =	vld [tilespmem:s31+$0x0];
	[tilespmem:s8+$0x0] =	vst v9;
	v15 =	vand.u32 $0x80, v8;
	v19 =	vadd.f32 $0.0e+00, v5;
	v20 =	vsel vm1, v18, v17  }
0x4b: {  	s0 =	simm.s32 $0x11190;
	[tilespmem:s8+$0xFFFFFFF0] =	vst v13;
	v6 =	vld [tilespmem:s7+$0x0];
	v17 =	vsub.f32 v7, v11;
	v7 =	vshrl.u32 v20, $0x18;
	v9 =	vor.u32 v2, v15  }
0x4c: {  	v13 =	vld [tilespmem:s31+$0xFFFFFFF0];
	[tilespmem:s0+$0x0] =	vst v14;
	v11 =	vxor.u32 $0x80000000, v19;
	v14 =	vxor.u32 $0xFFFFFFFF, v19;
	v15 =	vand.u32 $0x80, v7  }
0x4d: {  	vm1 =	vlt.s32 v19, $0x0;
	v7 =	vand.u32 $0x7F, v7;
	[tilespmem:v10+s20+$0x0] =	vst.idx.add.s32.msk $0xffff, v3;
	v10 =	vor.u32 v2, v15  }
0x4e: {  	v11 =	vsel vm1, v14, v11;
	v15 =	vor.u32 v7, v10;
	v7 =	vld [tilespmem:s7+$0xFFFFFFF0]  }
0x4f: {  	v16 =	vsub.f32 v12, v16;
	v12 =	vshrl.u32 v11, $0x18  }
0x50: {  	v8 =	vand.u32 $0x7F, v8;
	v21 =	vadd.f32 $0.0e+00, v6;
	v14 =	vand.u32 $0x80, v12  }
0x51: {  	s8 =	simm.s32 $0x2050;
	v12 =	vand.u32 $0x7F, v12;
	v10 =	vmul.f32 v17, v17;
	v17 =	vmul.f32 v16, v16;
	s7 =	simm.s32 $0x9130  }
0x52: {  	s9 =	simm.s32 $0x70;
	s2 =	simm.s32 $0x111B0;
	s25 =	simm.s32 $0x4;
	v16 =	vld [tilespmem:s8+$0x0];
	v18 =	vxor.u32 $0x80000000, v21;
	v19 =	vxor.u32 $0xFFFFFFFF, v21;
	vm1 =	vlt.s32 v21, $0x0;
	[tilespmem:s7+$0x0] =	vst v20  }
.LBB2_5:
0x53: {  	v20 =	vld [tilespmem:s9+$0x0];
	s25 =	sadd.s32 $0x2, s25;
	v21 =	vadd.f32 $0.0e+00, v7;
	v22 =	vsel vm1, v19, v18;
	v18 =	vsub.f32 v5, v13;
	[tilespmem:s2+$0x0] =	vst v17;
	v5 =	vmovc v7  }
0x54: {  	v19 =	vor.u32 v8, v9;
	v9 =	vor.u32 v2, v14;
	p0 =	slt.u32 s25, $0x1FE;
	v17 =	vshrl.u32 v22, $0x18;
	[tilespmem:v15+s20+$0x0] =	vst.idx.add.s32.msk $0xffff, v3  }
0x55: {  	v8 =	vmovc v12;
	v7 =	vld [tilespmem:s9+$0xFFFFFFF0];
	v14 =	vxor.u32 $0x80000000, v21;
	v15 =	vxor.u32 $0xFFFFFFFF, v21;
	v23 =	vand.u32 $0x80, v17;
	[tilespmem:s7+$0xFFFFFFF0] =	vst v11  }
.Ltmp5:
0x56: {  	vm1 =	vlt.s32 v21, $0x0;
	v12 =	vand.u32 $0x7F, v17;
	v13 =	vld [tilespmem:s8+$0xFFFFFFF0];
	v17 =	vor.u32 v2, v23;
	[tilespmem:s0+$0xFFFFFFF0] =	vst v10;
	s0 =	smov.u32 s2;
	(pc) =	sbr.rel @p0 .LBB2_5-.Ltmp5, $4  }
0x57: {  	v11 =	vsel vm1, v15, v14;
	v16 =	vsub.f32 v6, v16;
	v15 =	vor.u32 v12, v17  }
0x58: {  	v10 =	vmul.f32 v18, v18;
	v12 =	vshrl.u32 v11, $0x18;
	v21 =	vadd.f32 $0.0e+00, v20;
	v6 =	vmovc v20  }
0x59: {  	s7 =	sadd.s32 $0x20, s7;
	s8 =	sadd.s32 $0x20, s8;
	v14 =	vand.u32 $0x80, v12;
	v12 =	vand.u32 $0x7F, v12;
	v17 =	vmul.f32 v16, v16;
	[tilespmem:v19+s20+$0x0] =	vst.idx.add.s32.msk $0xffff, v3  }
0x5a: {  	s9 =	sadd.s32 $0x20, s9;
	s2 =	sadd.s32 $0x20, s2;
	v16 =	vld [tilespmem:s8+$0x0];
	v18 =	vxor.u32 $0x80000000, v21;
	v19 =	vxor.u32 $0xFFFFFFFF, v21;
	vm1 =	vlt.s32 v21, $0x0;
	[tilespmem:s7+$0x0] =	vst v22  }
0x5b: {  	_ = 	snop  }
0x5c: {  	v20 =	vadd.f32 $0.0e+00, v7;
	v18 =	vsel vm1, v19, v18;
	[tilespmem:s2+$0x0] =	vst v17  }
0x5d: {  	v8 =	vor.u32 v8, v9;
	v5 =	vsub.f32 v5, v13;
	[tilespmem:s0+$0xFFFFFFF0] =	vst v10;
	v10 =	vor.u32 v2, v14  }
0x5e: {  	[tilespmem:s7+$0xFFFFFFF0] =	vst v11;
	v11 =	vld [tilespmem:s8+$0xFFFFFFF0];
	v19 =	vshrl.u32 v18, $0x18;
	v10 =	vor.u32 v12, v10;
	v9 =	vxor.u32 $0x80000000, v20  }
0x5f: {  	[tilespmem:v15+s20+$0x0] =	vst.idx.add.s32.msk $0xffff, v3;
	v15 =	vxor.u32 $0xFFFFFFFF, v20;
	vm1 =	vlt.s32 v20, $0x0;
	v6 =	vsub.f32 v6, v16  }
0x60: {  	s9 =	sadd.s32 $0x20, s7;
	v17 =	vand.u32 $0x80, v19;
	v19 =	vand.u32 $0x7F, v19;
	v9 =	vsel vm1, v15, v9  }
0x61: {  	[tilespmem:s9+$0x0] =	vst v18;
	v17 =	vor.u32 v2, v17;
	v13 =	vshrl.u32 v9, $0x18;
	v6 =	vmul.f32 v6, v6  }
0x62: {  	s10 =	sadd.s32 $0x20, s2;
	v16 =	vor.u32 v19, v17;
	[tilespmem:v8+s20+$0x0] =	vst.idx.add.s32.msk $0xffff, v3;
	v8 =	vand.u32 $0x80, v13  }
0x63: {  	v5 =	vmul.f32 v5, v5;
	v12 =	vand.u32 $0x7F, v13;
	[tilespmem:s10+$0x0] =	vst v6;
	v6 =	vor.u32 v2, v8  }
0x64: {  	s0 =	sadd.s32 s6, s30;
	[tilespmem:s9+$0xFFFFFFF0] =	vst v9;
	v7 =	vsub.f32 v7, v11;
	v6 =	vor.u32 v12, v6  }
0x65: {  	s25 =	sshll.u32 s0, $0x4;
	[tilespmem:s2+$0xFFFFFFF0] =	vst v5  }
0x66: {  	s9 =	sand.u32 $0x70, s25;
	[tilespmem:v10+s20+$0x0] =	vst.idx.add.s32.msk $0xffff, v3;
	v5 =	vmul.f32 v7, v7  }
0x67: {  	s2 =	sor.u32 s5, s9;
	[tilespmem:v16+s20+$0x0] =	vst.idx.add.s32.msk $0xffff, v3  }
0x68: {  	[tilespmem:s10+$0xFFFFFFF0] =	vst v5;
	s10 =	sor.u32 $0x4000, s2  }
0x69: {  	s25 =	sadd.s32 s1, s10;
	[tilespmem:v6+s20+$0x0] =	vst.idx.add.s32.msk $0xffff, v3  }
0x6a: {  	[tilespmem:s4], [sflag:$0x1] =	stream.strided.gather [hbm4b:s25+s13], $0x2000, s14, s13, $0x38;
	[tilespmem:$0x19280] =	vst v63  }
0x6b: {  	s7 =	sadd.s32 s3, s10  }
0x6c: {  	[tilespmem:s15], [sflag:$0x2] =	stream.strided.gather [hbm4b:s7+s13], $0x2000, s14, s13, $0x38;
	[tilespmem:$0x19280] =	vst v63  }
0x6d: {  	_ =	swait.ge [sflag:s21], $0x2000  }
0x6e: {  	[sflag:s21] =	ssyncset.done $0x0  }
0x6f: {  	[sflag:s21] =	ssyncadd.s32 $0xFFFFE000  }
0x70: {  	_ =	swait.ge [sflag:s22], $0x2000  }
0x71: {  	[sflag:s22] =	ssyncset.done $0x0  }
0x72: {  	s8 =	simm.s32 $0x4010;
	[sflag:s22] =	ssyncadd.s32 $0xFFFFE000  }
0x73: {  	v6 =	vld [tilespmem:s8+$0x0]  }
0x74: {  	v7 =	vld [tilespmem:s8+$0xFFFFFFF0];
	_ =	sdelay $0x2  }
0x75: {  	s10 =	simm.s32 $0x4030  }
0x76: {  	s9 =	simm.s32 $0x6010;
	v12 =	vld [tilespmem:s10+$0x0];
	v5 =	vadd.f32 $0.0e+00, v6  }
0x77: {  	v8 =	vld [tilespmem:s9+$0x0];
	v11 =	vadd.f32 $0.0e+00, v7  }
0x78: {  	v9 =	vxor.u32 $0x80000000, v5;
	v10 =	vxor.u32 $0xFFFFFFFF, v5;
	vm1 =	vlt.s32 v5, $0x0  }
0x79: {  	v13 =	vxor.u32 $0x80000000, v11;
	v9 =	vsel vm1, v10, v9  }
0x7a: {  	v5 =	vld [tilespmem:s10+$0xFFFFFFF0];
	v14 =	vxor.u32 $0xFFFFFFFF, v11;
	vm1 =	vlt.s32 v11, $0x0;
	v10 =	vshrl.u32 v9, $0x18  }
0x7b: {  	v11 =	vld [tilespmem:s9+$0xFFFFFFF0];
	v13 =	vsel vm1, v14, v13;
	v14 =	vadd.f32 $0.0e+00, v12;
	v15 =	vand.u32 $0x80, v10  }
0x7c: {  	v6 =	vsub.f32 v6, v8;
	v10 =	vand.u32 $0x7F, v10;
	v15 =	vor.u32 v2, v15  }
0x7d: {  	v8 =	vshrl.u32 v13, $0x18;
	v17 =	vxor.u32 $0x80000000, v14;
	v10 =	vor.u32 v10, v15  }
0x7e: {  	s25 =	simm.s32 $0x6030;
	s10 =	simm.s32 $0xB110;
	v18 =	vxor.u32 $0xFFFFFFFF, v14;
	vm1 =	vlt.s32 v14, $0x0;
	v14 =	vmul.f32 v6, v6  }
0x7f: {  	v16 =	vld [tilespmem:s25+$0x0];
	s9 =	simm.s32 $0x4050;
	[tilespmem:s10+$0x0] =	vst v9;
	v15 =	vand.u32 $0x80, v8;
	v19 =	vadd.f32 $0.0e+00, v5;
	v20 =	vsel vm1, v18, v17  }
0x80: {  	s7 =	simm.s32 $0x13190;
	[tilespmem:s10+$0xFFFFFFF0] =	vst v13;
	v6 =	vld [tilespmem:s9+$0x0];
	v17 =	vsub.f32 v7, v11;
	v7 =	vshrl.u32 v20, $0x18;
	v9 =	vor.u32 v2, v15  }
0x81: {  	v13 =	vld [tilespmem:s25+$0xFFFFFFF0];
	[tilespmem:s7+$0x0] =	vst v14;
	v11 =	vxor.u32 $0x80000000, v19;
	v14 =	vxor.u32 $0xFFFFFFFF, v19;
	v15 =	vand.u32 $0x80, v7  }
0x82: {  	vm1 =	vlt.s32 v19, $0x0;
	v7 =	vand.u32 $0x7F, v7;
	[tilespmem:v10+s20+$0x0] =	vst.idx.add.s32.msk $0xffff, v3;
	v10 =	vor.u32 v2, v15  }
0x83: {  	v11 =	vsel vm1, v14, v11;
	v15 =	vor.u32 v7, v10;
	v7 =	vld [tilespmem:s9+$0xFFFFFFF0]  }
0x84: {  	v16 =	vsub.f32 v12, v16;
	v12 =	vshrl.u32 v11, $0x18  }
0x85: {  	v8 =	vand.u32 $0x7F, v8;
	v21 =	vadd.f32 $0.0e+00, v6;
	v14 =	vand.u32 $0x80, v12  }
0x86: {  	s31 =	simm.s32 $0x6050;
	s25 =	simm.s32 $0xB130;
	v12 =	vand.u32 $0x7F, v12;
	v10 =	vmul.f32 v17, v17;
	v17 =	vmul.f32 v16, v16  }
0x87: {  	s8 =	simm.s32 $0x131B0;
	s10 =	simm.s32 $0x4070;
	[tilespmem:s25+$0x0] =	vst v20;
	s9 =	simm.s32 $0x4;
	v16 =	vld [tilespmem:s31+$0x0];
	v18 =	vxor.u32 $0x80000000, v21;
	v19 =	vxor.u32 $0xFFFFFFFF, v21;
	vm1 =	vlt.s32 v21, $0x0  }
.LBB2_7:
0x88: {  	v20 =	vld [tilespmem:s10+$0x0];
	s9 =	sadd.s32 $0x2, s9;
	v21 =	vadd.f32 $0.0e+00, v7;
	v22 =	vsel vm1, v19, v18;
	v18 =	vsub.f32 v5, v13;
	[tilespmem:s8+$0x0] =	vst v17;
	v5 =	vmovc v7  }
0x89: {  	v19 =	vor.u32 v8, v9;
	v9 =	vor.u32 v2, v14;
	p0 =	slt.u32 s9, $0x1FE;
	v17 =	vshrl.u32 v22, $0x18;
	[tilespmem:v15+s20+$0x0] =	vst.idx.add.s32.msk $0xffff, v3  }
0x8a: {  	v8 =	vmovc v12;
	v7 =	vld [tilespmem:s10+$0xFFFFFFF0];
	v14 =	vxor.u32 $0x80000000, v21;
	v15 =	vxor.u32 $0xFFFFFFFF, v21;
	v23 =	vand.u32 $0x80, v17;
	[tilespmem:s25+$0xFFFFFFF0] =	vst v11  }
.Ltmp6:
0x8b: {  	vm1 =	vlt.s32 v21, $0x0;
	v12 =	vand.u32 $0x7F, v17;
	v13 =	vld [tilespmem:s31+$0xFFFFFFF0];
	v17 =	vor.u32 v2, v23;
	[tilespmem:s7+$0xFFFFFFF0] =	vst v10;
	s7 =	smov.u32 s8;
	(pc) =	sbr.rel @p0 .LBB2_7-.Ltmp6, $4  }
0x8c: {  	v11 =	vsel vm1, v15, v14;
	v16 =	vsub.f32 v6, v16;
	v15 =	vor.u32 v12, v17  }
0x8d: {  	v10 =	vmul.f32 v18, v18;
	v12 =	vshrl.u32 v11, $0x18;
	v21 =	vadd.f32 $0.0e+00, v20;
	v6 =	vmovc v20  }
0x8e: {  	s25 =	sadd.s32 $0x20, s25;
	s31 =	sadd.s32 $0x20, s31;
	v14 =	vand.u32 $0x80, v12;
	v12 =	vand.u32 $0x7F, v12;
	v17 =	vmul.f32 v16, v16;
	[tilespmem:v19+s20+$0x0] =	vst.idx.add.s32.msk $0xffff, v3  }
0x8f: {  	s10 =	sadd.s32 $0x20, s10;
	s8 =	sadd.s32 $0x20, s8;
	v16 =	vld [tilespmem:s31+$0x0];
	v18 =	vxor.u32 $0x80000000, v21;
	v19 =	vxor.u32 $0xFFFFFFFF, v21;
	vm1 =	vlt.s32 v21, $0x0;
	[tilespmem:s25+$0x0] =	vst v22  }
0x90: {  	_ = 	snop  }
0x91: {  	v20 =	vadd.f32 $0.0e+00, v7;
	v18 =	vsel vm1, v19, v18;
	[tilespmem:s8+$0x0] =	vst v17  }
0x92: {  	v8 =	vor.u32 v8, v9;
	v5 =	vsub.f32 v5, v13;
	[tilespmem:s7+$0xFFFFFFF0] =	vst v10;
	v10 =	vor.u32 v2, v14  }
0x93: {  	[tilespmem:s25+$0xFFFFFFF0] =	vst v11;
	v11 =	vld [tilespmem:s31+$0xFFFFFFF0];
	v19 =	vshrl.u32 v18, $0x18;
	v10 =	vor.u32 v12, v10;
	v9 =	vxor.u32 $0x80000000, v20  }
0x94: {  	[tilespmem:v15+s20+$0x0] =	vst.idx.add.s32.msk $0xffff, v3;
	v15 =	vxor.u32 $0xFFFFFFFF, v20;
	vm1 =	vlt.s32 v20, $0x0;
	v6 =	vsub.f32 v6, v16  }
0x95: {  	s25 =	sadd.s32 $0x20, s25;
	v17 =	vand.u32 $0x80, v19;
	v19 =	vand.u32 $0x7F, v19;
	v9 =	vsel vm1, v15, v9  }
0x96: {  	[tilespmem:s25+$0x0] =	vst v18;
	v17 =	vor.u32 v2, v17;
	v13 =	vshrl.u32 v9, $0x18;
	v6 =	vmul.f32 v6, v6  }
0x97: {  	s9 =	sadd.s32 $0x20, s8;
	v16 =	vor.u32 v19, v17;
	[tilespmem:v8+s20+$0x0] =	vst.idx.add.s32.msk $0xffff, v3;
	v8 =	vand.u32 $0x80, v13  }
0x98: {  	v5 =	vmul.f32 v5, v5;
	v12 =	vand.u32 $0x7F, v13;
	[tilespmem:s9+$0x0] =	vst v6;
	v6 =	vor.u32 v2, v8  }
0x99: {  	[tilespmem:s25+$0xFFFFFFF0] =	vst v9;
	v7 =	vsub.f32 v7, v11;
	v6 =	vor.u32 v12, v6  }
0x9a: {  	[tilespmem:s8+$0xFFFFFFF0] =	vst v5  }
0x9b: {  	[tilespmem:v10+s20+$0x0] =	vst.idx.add.s32.msk $0xffff, v3;
	v5 =	vmul.f32 v7, v7  }
0x9c: {  	[tilespmem:v16+s20+$0x0] =	vst.idx.add.s32.msk $0xffff, v3  }
0x9d: {  	s2 =	sor.u32 $0x6000, s2;
	[tilespmem:s9+$0xFFFFFFF0] =	vst v5  }
0x9e: {  	s31 =	sadd.s32 s1, s2;
	[tilespmem:v6+s20+$0x0] =	vst.idx.add.s32.msk $0xffff, v3  }
0x9f: {  	[tilespmem:s16], [sflag:$0x3] =	stream.strided.gather [hbm4b:s31+s13], $0x2000, s14, s13, $0x38;
	[tilespmem:$0x19280] =	vst v63  }
0xa0: {  	s2 =	sadd.s32 s3, s2  }
0xa1: {  	[tilespmem:s17], [sflag:$0x4] =	stream.strided.gather [hbm4b:s2+s13], $0x2000, s14, s13, $0x38;
	[tilespmem:$0x19280] =	vst v63  }
0xa2: {  	_ =	swait.ge [sflag:s18], $0x2000  }
0xa3: {  	[sflag:s18] =	ssyncset.done $0x0  }
0xa4: {  	[sflag:s18] =	ssyncadd.s32 $0xFFFFE000  }
0xa5: {  	_ =	swait.ge [sflag:s19], $0x2000  }
0xa6: {  	[sflag:s19] =	ssyncset.done $0x0  }
0xa7: {  	s7 =	simm.s32 $0x10;
	[sflag:s19] =	ssyncadd.s32 $0xFFFFE000  }
0xa8: {  	v6 =	vld [tilespmem:s7+$0x0]  }
0xa9: {  	v7 =	vld [tilespmem:s7+$0xFFFFFFF0];
	_ =	sdelay $0x2  }
0xaa: {  	s9 =	simm.s32 $0x30  }
0xab: {  	s8 =	simm.s32 $0x2010;
	v12 =	vld [tilespmem:s9+$0x0];
	v5 =	vadd.f32 $0.0e+00, v6  }
0xac: {  	v8 =	vld [tilespmem:s8+$0x0];
	v11 =	vadd.f32 $0.0e+00, v7  }
0xad: {  	v9 =	vxor.u32 $0x80000000, v5;
	v10 =	vxor.u32 $0xFFFFFFFF, v5;
	vm1 =	vlt.s32 v5, $0x0  }
0xae: {  	v13 =	vxor.u32 $0x80000000, v11;
	v9 =	vsel vm1, v10, v9  }
0xaf: {  	v5 =	vld [tilespmem:s9+$0xFFFFFFF0];
	v14 =	vxor.u32 $0xFFFFFFFF, v11;
	vm1 =	vlt.s32 v11, $0x0;
	v10 =	vshrl.u32 v9, $0x18  }
0xb0: {  	v11 =	vld [tilespmem:s8+$0xFFFFFFF0];
	v13 =	vsel vm1, v14, v13;
	v14 =	vadd.f32 $0.0e+00, v12;
	v15 =	vand.u32 $0x80, v10  }
0xb1: {  	v6 =	vsub.f32 v6, v8;
	v10 =	vand.u32 $0x7F, v10;
	v15 =	vor.u32 v2, v15  }
0xb2: {  	v8 =	vshrl.u32 v13, $0x18;
	v17 =	vxor.u32 $0x80000000, v14;
	v10 =	vor.u32 v10, v15  }
0xb3: {  	s10 =	simm.s32 $0x2030;
	s31 =	simm.s32 $0xD110;
	v18 =	vxor.u32 $0xFFFFFFFF, v14;
	vm1 =	vlt.s32 v14, $0x0;
	v14 =	vmul.f32 v6, v6  }
0xb4: {  	s25 =	simm.s32 $0x50;
	v16 =	vld [tilespmem:s10+$0x0];
	[tilespmem:s31+$0x0] =	vst v9;
	v15 =	vand.u32 $0x80, v8;
	v19 =	vadd.f32 $0.0e+00, v5;
	v20 =	vsel vm1, v18, v17  }
0xb5: {  	s2 =	simm.s32 $0x15190;
	[tilespmem:s31+$0xFFFFFFF0] =	vst v13;
	v6 =	vld [tilespmem:s25+$0x0];
	v17 =	vsub.f32 v7, v11;
	v7 =	vshrl.u32 v20, $0x18;
	v9 =	vor.u32 v2, v15  }
0xb6: {  	v13 =	vld [tilespmem:s10+$0xFFFFFFF0];
	[tilespmem:s2+$0x0] =	vst v14;
	v11 =	vxor.u32 $0x80000000, v19;
	v14 =	vxor.u32 $0xFFFFFFFF, v19;
	v15 =	vand.u32 $0x80, v7  }
0xb7: {  	vm1 =	vlt.s32 v19, $0x0;
	v7 =	vand.u32 $0x7F, v7;
	[tilespmem:v10+s20+$0x0] =	vst.idx.add.s32.msk $0xffff, v3;
	v10 =	vor.u32 v2, v15  }
0xb8: {  	v11 =	vsel vm1, v14, v11;
	v15 =	vor.u32 v7, v10;
	v7 =	vld [tilespmem:s25+$0xFFFFFFF0]  }
0xb9: {  	v16 =	vsub.f32 v12, v16;
	v12 =	vshrl.u32 v11, $0x18  }
0xba: {  	v8 =	vand.u32 $0x7F, v8;
	v21 =	vadd.f32 $0.0e+00, v6;
	v14 =	vand.u32 $0x80, v12  }
0xbb: {  	s8 =	simm.s32 $0xD130;
	v12 =	vand.u32 $0x7F, v12;
	v10 =	vmul.f32 v17, v17;
	v17 =	vmul.f32 v16, v16;
	s25 =	simm.s32 $0x2050  }
0xbc: {  	s7 =	simm.s32 $0x151B0;
	s9 =	simm.s32 $0x4;
	s10 =	simm.s32 $0x70;
	[tilespmem:s8+$0x0] =	vst v20;
	v18 =	vxor.u32 $0x80000000, v21;
	v19 =	vxor.u32 $0xFFFFFFFF, v21;
	vm1 =	vlt.s32 v21, $0x0;
	v16 =	vld [tilespmem:s25+$0x0]  }
.LBB2_9:
0xbd: {  	v20 =	vld [tilespmem:s10+$0x0];
	s9 =	sadd.s32 $0x2, s9;
	v21 =	vadd.f32 $0.0e+00, v7;
	v22 =	vsel vm1, v19, v18;
	v18 =	vsub.f32 v5, v13;
	[tilespmem:s7+$0x0] =	vst v17;
	v5 =	vmovc v7  }
0xbe: {  	v19 =	vor.u32 v8, v9;
	v9 =	vor.u32 v2, v14;
	p0 =	slt.u32 s9, $0x1FE;
	v17 =	vshrl.u32 v22, $0x18;
	[tilespmem:v15+s20+$0x0] =	vst.idx.add.s32.msk $0xffff, v3  }
0xbf: {  	v8 =	vmovc v12;
	v7 =	vld [tilespmem:s10+$0xFFFFFFF0];
	v14 =	vxor.u32 $0x80000000, v21;
	v15 =	vxor.u32 $0xFFFFFFFF, v21;
	v23 =	vand.u32 $0x80, v17;
	[tilespmem:s8+$0xFFFFFFF0] =	vst v11  }
.Ltmp7:
0xc0: {  	vm1 =	vlt.s32 v21, $0x0;
	v12 =	vand.u32 $0x7F, v17;
	v13 =	vld [tilespmem:s25+$0xFFFFFFF0];
	v17 =	vor.u32 v2, v23;
	[tilespmem:s2+$0xFFFFFFF0] =	vst v10;
	s2 =	smov.u32 s7;
	(pc) =	sbr.rel @p0 .LBB2_9-.Ltmp7, $4  }
0xc1: {  	v11 =	vsel vm1, v15, v14;
	v16 =	vsub.f32 v6, v16;
	v15 =	vor.u32 v12, v17  }
0xc2: {  	v10 =	vmul.f32 v18, v18;
	v12 =	vshrl.u32 v11, $0x18;
	v21 =	vadd.f32 $0.0e+00, v20;
	v6 =	vmovc v20  }
0xc3: {  	s8 =	sadd.s32 $0x20, s8;
	s25 =	sadd.s32 $0x20, s25;
	v14 =	vand.u32 $0x80, v12;
	v12 =	vand.u32 $0x7F, v12;
	v17 =	vmul.f32 v16, v16;
	[tilespmem:v19+s20+$0x0] =	vst.idx.add.s32.msk $0xffff, v3  }
0xc4: {  	s10 =	sadd.s32 $0x20, s10;
	s7 =	sadd.s32 $0x20, s7;
	v16 =	vld [tilespmem:s25+$0x0];
	v18 =	vxor.u32 $0x80000000, v21;
	v19 =	vxor.u32 $0xFFFFFFFF, v21;
	vm1 =	vlt.s32 v21, $0x0;
	[tilespmem:s8+$0x0] =	vst v22  }
0xc5: {  	_ = 	snop  }
0xc6: {  	v20 =	vadd.f32 $0.0e+00, v7;
	v18 =	vsel vm1, v19, v18;
	[tilespmem:s7+$0x0] =	vst v17  }
0xc7: {  	v8 =	vor.u32 v8, v9;
	v5 =	vsub.f32 v5, v13;
	[tilespmem:s2+$0xFFFFFFF0] =	vst v10;
	v10 =	vor.u32 v2, v14  }
0xc8: {  	[tilespmem:s8+$0xFFFFFFF0] =	vst v11;
	v11 =	vld [tilespmem:s25+$0xFFFFFFF0];
	v19 =	vshrl.u32 v18, $0x18;
	v10 =	vor.u32 v12, v10;
	v9 =	vxor.u32 $0x80000000, v20  }
0xc9: {  	[tilespmem:v15+s20+$0x0] =	vst.idx.add.s32.msk $0xffff, v3;
	v15 =	vxor.u32 $0xFFFFFFFF, v20;
	vm1 =	vlt.s32 v20, $0x0;
	v6 =	vsub.f32 v6, v16  }
0xca: {  	s10 =	sadd.s32 $0x20, s8;
	v17 =	vand.u32 $0x80, v19;
	v19 =	vand.u32 $0x7F, v19;
	v9 =	vsel vm1, v15, v9  }
0xcb: {  	[tilespmem:s10+$0x0] =	vst v18;
	v17 =	vor.u32 v2, v17;
	v13 =	vshrl.u32 v9, $0x18;
	v6 =	vmul.f32 v6, v6  }
0xcc: {  	s25 =	sadd.s32 $0x20, s7;
	v16 =	vor.u32 v19, v17;
	[tilespmem:v8+s20+$0x0] =	vst.idx.add.s32.msk $0xffff, v3;
	v8 =	vand.u32 $0x80, v13  }
0xcd: {  	v5 =	vmul.f32 v5, v5;
	v12 =	vand.u32 $0x7F, v13;
	[tilespmem:s25+$0x0] =	vst v6;
	v6 =	vor.u32 v2, v8  }
0xce: {  	p0 =	seq.s32 s30, $0x3;
	[tilespmem:s10+$0xFFFFFFF0] =	vst v9;
	v7 =	vsub.f32 v7, v11;
	v6 =	vor.u32 v12, v6  }
0xcf: {  	s0 =	sadd.s32 @!p0 $0x1, s0;
	[tilespmem:s7+$0xFFFFFFF0] =	vst v5  }
0xd0: {  	s2 =	sshll.u32 @!p0 s0, $0xC;
	s9 =	sshll.u32 @!p0 s0, $0x4;
	[tilespmem:v10+s20+$0x0] =	vst.idx.add.s32.msk $0xffff, v3;
	v5 =	vmul.f32 v7, v7  }
0xd1: {  	s0 =	sand.u32 @!p0 $0xFFF8000, s2;
	s2 =	sand.u32 @!p0 $0x70, s9;
	[tilespmem:v16+s20+$0x0] =	vst.idx.add.s32.msk $0xffff, v3  }
0xd2: {  	s9 =	simm.s32 @!p0 $0x80;
	s7 =	sor.u32 @!p0 s2, s0;
	[tilespmem:s25+$0xFFFFFFF0] =	vst v5  }
0xd3: {  	s10 =	simm.s32 @!p0 $0x400;
	s8 =	sadd.s32 @!p0 s1, s7;
	s25 =	simm.s32 @!p0 $0x0;
	[tilespmem:v6+s20+$0x0] =	vst.idx.add.s32.msk $0xffff, v3  }
0xd4: {  	[tilespmem:s25], [sflag:$0x1] =	stream.strided.gather @!p0 [hbm4b:s8+s9], $0x2000, s10, s9, $0x38;
	[tilespmem:$0x19280] =	vst v63  }
0xd5: {  	s7 =	sadd.s32 @!p0 s3, s7;
	s8 =	simm.s32 @!p0 $0x2000  }
0xd6: {  	[tilespmem:s8], [sflag:$0x2] =	stream.strided.gather @!p0 [hbm4b:s7+s9], $0x2000, s10, s9, $0x38;
	[tilespmem:$0x19280] =	vst v63  }
0xd7: {  	_ =	swait.ge [sflag:s21], $0x2000  }
0xd8: {  	[sflag:s21] =	ssyncset.done $0x0  }
0xd9: {  	[sflag:s21] =	ssyncadd.s32 $0xFFFFE000  }
0xda: {  	_ =	swait.ge [sflag:s22], $0x2000  }
0xdb: {  	[sflag:s22] =	ssyncset.done $0x0  }
0xdc: {  	s9 =	simm.s32 $0x4010;
	[sflag:s22] =	ssyncadd.s32 $0xFFFFE000  }
0xdd: {  	v6 =	vld [tilespmem:s9+$0x0]  }
0xde: {  	v7 =	vld [tilespmem:s9+$0xFFFFFFF0];
	_ =	sdelay $0x2  }
0xdf: {  	s25 =	simm.s32 $0x4030  }
0xe0: {  	s10 =	simm.s32 $0x6010;
	v12 =	vld [tilespmem:s25+$0x0];
	v5 =	vadd.f32 $0.0e+00, v6  }
0xe1: {  	v8 =	vld [tilespmem:s10+$0x0];
	v11 =	vadd.f32 $0.0e+00, v7  }
0xe2: {  	v9 =	vxor.u32 $0x80000000, v5;
	v10 =	vxor.u32 $0xFFFFFFFF, v5;
	vm1 =	vlt.s32 v5, $0x0  }
0xe3: {  	v13 =	vxor.u32 $0x80000000, v11;
	v9 =	vsel vm1, v10, v9  }
0xe4: {  	v5 =	vld [tilespmem:s25+$0xFFFFFFF0];
	v14 =	vxor.u32 $0xFFFFFFFF, v11;
	vm1 =	vlt.s32 v11, $0x0;
	v10 =	vshrl.u32 v9, $0x18  }
0xe5: {  	v11 =	vld [tilespmem:s10+$0xFFFFFFF0];
	v13 =	vsel vm1, v14, v13;
	v14 =	vadd.f32 $0.0e+00, v12;
	v15 =	vand.u32 $0x80, v10  }
0xe6: {  	v6 =	vsub.f32 v6, v8;
	v10 =	vand.u32 $0x7F, v10;
	v15 =	vor.u32 v2, v15  }
0xe7: {  	v8 =	vshrl.u32 v13, $0x18;
	v17 =	vxor.u32 $0x80000000, v14;
	v10 =	vor.u32 v10, v15  }
0xe8: {  	s7 =	simm.s32 $0x6030;
	s10 =	simm.s32 $0xF110;
	v18 =	vxor.u32 $0xFFFFFFFF, v14;
	vm1 =	vlt.s32 v14, $0x0;
	v14 =	vmul.f32 v6, v6  }
0xe9: {  	v16 =	vld [tilespmem:s7+$0x0];
	s9 =	simm.s32 $0x4050;
	[tilespmem:s10+$0x0] =	vst v9;
	v15 =	vand.u32 $0x80, v8;
	v19 =	vadd.f32 $0.0e+00, v5;
	v20 =	vsel vm1, v18, v17  }
0xea: {  	s25 =	simm.s32 $0x17190;
	[tilespmem:s10+$0xFFFFFFF0] =	vst v13;
	v6 =	vld [tilespmem:s9+$0x0];
	v17 =	vsub.f32 v7, v11;
	v7 =	vshrl.u32 v20, $0x18;
	v9 =	vor.u32 v2, v15  }
0xeb: {  	v13 =	vld [tilespmem:s7+$0xFFFFFFF0];
	[tilespmem:s25+$0x0] =	vst v14;
	v11 =	vxor.u32 $0x80000000, v19;
	v14 =	vxor.u32 $0xFFFFFFFF, v19;
	v15 =	vand.u32 $0x80, v7  }
0xec: {  	vm1 =	vlt.s32 v19, $0x0;
	v7 =	vand.u32 $0x7F, v7;
	[tilespmem:v10+s20+$0x0] =	vst.idx.add.s32.msk $0xffff, v3;
	v10 =	vor.u32 v2, v15  }
0xed: {  	v11 =	vsel vm1, v14, v11;
	v14 =	vor.u32 v7, v10;
	v7 =	vld [tilespmem:s9+$0xFFFFFFF0]  }
0xee: {  	v16 =	vsub.f32 v12, v16;
	v12 =	vshrl.u32 v11, $0x18  }
0xef: {  	v8 =	vand.u32 $0x7F, v8;
	v21 =	vadd.f32 $0.0e+00, v6;
	v15 =	vand.u32 $0x80, v12  }
0xf0: {  	s30 =	sadd.s32 $0x1, s30;
	s31 =	simm.s32 $0x6050;
	s8 =	simm.s32 $0xF130;
	v12 =	vand.u32 $0x7F, v12;
	v10 =	vmul.f32 v17, v17;
	v17 =	vmul.f32 v16, v16  }
0xf1: {  	s10 =	simm.s32 $0x4070;
	s7 =	simm.s32 $0x171B0;
	[tilespmem:s8+$0x0] =	vst v20;
	s9 =	simm.s32 $0x4;
	v16 =	vld [tilespmem:s31+$0x0];
	v18 =	vxor.u32 $0x80000000, v21;
	v19 =	vxor.u32 $0xFFFFFFFF, v21;
	vm1 =	vlt.s32 v21, $0x0  }
.LBB2_11:
0xf2: {  	v20 =	vld [tilespmem:s10+$0x0];
	s9 =	sadd.s32 $0x2, s9;
	v21 =	vadd.f32 $0.0e+00, v7;
	v22 =	vsel vm1, v19, v18;
	v18 =	vsub.f32 v5, v13;
	[tilespmem:s7+$0x0] =	vst v17;
	v5 =	vmovc v7  }
0xf3: {  	v19 =	vor.u32 v8, v9;
	v9 =	vor.u32 v2, v15;
	p1 =	slt.u32 s9, $0x1FE;
	v17 =	vshrl.u32 v22, $0x18;
	[tilespmem:v14+s20+$0x0] =	vst.idx.add.s32.msk $0xffff, v3  }
0xf4: {  	v8 =	vmovc v12;
	v7 =	vld [tilespmem:s10+$0xFFFFFFF0];
	v14 =	vxor.u32 $0x80000000, v21;
	v15 =	vxor.u32 $0xFFFFFFFF, v21;
	v23 =	vand.u32 $0x80, v17;
	[tilespmem:s8+$0xFFFFFFF0] =	vst v11  }
.Ltmp8:
0xf5: {  	vm1 =	vlt.s32 v21, $0x0;
	v12 =	vand.u32 $0x7F, v17;
	v13 =	vld [tilespmem:s31+$0xFFFFFFF0];
	v17 =	vor.u32 v2, v23;
	[tilespmem:s25+$0xFFFFFFF0] =	vst v10;
	s25 =	smov.u32 s7;
	(pc) =	sbr.rel @p1 .LBB2_11-.Ltmp8, $4  }
0xf6: {  	v11 =	vsel vm1, v15, v14;
	v16 =	vsub.f32 v6, v16;
	v14 =	vor.u32 v12, v17  }
0xf7: {  	v10 =	vmul.f32 v18, v18;
	v12 =	vshrl.u32 v11, $0x18;
	v21 =	vadd.f32 $0.0e+00, v20;
	v6 =	vmovc v20  }
0xf8: {  	s8 =	sadd.s32 $0x20, s8;
	s31 =	sadd.s32 $0x20, s31;
	v15 =	vand.u32 $0x80, v12;
	v12 =	vand.u32 $0x7F, v12;
	v17 =	vmul.f32 v16, v16;
	[tilespmem:v19+s20+$0x0] =	vst.idx.add.s32.msk $0xffff, v3  }
0xf9: {  	s10 =	sadd.s32 $0x20, s10;
	s7 =	sadd.s32 $0x20, s7;
	v16 =	vld [tilespmem:s31+$0x0];
	v18 =	vxor.u32 $0x80000000, v21;
	v19 =	vxor.u32 $0xFFFFFFFF, v21;
	vm1 =	vlt.s32 v21, $0x0;
	[tilespmem:s8+$0x0] =	vst v22  }
0xfa: {  	_ = 	snop  }
0xfb: {  	v20 =	vadd.f32 $0.0e+00, v7;
	v18 =	vsel vm1, v19, v18;
	[tilespmem:s7+$0x0] =	vst v17  }
0xfc: {  	v8 =	vor.u32 v8, v9;
	v5 =	vsub.f32 v5, v13;
	[tilespmem:s25+$0xFFFFFFF0] =	vst v10;
	v10 =	vor.u32 v2, v15  }
0xfd: {  	[tilespmem:s8+$0xFFFFFFF0] =	vst v11;
	v11 =	vld [tilespmem:s31+$0xFFFFFFF0];
	v19 =	vshrl.u32 v18, $0x18;
	v10 =	vor.u32 v12, v10;
	v9 =	vxor.u32 $0x80000000, v20  }
0xfe: {  	[tilespmem:v14+s20+$0x0] =	vst.idx.add.s32.msk $0xffff, v3;
	v14 =	vxor.u32 $0xFFFFFFFF, v20;
	vm1 =	vlt.s32 v20, $0x0;
	v6 =	vsub.f32 v6, v16  }
0xff: {  	s25 =	sadd.s32 $0x20, s8;
	v58 =	vand.u32 $0x80, v19;
	v19 =	vand.u32 $0x7F, v19;
	v9 =	vsel vm1, v14, v9  }
0x100: {  	[tilespmem:s25+$0x0] =	vst v18;
	v17 =	vor.u32 v2, v58;
	v13 =	vshrl.u32 v9, $0x18;
	v6 =	vmul.f32 v6, v6  }
0x101: {  	s9 =	sadd.s32 $0x20, s7;
	v59 =	vor.u32 v19, v17;
	[tilespmem:v8+s20+$0x0] =	vst.idx.add.s32.msk $0xffff, v3;
	v8 =	vand.u32 $0x80, v13  }
0x102: {  	v5 =	vmul.f32 v5, v5;
	v12 =	vand.u32 $0x7F, v13;
	[tilespmem:s9+$0x0] =	vst v6;
	v6 =	vor.u32 v2, v8  }
0x103: {  	[tilespmem:s25+$0xFFFFFFF0] =	vst v9;
	v7 =	vsub.f32 v7, v11;
	v6 =	vor.u32 v12, v6  }
0x104: {  	[tilespmem:s7+$0xFFFFFFF0] =	vst v5  }
0x105: {  	[tilespmem:v10+s20+$0x0] =	vst.idx.add.s32.msk $0xffff, v3;
	v5 =	vmul.f32 v7, v7  }
0x106: {  	s0 =	sor.u32 @!p0 s0, s2;
	[tilespmem:v59+s20+$0x0] =	vst.idx.add.s32.msk $0xffff, v3  }
0x107: {  	s8 =	simm.s32 @!p0 $0x400;
	s10 =	simm.s32 $0x8810;
	s0 =	sor.u32 @!p0 $0x2000, s0;
	[tilespmem:s9+$0xFFFFFFF0] =	vst v5  }
0x108: {  	s2 =	sadd.s32 @!p0 s1, s0;
	s7 =	simm.s32 @!p0 $0x80;
	s9 =	simm.s32 @!p0 $0x4000;
	[tilespmem:v6+s20+$0x0] =	vst.idx.add.s32.msk $0xffff, v3  }
0x109: {  	[tilespmem:s9], [sflag:$0x3] =	stream.strided.gather @!p0 [hbm4b:s2+s7], $0x2000, s8, s7, $0x38;
	[tilespmem:$0x19280] =	vst v63  }
0x10a: {  	s0 =	sadd.s32 @!p0 s3, s0;
	s25 =	simm.s32 $0x0;
	s2 =	simm.s32 @!p0 $0x6000  }
0x10b: {  	[tilespmem:s2], [sflag:$0x4] =	stream.strided.gather @!p0 [hbm4b:s0+s7], $0x2000, s8, s7, $0x38;
	[tilespmem:$0x19280] =	vst v63  }
0x10c: {  	s0 =	sand.u32 $0xE0, s25;
	v5 =	vld [tilespmem:s10+$0xFFFFF7F0]  }
0x10d: {  	v6 =	vld [tilespmem:s0+$0x8100]  }
0x10e: {  	v7 =	vld [tilespmem:s0+$0x8200]  }
0x10f: {  	v8 =	vld [tilespmem:s0+$0x8300]  }
0x110: {  	v9 =	vld [tilespmem:s0+$0x8400]  }
0x111: {  	v10 =	vld [tilespmem:s0+$0x8500]  }
0x112: {  	v11 =	vld [tilespmem:s0+$0x8600]  }
0x113: {  	v12 =	vld [tilespmem:s0+$0x8700]  }
0x114: {  	v13 =	vld [tilespmem:s0+$0x8800]  }
0x115: {  	v14 =	vld [tilespmem:s0+$0x8900]  }
0x116: {  	v15 =	vld [tilespmem:s0+$0x8A00]  }
0x117: {  	v16 =	vld [tilespmem:s0+$0x8B00]  }
0x118: {  	v60 =	vld [tilespmem:s0+$0x8C00]  }
0x119: {  	v18 =	vld [tilespmem:s0+$0x8D00]  }
0x11a: {  	v61 =	vld [tilespmem:s0+$0x8E00]  }
0x11b: {  	v62 =	vld [tilespmem:s0+$0x8F00]  }
0x11c: {  	v5 =	vadd.s32 v5, v6;
	v6 =	vld [tilespmem:s10+$0xFFFFF800]  }
0x11d: {  	v5 =	vadd.s32 v7, v5;
	v7 =	vld [tilespmem:s10+$0xFFFFF900]  }
0x11e: {  	v5 =	vadd.s32 v8, v5;
	v8 =	vld [tilespmem:s10+$0xFFFFFA00]  }
0x11f: {  	v5 =	vadd.s32 v9, v5;
	v9 =	vld [tilespmem:s10+$0xFFFFFB00]  }
0x120: {  	v5 =	vadd.s32 v10, v5;
	v10 =	vld [tilespmem:s10+$0xFFFFFC00]  }
0x121: {  	v5 =	vadd.s32 v11, v5;
	v11 =	vld [tilespmem:s10+$0xFFFFFD00]  }
0x122: {  	v5 =	vadd.s32 v12, v5;
	v12 =	vld [tilespmem:s10+$0xFFFFFE00];
	v6 =	vadd.s32 v6, v7  }
0x123: {  	v5 =	vadd.s32 v13, v5;
	v13 =	vld [tilespmem:s10+$0xFFFFFF00];
	v6 =	vadd.s32 v8, v6  }
0x124: {  	v5 =	vadd.s32 v14, v5;
	v14 =	vld [tilespmem:s10+$0x0];
	v6 =	vadd.s32 v9, v6  }
0x125: {  	v5 =	vadd.s32 v15, v5;
	v15 =	vld [tilespmem:s10+$0x100];
	v6 =	vadd.s32 v10, v6  }
0x126: {  	v63 =	vld [tilespmem:s10+$0x200];
	v5 =	vadd.s32 v16, v5;
	v6 =	vadd.s32 v11, v6  }
0x127: {  	v7 =	vld [tilespmem:s10+$0x300];
	v5 =	vadd.s32 v60, v5;
	v6 =	vadd.s32 v12, v6  }
0x128: {  	v8 =	vld [tilespmem:s10+$0x400];
	v5 =	vadd.s32 v18, v5;
	v6 =	vadd.s32 v13, v6  }
0x129: {  	v9 =	vld [tilespmem:s10+$0x500];
	v5 =	vadd.s32 v61, v5;
	v6 =	vadd.s32 v14, v6  }
0x12a: {  	s31 =	simm.s32 $0x0;
	s2 =	simm.s32 $0x9010;
	s25 =	simm.s32 $0x90F0;
	v10 =	vld [tilespmem:s10+$0x600];
	v5 =	vadd.s32 v62, v5;
	v6 =	vadd.s32 v15, v6  }
0x12b: {  	s7 =	simm.s32 $0x8830;
	s8 =	simm.s32 $0x20;
	s0 =	simm.s32 $0xF0;
	v11 =	vld [tilespmem:s10+$0x700];
	[tilespmem:s2+$0xFFFFFFF0] =	vst v5;
	v5 =	vimm.s32 $0xFFFFFFFF;
	v12 =	vadd.s32 v63, v6  }
.LBB2_13:
0x12c: {  	v6 =	vld [tilespmem:s7+$0xFFFFF7F0];
	s9 =	sand.u32 $0xE0, s8;
	s31 =	sadd.s32 $0x2, s31;
	v7 =	vadd.s32 v7, v12  }
0x12d: {  	v12 =	vld [tilespmem:s9+$0x8100];
	p0 =	slt.u32 s31, $0xE;
	v7 =	vadd.s32 v8, v7  }
0x12e: {  	v8 =	vld [tilespmem:s9+$0x8200];
	v7 =	vadd.s32 v9, v7  }
0x12f: {  	v9 =	vld [tilespmem:s9+$0x8300];
	v7 =	vadd.s32 v10, v7  }
0x130: {  	v10 =	vld [tilespmem:s9+$0x8400];
	v7 =	vadd.s32 v11, v7  }
0x131: {  	v11 =	vld [tilespmem:s9+$0x8500];
	[tilespmem:s2+$0x0] =	vst v7  }
0x132: {  	v7 =	vld [tilespmem:s9+$0x8600];
	v6 =	vadd.s32 v6, v12  }
0x133: {  	v12 =	vld [tilespmem:s9+$0x8700];
	v6 =	vadd.s32 v8, v6  }
0x134: {  	v8 =	vld [tilespmem:s9+$0x8800];
	v6 =	vadd.s32 v9, v6  }
0x135: {  	v9 =	vld [tilespmem:s9+$0x8900];
	v6 =	vadd.s32 v10, v6  }
0x136: {  	v10 =	vld [tilespmem:s9+$0x8A00];
	v6 =	vadd.s32 v11, v6  }
0x137: {  	v11 =	vld [tilespmem:s9+$0x8B00];
	v6 =	vadd.s32 v7, v6  }
0x138: {  	v7 =	vld [tilespmem:s9+$0x8C00];
	v6 =	vadd.s32 v12, v6  }
0x139: {  	v12 =	vld [tilespmem:s9+$0x8D00];
	v6 =	vadd.s32 v8, v6  }
0x13a: {  	v8 =	vld [tilespmem:s9+$0x8E00];
	v6 =	vadd.s32 v9, v6  }
0x13b: {  	v9 =	vld [tilespmem:s9+$0x8F00];
	v6 =	vadd.s32 v10, v6  }
0x13c: {  	v6 =	vadd.s32 v11, v6;
	v10 =	vld [tilespmem:s7+$0xFFFFF800]  }
0x13d: {  	v6 =	vadd.s32 v7, v6;
	v7 =	vld [tilespmem:s7+$0xFFFFF900]  }
0x13e: {  	v6 =	vadd.s32 v12, v6;
	v11 =	vld [tilespmem:s7+$0xFFFFFA00]  }
0x13f: {  	v6 =	vadd.s32 v8, v6;
	v8 =	vld [tilespmem:s7+$0xFFFFFB00]  }
0x140: {  	s2 =	sadd.s32 $0x20, s2;
	v6 =	vadd.s32 v9, v6;
	v9 =	vld [tilespmem:s7+$0xFFFFFC00]  }
0x141: {  	[tilespmem:s2+$0xFFFFFFF0] =	vst v6;
	v12 =	vld [tilespmem:s7+$0xFFFFFD00];
	v6 =	vimm.s32 $0x0  }
0x142: {  	v13 =	vld [tilespmem:s7+$0xFFFFFE00];
	v7 =	vadd.s32 v10, v7  }
0x143: {  	v10 =	vld [tilespmem:s7+$0xFFFFFF00];
	v7 =	vadd.s32 v11, v7  }
0x144: {  	v11 =	vld [tilespmem:s7+$0x0];
	v7 =	vadd.s32 v8, v7  }
0x145: {  	v14 =	vld [tilespmem:s7+$0x100];
	v7 =	vadd.s32 v9, v7  }
0x146: {  	v15 =	vld [tilespmem:s7+$0x200];
	v8 =	vadd.s32 v12, v7  }
.Ltmp9:
0x147: {  	v7 =	vld [tilespmem:s7+$0x300];
	v9 =	vadd.s32 v13, v8;
	(pc) =	sbr.rel @p0 .LBB2_13-.Ltmp9, $4  }
0x148: {  	v8 =	vld [tilespmem:s7+$0x400];
	v10 =	vadd.s32 v10, v9  }
0x149: {  	v9 =	vld [tilespmem:s7+$0x500];
	v11 =	vadd.s32 v11, v10  }
0x14a: {  	v10 =	vld [tilespmem:s7+$0x600];
	v12 =	vadd.s32 v14, v11  }
0x14b: {  	s8 =	sadd.s32 $0x20, s8;
	v11 =	vld [tilespmem:s7+$0x700];
	v12 =	vadd.s32 v15, v12;
	s7 =	sadd.s32 $0x20, s7  }
0x14c: {  	v7 =	vadd.s32 v7, v12  }
0x14d: {  	v7 =	vadd.s32 v8, v7  }
0x14e: {  	v7 =	vadd.s32 v9, v7  }
0x14f: {  	v7 =	vadd.s32 v10, v7  }
0x150: {  	v7 =	vadd.s32 v11, v7  }
0x151: {  	[tilespmem:s2+$0x0] =	vst v7  }
0x152: {  	v8 =	vld [tilespmem:s25+$0x0];
	_ =	sdelay $0x4  }
0x153: {  	s10 =	simm.s32 $0x90E0;
	v7 =	vperm.xlane v8, v4  }
0x154: {  	v11 =	vld [tilespmem:s10+$0x0]  }
0x155: {  	(xrf0) =	vadd.scan.msk.s32 $0xffff, v7;
	_ =	sdelay $0x3  }
0x156: {  	s25 =	simm.s32 $0x90D0;
	v13 =	vperm.xlane v11, v4  }
0x157: {  	s31 =	simm.s32 $0x90C0;
	v10 =	vld [tilespmem:s25+$0x0]  }
0x158: {  	v9 =	vld [tilespmem:s31+$0x0];
	(xrf0) =	vadd.scan.msk.s32 $0xffff, v13;
	v15, _, _ =	vpop (xrf0)  }
0x159: {  	v7 =	vsub.s32 v15, v7  }
0x15a: {  	v7 =	vperm.xlane v7, v4;
	_ =	sdelay $0x1  }
0x15b: {  	v12 =	vperm.xlane v10, v4;
	v7 =	vadd.s32 v6, v7  }
0x15c: {  	s7 =	simm.s32 $0xE0;
	v16 =	vor.u32 s0, v0;
	s0 =	simm.s32 $0xC0;
	v14 =	vperm.xlane v9, v4;
	v8 =	vadd.s32 v8, v7  }
0x15d: {  	s8 =	simm.s32 $0xB0;
	s9 =	simm.s32 $0x90B0;
	s2 =	simm.s32 $0xD0;
	(xrf0) =	vadd.scan.msk.s32 $0xffff, v12;
	v17, _, _ =	vpop (xrf0);
	vm1 =	vlt.s32 v7, $0x100;
	vm2 =	vgt.s32 v8, $0xFF;
	v8 =	vimm.s32 $0xFFFFFFFF  }
.LBB2_15:
0x15e: {  	v18 =	vsub.s32 v17, v13;
	vm1 =	vmand vm1, vm2;
	v19 =	vbroadcast v15, $0xF;
	v20 =	vmovc v9;
	v9 =	vld [tilespmem:s9+$0x0];
	v13 =	vmovc v12;
	s10 =	smov.u32 s8;
	p0 =	sne.s32 s8, $0x0  }
.Ltmp10:
0x15f: {  	v15 =	vmovc v17;
	v18 =	vperm.xlane v18, v4;
	v16 =	vnsel vm1, $0xFFFFFFFF, v16;
	v21 =	vnsel vm1, $0xFFFFFFFF, v7;
	v12 =	vmovc v14;
	(pc) =	sbr.rel @p0 .LBB2_15-.Ltmp10, $4  }
0x160: {  	vm1 =	vgt.s32 v5, v16;
	vm2 =	vgt.s32 v8, v21;
	v6 =	vadd.s32 v6, v19  }
0x161: {  	v7 =	vadd.s32 v6, v18;
	v5 =	vsel vm1, v5, v16;
	v8 =	vsel vm2, v8, v21  }
0x162: {  	s8 =	sadd.s32 $0xFFFFFFF0, s8;
	v16 =	vor.u32 s7, v0;
	s7 =	smov.u32 s2;
	v18 =	vadd.s32 v11, v7;
	v11 =	vmovc v10;
	v10 =	vmov v20  }
0x163: {  	s9 =	sadd.s32 $0xFFFFFFF0, s9;
	s2 =	smov.u32 s0;
	s0 =	smov.u32 s10;
	vm1 =	vlt.s32 v7, $0x100;
	v14 =	vperm.xlane v9, v4;
	(xrf0) =	vadd.scan.msk.s32 $0xffff, v12;
	v17, _, _ =	vpop (xrf0);
	vm2 =	vgt.s32 v18, $0xFF  }
0x164: {  	v13 =	vsub.s32 v17, v13;
	v15 =	vbroadcast v15, $0xF  }
0x165: {  	v13 =	vperm.xlane v13, v4;
	(xrf0) =	vadd.scan.msk.s32 $0xffff, v14  }
0x166: {  	v6 =	vadd.s32 v6, v15  }
0x167: {  	vm1 =	vmand vm1, vm2;
	v13 =	vadd.s32 v6, v13  }
0x168: {  	v15 =	vnsel vm1, $0xFFFFFFFF, v16;
	v16 =	vor.u32 s7, v0;
	v11 =	vadd.s32 v11, v13  }
0x169: {  	vm3 =	vgt.s32 v5, v15;
	vm2 =	vlt.s32 v13, $0x100;
	v18, _, _ =	vpop (xrf0);
	vm4 =	vgt.s32 v11, $0xFF  }
0x16a: {  	v11 =	vsub.s32 v18, v12;
	vm2 =	vmand vm2, vm4;
	v12 =	vbroadcast v17, $0xF  }
0x16b: {  	v5 =	vsel vm3, v5, v15;
	v11 =	vperm.xlane v11, v4;
	v15 =	vnsel vm2, $0xFFFFFFFF, v16;
	v16, _, _ =	vpop (xrf0)  }
0x16c: {  	v6 =	vadd.s32 v6, v12;
	v12 =	vsub.s32 v16, v14;
	v14 =	vbroadcast v18, $0xF  }
0x16d: {  	vm3 =	vgt.s32 v5, v15;
	v11 =	vadd.s32 v6, v11;
	v12 =	vperm.xlane v12, v4  }
0x16e: {  	v5 =	vsel vm3, v5, v15;
	v10 =	vadd.s32 v10, v11;
	v6 =	vadd.s32 v6, v14  }
0x16f: {  	vm3 =	vlt.s32 v11, $0x100;
	vm4 =	vgt.s32 v10, $0xFF;
	v6 =	vadd.s32 v6, v12  }
0x170: {  	v10 =	vor.u32 s2, v0;
	vm3 =	vmand vm3, vm4;
	v9 =	vadd.s32 v9, v6  }
0x171: {  	vm4 =	vlt.s32 v6, $0x100;
	v10 =	vnsel vm3, $0xFFFFFFFF, v10;
	vm5 =	vgt.s32 v9, $0xFF  }
0x172: {  	v9 =	vor.u32 s0, v0;
	vm6 =	vgt.s32 v5, v10;
	vm4 =	vmand vm4, vm5  }
0x173: {  	v5 =	vsel vm6, v5, v10;
	v9 =	vnsel vm4, $0xFFFFFFFF, v9  }
0x174: {  	vm5 =	vgt.s32 v5, v9  }
0x175: {  	v5 =	vsel vm5, v5, v9  }
0x176: {  	v5 =	vxor.u32 $0x80000000, v5  }
0x177: {  	(xrf0) =	vmax.scan.msk.u32 $0xffff, v5;
	_ =	sdelay $0x5  }
0x178: {  	v5, _, _ =	vpop (xrf0)  }
0x179: {  	(v2sf) =	vpush v5, $0xF;
	_ =	sdelay $0x4  }
0x17a: {  	v5 =	vnsel vm1, $0xFFFFFFFF, v7  }
0x17b: {  	vm1 =	vgt.s32 v8, v5  }
0x17c: {  	v10 =	vnsel vm2, $0xFFFFFFFF, v13;
	v7 =	vsel vm1, v8, v5  }
0x17d: {  	s9 =	simm.s32 $0x9120;
	vm1 =	vgt.s32 v7, v10  }
0x17e: {  	v11 =	vnsel vm3, $0xFFFFFFFF, v11;
	v9 =	vld [tilespmem:s9+$0xFFFFFFE0];
	v10 =	vsel vm1, v7, v10  }
0x17f: {  	v8 =	vld [tilespmem:s9+$0xFFFFFFF0];
	vm1 =	vgt.s32 v10, v11  }
0x180: {  	v6 =	vnsel vm4, $0xFFFFFFFF, v6;
	v5 =	vld [tilespmem:s9+$0x10];
	v15 =	vsel vm1, v10, v11  }
0x181: {  	s2 =	simm.s32 $0x9160;
	v7 =	vld [tilespmem:s9+$0x0];
	vm3 =	vgt.s32 v15, v6  }
0x182: {  	s10 =	simm.s32 $0x111A0;
	v6 =	vsel vm3, v15, v6;
	v15 =	vld [tilespmem:s2+$0xFFFFFFF0]  }
0x183: {  	v12 =	vld [tilespmem:s10+$0xFFFFFFE0]  }
0x184: {  	s25 =	spop (v2sf)  }
0x185: {  	v16 =	vimm.s32 $0x0;
	v17 =	vshrl.u32 v9, $0x18;
	v11 =	vld [tilespmem:s10+$0xFFFFFFF0];
	v10 =	vimm.f32 $0.0e+00;
	s0 =	sxor.u32 $0x80000000, s25  }
0x186: {  	v18 =	vshrl.u32 v8, $0x18;
	v19 =	vshrl.u32 v5, $0x18;
	v14 =	vmov s0  }
0x187: {  	v13 =	vld [tilespmem:s10+$0x0];
	v20 =	vshrl.u32 v7, $0x18;
	v32 =	vshrl.u32 v15, $0x18;
	vm1 =	vgt.s32 v17, v14  }
0x188: {  	vm4 =	veq.s32 v17, v14;
	vm5 =	veq.s32 v18, v14;
	v21 =	vnsel vm1, $0x0, v12  }
0x189: {  	vm6 =	vgt.s32 v20, v14;
	vm1 =	vgt.s32 v18, v14;
	(xrf0) =	vadd.scan.msk.s32 vm4, v3;
	v17 =	vadd.f32 v21, v10;
	v10 =	vld [tilespmem:s10+$0x10]  }
0x18a: {  	vm2 =	veq.s32 v19, v14;
	v18 =	vnsel vm1, $0x0, v11;
	vm1 =	veq.s32 v20, v14;
	(xrf0) =	vadd.scan.msk.s32 vm5, v3  }
0x18b: {  	vm7 =	vgt.s32 v19, v14;
	v20 =	vmpcnt.ones.xlane vm4;
	(xrf0) =	vadd.scan.msk.s32 vm1, v3;
	v17 =	vadd.f32 v18, v17  }
0x18c: {  	vm10 =	vgt.s32 v32, v14;
	v19 =	vnsel vm6, $0x0, v13;
	v18 =	vmpcnt.ones.xlane vm5;
	(xrf0) =	vadd.scan.msk.s32 vm2, v3  }
0x18d: {  	v21 =	vmpcnt.ones.xlane vm1;
	v20 =	vadd.s32 v16, v20;
	v17 =	vadd.f32 v19, v17  }
0x18e: {  	v19 =	vadd.s32 v20, v18;
	v18 =	vmpcnt.ones.xlane vm2;
	v22 =	vnsel vm7, $0x0, v10  }
0x18f: {  	vm8 =	veq.s32 v32, v14;
	v21 =	vadd.s32 v19, v21;
	v23, _, _ =	vpop (xrf0);
	v25 =	vadd.f32 v22, v17;
	v17 =	vld [tilespmem:s2+$0xFFFFFFE0]  }
0x190: {  	vm3 =	vmmov vm4;
	v22 =	vadd.s32 v21, v18;
	v16 =	vadd.s32 v23, v16;
	v23, _, _ =	vpop (xrf0);
	v18 =	vld [tilespmem:s2+$0x10]  }
0x191: {  	s25 =	simm.s32 $0x111E0;
	vm4 =	vmmov vm5;
	v24 =	vadd.s32 $0xFFFFFFFF, v16;
	v20 =	vadd.s32 v23, v20;
	v23, _, _ =	vpop (xrf0);
	v16 =	vld [tilespmem:s2+$0x0]  }
0x192: {  	vm5 =	vgt.s32 v24, $0x0;
	v26 =	vadd.s32 $0xFFFFFFFF, v20;
	v19 =	vadd.s32 v23, v19;
	v23, _, _ =	vpop (xrf0);
	v20 =	vld [tilespmem:s25+$0xFFFFFFE0]  }
0x193: {  	vm6 =	vgt.s32 v26, $0x0;
	v19 =	vadd.s32 $0xFFFFFFFF, v19;
	v21 =	vadd.s32 v23, v21  }
0x194: {  	v27 =	vnsel vm5, $0x0, v24;
	v23 =	vld [tilespmem:s25+$0xFFFFFFF0];
	vm5 =	vgt.s32 v19, $0x0;
	v28 =	vadd.s32 $0xFFFFFFFF, v21  }
0x195: {  	v26 =	vnsel vm6, $0x0, v26;
	v24 =	vnsel vm5, $0x0, v19;
	v21 =	vshrl.u32 v17, $0x18  }
0x196: {  	vm7 =	vgt.s32 v28, $0x0;
	v30 =	vshrl.u32 v18, $0x18;
	vm6 =	vgt.s32 v21, v14  }
0x197: {  	v19 =	vld [tilespmem:s25+$0x0];
	v31 =	vshrl.u32 v16, $0x18;
	vm5 =	vgt.s32 v30, v14;
	v29 =	vnsel vm6, $0x0, v20  }
0x198: {  	s31 =	simm.s32 $0x4;
	s0 =	simm.s32 $0x0;
	vm9 =	veq.s32 v21, v14;
	v21 =	vld [tilespmem:s25+$0x10];
	vm6 =	vgt.s32 v31, v14;
	v29 =	vadd.f32 v29, v25;
	v25 =	vmovc v22  }
.LBB2_17:
0x199: {  	v32 =	vmpcnt.ones.xlane vm9;
	v33 =	vnsel vm10, $0x0, v23;
	vm11 =	vmmov vm1  }
0x19a: {  	s31 =	sadd.s32 $0x4, s31;
	(xrf0) =	vadd.scan.msk.s32 vm9, v3;
	vm1 =	veq.s32 v31, v14;
	vm10 =	vmmov vm2;
	vm12 =	vmmov vm4  }
0x19b: {  	v31 =	vmpcnt.ones.xlane vm8;
	vm2 =	veq.s32 v30, v14;
	p0 =	slt.u32 s31, $0x7FC;
	v29 =	vadd.f32 v33, v29;
	(xrf0) =	vadd.scan.msk.s32 vm8, v3  }
0x19c: {  	v30 =	vadd.s32 v22, v32;
	v22 =	vnsel vm6, $0x0, v19;
	v32 =	vmpcnt.ones.xlane vm1;
	(xrf0) =	vadd.scan.msk.s32 vm1, v3  }
0x19d: {  	v31 =	vadd.s32 v30, v31;
	v22 =	vadd.f32 v22, v29;
	v29 =	vmpcnt.ones.xlane vm2;
	(xrf0) =	vadd.scan.msk.s32 vm2, v3  }
0x19e: {  	v34 =	vnsel vm7, $0x0, v28;
	v32 =	vadd.s32 v31, v32;
	v33 =	vnsel vm5, $0x0, v21;
	[tilespmem:v27+s23+$0x0] =	vst.idx.msk vm3, v9;
	v9 =	vmovc v17  }
0x19f: {  	s2 =	sadd.s32 $0x40, s2;
	v33 =	vadd.f32 v33, v22;
	v22 =	vadd.s32 v32, v29;
	[tilespmem:v27+s24+$0x0] =	vst.idx.msk vm3, v12;
	v12 =	vmov v20  }
0x1a0: {  	vm3 =	vmmov vm9;
	v17 =	vld [tilespmem:s2+$0xFFFFFFE0];
	v20, _, _ =	vpop (xrf0);
	[tilespmem:v26+s23+$0x0] =	vst.idx.msk vm4, v8;
	v8 =	vmov v15;
	vm4 =	vmmov vm8  }
0x1a1: {  	v15 =	vld [tilespmem:s2+$0xFFFFFFF0];
	v20 =	vadd.s32 v20, v25;
	v27, _, _ =	vpop (xrf0);
	[tilespmem:v26+s24+$0x0] =	vst.idx.msk vm12, v11;
	v25 =	vmov v22;
	v11 =	vmov v23  }
0x1a2: {  	v29 =	vld [tilespmem:s2+$0x10];
	v23 =	vadd.s32 $0xFFFFFFFF, v20;
	v20 =	vadd.s32 v27, v30;
	v26, _, _ =	vpop (xrf0);
	[tilespmem:v24+s23+$0x0] =	vst.idx.msk vm11, v7;
	v7 =	vmov v16  }
0x1a3: {  	s25 =	sadd.s32 $0x40, s25;
	v16 =	vld [tilespmem:s2+$0x0];
	vm5 =	vgt.s32 v23, $0x0;
	v30 =	vadd.s32 $0xFFFFFFFF, v20;
	v26 =	vadd.s32 v26, v31;
	v27, _, _ =	vpop (xrf0);
	[tilespmem:v24+s24+$0x0] =	vst.idx.msk vm11, v13  }
0x1a4: {  	v20 =	vld [tilespmem:s25+$0xFFFFFFE0];
	vm6 =	vgt.s32 v30, $0x0;
	v24 =	vadd.s32 $0xFFFFFFFF, v26;
	v26 =	vadd.s32 v27, v32;
	[tilespmem:v34+s23+$0x0] =	vst.idx.msk vm10, v5;
	v5 =	vmovc v18  }
0x1a5: {  	v13 =	vmovc v19;
	v27 =	vnsel vm5, $0x0, v23;
	vm5 =	vgt.s32 v24, $0x0;
	v28 =	vadd.s32 $0xFFFFFFFF, v26;
	[tilespmem:v34+s24+$0x0] =	vst.idx.msk vm10, v10;
	v10 =	vmovc v21  }
.Ltmp11:
0x1a6: {  	v26 =	vnsel vm6, $0x0, v30;
	v23 =	vld [tilespmem:s25+$0xFFFFFFF0];
	v24 =	vnsel vm5, $0x0, v24;
	vm7 =	vgt.s32 v28, $0x0;
	(pc) =	sbr.rel @p0 .LBB2_17-.Ltmp11, $4  }
0x1a7: {  	v21 =	vshrl.u32 v17, $0x18;
	v32 =	vshrl.u32 v15, $0x18;
	v30 =	vshrl.u32 v29, $0x18;
	v18 =	vmovc v29  }
0x1a8: {  	vm6 =	vgt.s32 v21, v14;
	v31 =	vshrl.u32 v16, $0x18;
	v19 =	vld [tilespmem:s25+$0x0];
	vm5 =	vgt.s32 v30, v14  }
0x1a9: {  	vm10 =	vgt.s32 v32, v14;
	v29 =	vnsel vm6, $0x0, v20;
	vm6 =	vgt.s32 v31, v14  }
0x1aa: {  	vm9 =	veq.s32 v21, v14;
	vm8 =	veq.s32 v32, v14;
	v29 =	vadd.f32 v29, v33;
	v21 =	vld [tilespmem:s25+$0x10]  }
0x1ab: {  	(xrf0) =	vadd.scan.msk.s32 vm9, v3;
	_ =	sdelay $0x1  }
0x1ac: {  	(xrf0) =	vadd.scan.msk.s32 vm8, v3  }
0x1ad: {  	vm11 =	veq.s32 v31, v14;
	vm4 =	vmmov vm4  }
0x1ae: {  	vm12 =	vmmov vm1;
	(xrf0) =	vadd.scan.msk.s32 vm11, v3  }
0x1af: {  	vm1 =	veq.s32 v30, v14;
	vm2 =	vmmov vm2  }
0x1b0: {  	v53 =	vmpcnt.ones.xlane vm9;
	v54 =	vnsel vm7, $0x0, v28;
	(xrf0) =	vadd.scan.msk.s32 vm1, v3;
	v56, _, _ =	vpop (xrf0)  }
0x1b1: {  	v55 =	vmpcnt.ones.xlane vm8;
	[tilespmem:v27+s23+$0x0] =	vst.idx.msk vm3, v9;
	v57 =	vadd.s32 v56, v25  }
0x1b2: {  	vm14 =	vmmov vm8;
	[tilespmem:v27+s24+$0x0] =	vst.idx.msk vm3, v12;
	v22 =	vadd.s32 v22, v53;
	v59, _, _ =	vpop (xrf0);
	v9 =	vadd.s32 $0xFFFFFFFF, v57  }
0x1b3: {  	v58 =	vmpcnt.ones.xlane vm11;
	[tilespmem:v26+s23+$0x0] =	vst.idx.msk vm4, v8;
	v8 =	vadd.s32 v59, v22;
	vm13 =	vgt.s32 v9, $0x0  }
0x1b4: {  	v28 =	vadd.s32 v22, v55;
	[tilespmem:v24+s23+$0x0] =	vst.idx.msk vm12, v7;
	v60, _, _ =	vpop (xrf0);
	v8 =	vadd.s32 $0xFFFFFFFF, v8;
	v9 =	vnsel vm13, $0x0, v9  }
0x1b5: {  	vm7 =	vmmov vm14;
	[tilespmem:v54+s23+$0x0] =	vst.idx.msk vm2, v5;
	v7 =	vadd.s32 v60, v28;
	vm15 =	vgt.s32 v8, $0x0  }
0x1b6: {  	v61 =	vadd.s32 v28, v58;
	[tilespmem:v26+s24+$0x0] =	vst.idx.msk vm4, v11;
	v62, _, _ =	vpop (xrf0);
	v7 =	vadd.s32 $0xFFFFFFFF, v7;
	v8 =	vnsel vm15, $0x0, v8  }
0x1b7: {  	[tilespmem:v24+s24+$0x0] =	vst.idx.msk vm12, v13;
	v12 =	vadd.s32 v62, v61;
	vm13 =	vgt.s32 v7, $0x0  }
0x1b8: {  	[tilespmem:v54+s24+$0x0] =	vst.idx.msk vm2, v10;
	v5 =	vadd.s32 $0xFFFFFFFF, v12;
	v7 =	vnsel vm13, $0x0, v7  }
0x1b9: {  	vm2 =	vgt.s32 v5, $0x0;
	[tilespmem:v9+s23+$0x0] =	vst.idx.msk vm9, v17  }
0x1ba: {  	v63 =	vnsel vm2, $0x0, v5;
	[tilespmem:v9+s24+$0x0] =	vst.idx.msk vm9, v20  }
0x1bb: {  	[tilespmem:v8+s23+$0x0] =	vst.idx.msk vm7, v15  }
0x1bc: {  	[tilespmem:v8+s24+$0x0] =	vst.idx.msk vm7, v23  }
0x1bd: {  	v5 =	vnsel vm10, $0x0, v23;
	[tilespmem:v7+s23+$0x0] =	vst.idx.msk vm11, v16  }
0x1be: {  	v5 =	vadd.f32 v5, v29;
	[tilespmem:v7+s24+$0x0] =	vst.idx.msk vm11, v19  }
0x1bf: {  	v8 =	vnsel vm6, $0x0, v19;
	[tilespmem:v63+s23+$0x0] =	vst.idx.msk vm1, v18  }
0x1c0: {  	s2 =	simm.s32 $0x8020;
	v5 =	vadd.f32 v8, v5;
	[tilespmem:v63+s24+$0x0] =	vst.idx.msk vm1, v21  }
0x1c1: {  	v8 =	vmpcnt.ones.xlane vm1;
	v7 =	vnsel vm5, $0x0, v21;
	[tilespmem:s2+$0xFFFFFFE0] =	vst v1  }
0x1c2: {  	vm3 =	vmmov vm9;
	v5 =	vadd.f32 v7, v5;
	[tilespmem:s2+$0x10] =	vst v1  }
0x1c3: {  	vm14 =	vmmov vm11;
	vm15 =	vmmov vm1;
	v7 =	vadd.s32 v61, v8;
	[tilespmem:s2+$0x0] =	vst v1  }
.LBB2_19:
0x1c4: {  	s0 =	sadd.s32 $0x4, s0  }
0x1c5: {  	[tilespmem:s2+$0xFFFFFFF0] =	vst v1;
	s2 =	sadd.s32 $0x40, s2;
	p0 =	slt.u32 s0, $0xFC  }
.Ltmp12:
0x1c6: {  	[tilespmem:s2+$0xFFFFFFE0] =	vst v1;
	(pc) =	sbr.rel @p0 .LBB2_19-.Ltmp12, $3  }
0x1c7: {  	_ =	sdelay $0x1  }
0x1c8: {  	[tilespmem:s2+$0x10] =	vst v1  }
0x1c9: {  	[tilespmem:s2+$0x0] =	vst v1  }
0x1ca: {  	v6 =	vxor.u32 $0x80000000, v6  }
0x1cb: {  	(xrf0) =	vmax.scan.msk.u32 $0xffff, v6;
	_ =	sdelay $0x5  }
0x1cc: {  	v6, _, _ =	vpop (xrf0)  }
0x1cd: {  	(v2sf) =	vpush v6, $0xF  }
0x1ce: {  	(v2sf) =	vpush v7, $0x0;
	_ =	sdelay $0xd  }
0x1cf: {  	[tilespmem:s2+$0xFFFFFFF0] =	vst v1;
	s2 =	spop (v2sf)  }
0x1d0: {  	s0 =	spop (v2sf)  }
0x1d1: {  	s0 =	sadd.s32 $0xF, s0  }
0x1d2: {  	s7 =	sand.u32 $0xF, s0  }
0x1d3: {  	s31 =	sshra.s32 s0, $0x1F;
	p1 =	slt.s32 s0, $0x1;
	p0 =	sne.s32 s7, $0x0  }
0x1d4: {  	s7 =	sshrl.u32 s31, $0x1C;
	p0 =	por !p1, !p0  }
0x1d5: {  	s0 =	sadd.s32 s7, s0;
	s7 =	simm.s32 $0x1;
	p0 =	por !p0, !p0  }
0x1d6: {  	s0 =	sshra.s32 s0, $0x4;
	s7 =	simm.s32 @!p0 $0x0  }
0x1d7: {  	s0 =	ssub.s32 s0, s7  }
0x1d8: {  	p0 =	sgt.s32 s0, $0x0  }
.Ltmp13:
0x1d9: {  	_ = 	snop;
	(pc) =	sbr.rel @!p0 .LBB2_21-.Ltmp13, $2  }
0x1da: {  	_ =	sdelay $0x2  }
0x1db: {  	v6 =	vbroadcast v7, $0x0  }
0x1dc: {  	p1 =	seq.s32 s0, $0x1  }
.Ltmp14:
0x1dd: {  	_ = 	snop;
	(pc) =	sbr.rel @p1 .LBB2_47-.Ltmp14, $3  }
0x1de: {  	_ =	sdelay $0x1  }
0x1df: {  	s8 =	simm.s32 $0x9100;
	s7 =	simm.s32 $0x0  }
0x1e0: {  	s9 =	simm.s32 $0x9110;
	p0 =	por $0x0, $0x0;
	v8 =	vld [tilespmem:s8+$0x0];
	s8 =	sadd.s32 $0xFFFFFFFF, s0  }
0x1e1: {  	_ =	sdelay $0x3  }
0x1e2: {  	v9 =	vor.u32 s7, v0;
	p1 =	seq.s32 s8, $0x1;
	v7 =	vshrl.u32 v8, $0x10  }
.Ltmp15:
0x1e3: {  	vm1 =	vlt.s32 v9, v6;
	v8 =	vld [tilespmem:s9+$0x0];
	v7 =	vand.u32 $0xFF, v7;
	(pc) =	sbr.rel @p1 .LBB2_50-.Ltmp15, $3  }
0x1e4: {  	v7 =	vor.u32 v2, v7;
	_ =	sdelay $0x1  }
0x1e5: {  	s8 =	sadd.s32 $0xFFFFFFFF, s8  }
0x1e6: {  	s7 =	simm.s32 $0x10;
	p0 =	por $0x1, $0x1;
	s9 =	simm.s32 $0x9120  }
.LBB2_49:
0x1e7: {  	v9 =	vor.u32 s7, v0;
	v10 =	vshrl.u32 v8, $0x10;
	v8 =	vld [tilespmem:s9+$0x0];
	p1 =	seq.s32 s8, $0x1  }
.Ltmp16:
0x1e8: {  	s8 =	sadd.s32 $0xFFFFFFFF, s8;
	v10 =	vand.u32 $0xFF, v10;
	[tilespmem:v7+s20+$0x0] =	vst.idx.add.s32.msk vm1, v3;
	vm1 =	vlt.s32 v9, v6;
	(pc) =	sbr.rel @!p1 .LBB2_49-.Ltmp16, $2  }
0x1e9: {  	v7 =	vor.u32 v2, v10;
	_ =	sdelay $0x2  }
0x1ea: {  	s9 =	sadd.s32 $0x10, s9;
	s7 =	sadd.s32 $0x10, s7  }
.LBB2_50:
0x1eb: {  	v9 =	vor.u32 s7, v0;
	v8 =	vshrl.u32 v8, $0x10  }
0x1ec: {  	vm2 =	vlt.s32 v9, v6;
	v8 =	vand.u32 $0xFF, v8  }
0x1ed: {  	v8 =	vor.u32 v2, v8;
	_ =	sdelay $0x3  }
0x1ee: {  	[tilespmem:v7+s20+$0x0] =	vst.idx.add.s32.msk @p0 vm1, v3  }
0x1ef: {  	[tilespmem:v8+s20+$0x0] =	vst.idx.add.s32.msk vm2, v3  }
.LBB2_21:
0x1f0: {  	s7 =	simm.s32 $0x8810;
	s8 =	simm.s32 $0x0  }
0x1f1: {  	v7 =	vld [tilespmem:s7+$0xFFFFF7F0];
	s8 =	sand.u32 $0xE0, s8  }
0x1f2: {  	v8 =	vld [tilespmem:s8+$0x8100]  }
0x1f3: {  	v9 =	vld [tilespmem:s8+$0x8200]  }
0x1f4: {  	v10 =	vld [tilespmem:s8+$0x8300]  }
0x1f5: {  	v11 =	vld [tilespmem:s8+$0x8400]  }
0x1f6: {  	v12 =	vld [tilespmem:s8+$0x8500]  }
0x1f7: {  	v13 =	vld [tilespmem:s8+$0x8600]  }
0x1f8: {  	v14 =	vld [tilespmem:s8+$0x8700]  }
0x1f9: {  	v15 =	vld [tilespmem:s8+$0x8800]  }
0x1fa: {  	v16 =	vld [tilespmem:s8+$0x8900]  }
0x1fb: {  	v17 =	vld [tilespmem:s8+$0x8A00]  }
0x1fc: {  	v18 =	vld [tilespmem:s8+$0x8B00]  }
0x1fd: {  	v19 =	vld [tilespmem:s8+$0x8C00]  }
0x1fe: {  	v20 =	vld [tilespmem:s8+$0x8D00]  }
0x1ff: {  	v21 =	vld [tilespmem:s8+$0x8E00]  }
0x200: {  	v22 =	vld [tilespmem:s8+$0x8F00]  }
0x201: {  	v7 =	vadd.s32 v7, v8;
	v8 =	vld [tilespmem:s7+$0xFFFFF800]  }
0x202: {  	v7 =	vadd.s32 v9, v7;
	v9 =	vld [tilespmem:s7+$0xFFFFF900]  }
0x203: {  	v7 =	vadd.s32 v10, v7;
	v10 =	vld [tilespmem:s7+$0xFFFFFA00]  }
0x204: {  	v7 =	vadd.s32 v11, v7;
	v11 =	vld [tilespmem:s7+$0xFFFFFB00]  }
0x205: {  	v7 =	vadd.s32 v12, v7;
	v12 =	vld [tilespmem:s7+$0xFFFFFC00]  }
0x206: {  	v7 =	vadd.s32 v13, v7;
	v13 =	vld [tilespmem:s7+$0xFFFFFD00]  }
0x207: {  	v7 =	vadd.s32 v14, v7;
	v8 =	vadd.s32 v8, v9;
	v9 =	vld [tilespmem:s7+$0xFFFFFE00]  }
0x208: {  	v7 =	vadd.s32 v15, v7;
	v8 =	vadd.s32 v10, v8;
	v10 =	vld [tilespmem:s7+$0xFFFFFF00]  }
0x209: {  	v7 =	vadd.s32 v16, v7;
	v8 =	vadd.s32 v11, v8;
	v11 =	vld [tilespmem:s7+$0x0]  }
0x20a: {  	v7 =	vadd.s32 v17, v7;
	v8 =	vadd.s32 v12, v8;
	v12 =	vld [tilespmem:s7+$0x100]  }
0x20b: {  	v7 =	vadd.s32 v18, v7;
	v8 =	vadd.s32 v13, v8;
	v13 =	vld [tilespmem:s7+$0x200]  }
0x20c: {  	v14 =	vadd.s32 v19, v7;
	v8 =	vadd.s32 v9, v8;
	v7 =	vld [tilespmem:s7+$0x300]  }
0x20d: {  	v9 =	vadd.s32 v20, v14;
	v10 =	vadd.s32 v10, v8;
	v8 =	vld [tilespmem:s7+$0x400]  }
0x20e: {  	s2 =	sxor.u32 $0x80000000, s2;
	v14 =	vadd.s32 v21, v9;
	v10 =	vadd.s32 v11, v10;
	v9 =	vld [tilespmem:s7+$0x500]  }
0x20f: {  	s31 =	ssub.s32 $0x100, s2;
	s2 =	simm.s32 $0x9010;
	v11 =	vadd.s32 v22, v14;
	v12 =	vadd.s32 v12, v10;
	v10 =	vld [tilespmem:s7+$0x600]  }
0x210: {  	s25 =	simm.s32 $0x0;
	s8 =	simm.s32 $0x20;
	[tilespmem:s2+$0xFFFFFFF0] =	vst v11;
	v11 =	vld [tilespmem:s7+$0x700];
	v12 =	vadd.s32 v13, v12;
	s7 =	simm.s32 $0x8830  }
.LBB2_22:
0x211: {  	v13 =	vld [tilespmem:s7+$0xFFFFF7F0];
	s9 =	sand.u32 $0xE0, s8;
	s25 =	sadd.s32 $0x2, s25;
	v7 =	vadd.s32 v7, v12  }
0x212: {  	v12 =	vld [tilespmem:s9+$0x8100];
	p0 =	slt.u32 s25, $0xE;
	v7 =	vadd.s32 v8, v7  }
0x213: {  	v8 =	vld [tilespmem:s9+$0x8200];
	v7 =	vadd.s32 v9, v7  }
0x214: {  	v9 =	vld [tilespmem:s9+$0x8300];
	v7 =	vadd.s32 v10, v7  }
0x215: {  	v10 =	vld [tilespmem:s9+$0x8400];
	v7 =	vadd.s32 v11, v7  }
0x216: {  	v11 =	vld [tilespmem:s9+$0x8500];
	[tilespmem:s2+$0x0] =	vst v7  }
0x217: {  	v7 =	vld [tilespmem:s9+$0x8600];
	v12 =	vadd.s32 v13, v12  }
0x218: {  	v13 =	vld [tilespmem:s9+$0x8700];
	v8 =	vadd.s32 v8, v12  }
0x219: {  	v12 =	vld [tilespmem:s9+$0x8800];
	v8 =	vadd.s32 v9, v8  }
0x21a: {  	v9 =	vld [tilespmem:s9+$0x8900];
	v8 =	vadd.s32 v10, v8  }
0x21b: {  	v10 =	vld [tilespmem:s9+$0x8A00];
	v8 =	vadd.s32 v11, v8  }
0x21c: {  	v11 =	vld [tilespmem:s9+$0x8B00];
	v7 =	vadd.s32 v7, v8  }
0x21d: {  	v8 =	vld [tilespmem:s9+$0x8C00];
	v7 =	vadd.s32 v13, v7  }
0x21e: {  	v13 =	vld [tilespmem:s9+$0x8D00];
	v7 =	vadd.s32 v12, v7  }
0x21f: {  	v12 =	vld [tilespmem:s9+$0x8E00];
	v7 =	vadd.s32 v9, v7  }
0x220: {  	v9 =	vld [tilespmem:s9+$0x8F00];
	v7 =	vadd.s32 v10, v7  }
0x221: {  	v7 =	vadd.s32 v11, v7;
	v10 =	vld [tilespmem:s7+$0xFFFFF800]  }
0x222: {  	v7 =	vadd.s32 v8, v7;
	v8 =	vld [tilespmem:s7+$0xFFFFF900]  }
0x223: {  	v7 =	vadd.s32 v13, v7;
	v11 =	vld [tilespmem:s7+$0xFFFFFA00]  }
0x224: {  	v7 =	vadd.s32 v12, v7;
	v12 =	vld [tilespmem:s7+$0xFFFFFB00]  }
0x225: {  	s2 =	sadd.s32 $0x20, s2;
	v7 =	vadd.s32 v9, v7;
	v9 =	vld [tilespmem:s7+$0xFFFFFC00]  }
0x226: {  	[tilespmem:s2+$0xFFFFFFF0] =	vst v7;
	v7 =	vld [tilespmem:s7+$0xFFFFFD00]  }
0x227: {  	v13 =	vld [tilespmem:s7+$0xFFFFFE00];
	v8 =	vadd.s32 v10, v8  }
0x228: {  	v10 =	vld [tilespmem:s7+$0xFFFFFF00];
	v8 =	vadd.s32 v11, v8  }
0x229: {  	v11 =	vld [tilespmem:s7+$0x0];
	v8 =	vadd.s32 v12, v8  }
0x22a: {  	v12 =	vld [tilespmem:s7+$0x100];
	v8 =	vadd.s32 v9, v8  }
0x22b: {  	v14 =	vld [tilespmem:s7+$0x200];
	v8 =	vadd.s32 v7, v8  }
.Ltmp17:
0x22c: {  	v7 =	vld [tilespmem:s7+$0x300];
	v9 =	vadd.s32 v13, v8;
	(pc) =	sbr.rel @p0 .LBB2_22-.Ltmp17, $4  }
0x22d: {  	v8 =	vld [tilespmem:s7+$0x400];
	v10 =	vadd.s32 v10, v9  }
0x22e: {  	v9 =	vld [tilespmem:s7+$0x500];
	v11 =	vadd.s32 v11, v10  }
0x22f: {  	v10 =	vld [tilespmem:s7+$0x600];
	v12 =	vadd.s32 v12, v11  }
0x230: {  	s8 =	sadd.s32 $0x20, s8;
	v11 =	vld [tilespmem:s7+$0x700];
	v12 =	vadd.s32 v14, v12;
	s7 =	sadd.s32 $0x20, s7  }
0x231: {  	v7 =	vadd.s32 v7, v12  }
0x232: {  	v7 =	vadd.s32 v8, v7  }
0x233: {  	v7 =	vadd.s32 v9, v7  }
0x234: {  	v7 =	vadd.s32 v10, v7  }
0x235: {  	v7 =	vadd.s32 v11, v7  }
0x236: {  	s7 =	simm.s32 $0x90F0;
	[tilespmem:s2+$0x0] =	vst v7  }
0x237: {  	v11 =	vld [tilespmem:s7+$0x0];
	_ =	sdelay $0x4  }
0x238: {  	s9 =	simm.s32 $0x90E0;
	v14 =	vperm.xlane v11, v4  }
0x239: {  	v13 =	vld [tilespmem:s9+$0x0]  }
0x23a: {  	(xrf0) =	vadd.scan.msk.s32 $0xffff, v14;
	_ =	sdelay $0x3  }
0x23b: {  	s10 =	simm.s32 $0x90D0;
	v15 =	vperm.xlane v13, v4  }
0x23c: {  	s25 =	simm.s32 $0x90C0;
	v10 =	vld [tilespmem:s10+$0x0]  }
0x23d: {  	v9 =	vld [tilespmem:s25+$0x0];
	(xrf0) =	vadd.scan.msk.s32 $0xffff, v15;
	v18, _, _ =	vpop (xrf0)  }
0x23e: {  	v14 =	vsub.s32 v18, v14  }
0x23f: {  	v16 =	vperm.xlane v14, v4  }
0x240: {  	v12 =	vimm.s32 $0x0;
	v8 =	vmov s31  }
0x241: {  	v7 =	vimm.s32 $0xFFFFFFFF;
	s2 =	simm.s32 $0xF0;
	v14 =	vperm.xlane v10, v4;
	v17 =	vadd.s32 v12, v16  }
0x242: {  	s8 =	simm.s32 $0xD0;
	s7 =	simm.s32 $0xE0;
	v19 =	vperm.xlane v9, v4;
	v16 =	vadd.s32 v11, v17;
	v11 =	vor.u32 s2, v0  }
0x243: {  	s9 =	simm.s32 $0xB0;
	s10 =	simm.s32 $0x90B0;
	v20, _, _ =	vpop (xrf0);
	(xrf0) =	vadd.scan.msk.s32 $0xffff, v14;
	s2 =	simm.s32 $0xC0;
	vm1 =	vlt.s32 v17, v8;
	vm2 =	vge.s32 v16, v8;
	v16 =	vimm.s32 $0xFFFFFFFF  }
.LBB2_24:
0x244: {  	v21 =	vsub.s32 v20, v15;
	vm1 =	vmand vm1, vm2;
	v22 =	vbroadcast v18, $0xF;
	v23 =	vmovc v9;
	v9 =	vld [tilespmem:s10+$0x0];
	v15 =	vmovc v14;
	s25 =	smov.u32 s9;
	p0 =	sne.s32 s9, $0x0  }
.Ltmp18:
0x245: {  	v18 =	vmovc v20;
	v21 =	vperm.xlane v21, v4;
	v11 =	vnsel vm1, $0xFFFFFFFF, v11;
	v24 =	vnsel vm1, $0xFFFFFFFF, v17;
	v14 =	vmovc v19;
	(pc) =	sbr.rel @p0 .LBB2_24-.Ltmp18, $4  }
0x246: {  	vm1 =	vgt.s32 v7, v11;
	vm2 =	vgt.s32 v16, v24;
	v12 =	vadd.s32 v12, v22  }
0x247: {  	v17 =	vadd.s32 v12, v21;
	v7 =	vsel vm1, v7, v11;
	v16 =	vsel vm2, v16, v24  }
0x248: {  	s9 =	sadd.s32 $0xFFFFFFF0, s9;
	v11 =	vor.u32 s7, v0;
	s7 =	smov.u32 s8;
	v21 =	vadd.s32 v13, v17;
	v13 =	vmovc v10;
	v10 =	vmov v23  }
0x249: {  	s10 =	sadd.s32 $0xFFFFFFF0, s10;
	s8 =	smov.u32 s2;
	s2 =	smov.u32 s25;
	vm1 =	vlt.s32 v17, v8;
	v19 =	vperm.xlane v9, v4;
	(xrf0) =	vadd.scan.msk.s32 $0xffff, v14;
	v20, _, _ =	vpop (xrf0);
	vm2 =	vge.s32 v21, v8  }
0x24a: {  	_ = 	snop  }
0x24b: {  	(xrf0) =	vadd.scan.msk.s32 $0xffff, v19  }
0x24c: {  	v15 =	vsub.s32 v20, v15;
	v18 =	vbroadcast v18, $0xF;
	vm1 =	vmand vm1, vm2  }
0x24d: {  	v15 =	vperm.xlane v15, v4;
	v17 =	vnsel vm1, $0xFFFFFFFF, v17  }
0x24e: {  	v54 =	vbroadcast v20, $0xF;
	v12 =	vadd.s32 v12, v18;
	vm2 =	vgt.s32 v16, v17  }
0x24f: {  	v15 =	vadd.s32 v12, v15;
	v16 =	vsel vm2, v16, v17;
	v52, _, _ =	vpop (xrf0)  }
0x250: {  	v12 =	vadd.s32 v12, v54;
	v13 =	vadd.s32 v13, v15;
	v53 =	vsub.s32 v52, v14  }
0x251: {  	vm3 =	vlt.s32 v15, v8;
	vm4 =	vge.s32 v13, v8;
	v13 =	vperm.xlane v53, v4;
	v55, _, _ =	vpop (xrf0)  }
0x252: {  	vm2 =	vmand vm3, vm4;
	v57 =	vbroadcast v52, $0xF;
	v56 =	vsub.s32 v55, v19  }
0x253: {  	v15 =	vnsel vm2, $0xFFFFFFFF, v15;
	v13 =	vadd.s32 v12, v13;
	v14 =	vperm.xlane v56, v4  }
0x254: {  	vm3 =	vgt.s32 v16, v15;
	v12 =	vadd.s32 v12, v57;
	v10 =	vadd.s32 v10, v13  }
0x255: {  	vm12 =	vlt.s32 v13, v8;
	vm5 =	vge.s32 v10, v8;
	v58 =	vadd.s32 v12, v14  }
0x256: {  	v59 =	vsel vm3, v16, v15;
	vm3 =	vmand vm12, vm5;
	v9 =	vadd.s32 v9, v58  }
0x257: {  	vm13 =	vlt.s32 v58, v8;
	v13 =	vnsel vm3, $0xFFFFFFFF, v13;
	vm14 =	vge.s32 v9, v8  }
0x258: {  	vm4 =	vmand vm13, vm14;
	vm15 =	vgt.s32 v59, v13  }
0x259: {  	v8 =	vsel vm15, v59, v13;
	v60 =	vnsel vm4, $0xFFFFFFFF, v58  }
0x25a: {  	vm5 =	vgt.s32 v8, v60  }
0x25b: {  	v8 =	vsel vm5, v8, v60  }
0x25c: {  	v8 =	vxor.u32 $0x80000000, v8  }
0x25d: {  	(xrf0) =	vmax.scan.msk.u32 $0xffff, v8;
	_ =	sdelay $0x5  }
0x25e: {  	v8, _, _ =	vpop (xrf0)  }
0x25f: {  	(v2sf) =	vpush v8, $0xF;
	_ =	sdelay $0x6  }
0x260: {  	v8 =	vnsel vm1, $0xFFFFFFFF, v11  }
0x261: {  	v61 =	vor.u32 s7, v0;
	vm1 =	vgt.s32 v7, v8  }
0x262: {  	v7 =	vsel vm1, v7, v8;
	v8 =	vnsel vm2, $0xFFFFFFFF, v61  }
0x263: {  	v62 =	vor.u32 s8, v0;
	p0 =	slt.s32 s0, $0x1;
	vm1 =	vgt.s32 v7, v8  }
.Ltmp19:
0x264: {  	v7 =	vsel vm1, v7, v8;
	v8 =	vnsel vm3, $0xFFFFFFFF, v62;
	(pc) =	sbr.rel @p0 .LBB2_26-.Ltmp19, $4  }
0x265: {  	v63 =	vor.u32 s2, v0;
	vm1 =	vgt.s32 v7, v8  }
0x266: {  	v7 =	vsel vm1, v7, v8;
	v8 =	vnsel vm4, $0xFFFFFFFF, v63  }
0x267: {  	vm1 =	vgt.s32 v7, v8  }
0x268: {  	v7 =	vsel vm1, v7, v8;
	s2 =	spop (v2sf)  }
0x269: {  	v7 =	vxor.u32 $0x80000000, v7  }
0x26a: {  	(xrf0) =	vmax.scan.msk.u32 $0xffff, v7;
	_ =	sdelay $0x5  }
0x26b: {  	v7, _, _ =	vpop (xrf0)  }
0x26c: {  	(v2sf) =	vpush v7, $0xF;
	_ =	sdelay $0xb  }
0x26d: {  	p3 =	seq.s32 s0, $0x1  }
.Ltmp20:
0x26e: {  	_ = 	snop;
	(pc) =	sbr.rel @p3 .LBB2_52-.Ltmp20, $4  }
0x26f: {  	s8 =	simm.s32 $0x9100  }
0x270: {  	s10 =	simm.s32 $0x11180;
	s25 =	simm.s32 $0x0;
	s7 =	spop (v2sf)  }
0x271: {  	s0 =	sadd.s32 $0xFFFFFFFF, s0;
	p0 =	por $0x0, $0x0;
	v9 =	vld [tilespmem:s10+$0x0];
	s7 =	sxor.u32 $0x80000000, s7  }
0x272: {  	v8 =	vimm.s32 $0x0;
	p1 =	por $0x0, $0x0;
	p2 =	por $0x0, $0x0;
	v10 =	vld [tilespmem:s8+$0x0];
	v7 =	vmov s7;
	s7 =	simm.s32 $0x11190  }
0x273: {  	_ =	sdelay $0x3  }
0x274: {  	p3 =	seq.s32 s0, $0x1;
	v11 =	vshrl.u32 v10, $0x10  }
.Ltmp21:
0x275: {  	v12 =	vor.u32 s25, v0;
	v19 =	vld [tilespmem:s7+$0x0];
	v11 =	vand.u32 $0xFF, v11;
	(pc) =	sbr.rel @p3 .LBB2_54-.Ltmp21, $4  }
0x276: {  	vm1 =	vlt.s32 v12, v6;
	vm2 =	vgt.s32 v11, v7  }
0x277: {  	vm3 =	veq.s32 v11, v7;
	vm2 =	vmand vm1, vm2  }
0x278: {  	s8 =	simm.s32 $0x9110;
	vm1 =	vmand vm1, vm3;
	v11 =	vnsel vm2, $0x0, v9  }
0x279: {  	s7 =	sadd.s32 $0xFFFFFFFF, s0;
	p0 =	por $0x1, $0x1;
	v12 =	vld [tilespmem:s8+$0x0];
	s8 =	simm.s32 $0x111A0;
	v13 =	vmpcnt.ones.xlane vm1;
	(xrf0) =	vadd.scan.msk.s32 vm1, v3;
	v5 =	vadd.f32 v11, v5  }
0x27a: {  	_ =	sdelay $0x3  }
0x27b: {  	s0 =	simm.s32 $0x10;
	v11 =	vshrl.u32 v12, $0x10  }
0x27c: {  	p3 =	seq.s32 s7, $0x1;
	v14 =	vor.u32 s0, v0;
	v11 =	vand.u32 $0xFF, v11  }
.Ltmp22:
0x27d: {  	vm3 =	vmmov vm1;
	vm4 =	vgt.s32 v11, v7;
	vm1 =	veq.s32 v11, v7;
	v11 =	vld [tilespmem:s8+$0x0];
	(pc) =	sbr.rel @p3 .LBB2_56-.Ltmp22, $4  }
0x27e: {  	vm2 =	vlt.s32 v14, v6  }
0x27f: {  	v14, _, _ =	vpop (xrf0);
	vm4 =	vmand vm2, vm4  }
0x280: {  	s9 =	simm.s32 $0x9120;
	v14 =	vadd.s32 v14, v8;
	vm1 =	vmand vm2, vm1;
	v15 =	vnsel vm4, $0x0, v19  }
0x281: {  	p1 =	por $0x1, $0x1;
	v22 =	vld [tilespmem:s9+$0x0];
	s8 =	sadd.s32 $0xFFFFFFFF, s7;
	s7 =	simm.s32 $0x111B0;
	v18 =	vadd.s32 $0xFFFFFFFF, v14;
	v16 =	vmpcnt.ones.xlane vm1;
	(xrf0) =	vadd.scan.msk.s32 vm1, v3;
	v5 =	vadd.f32 v15, v5  }
0x282: {  	_ =	sdelay $0x3  }
0x283: {  	v14 =	vshrl.u32 v22, $0x10  }
0x284: {  	vm4 =	vgt.s32 v18, $0x0;
	s0 =	simm.s32 $0x20;
	v14 =	vand.u32 $0xFF, v14  }
0x285: {  	vm2 =	vmmov vm3;
	v15 =	vnsel vm4, $0x0, v18;
	v17 =	vor.u32 s0, v0  }
0x286: {  	p3 =	seq.s32 s8, $0x1;
	vm4 =	vmmov vm1;
	vm1 =	vlt.s32 v17, v6;
	vm5 =	vgt.s32 v14, v7  }
.Ltmp23:
0x287: {  	v20 =	vadd.s32 v8, v13;
	v25 =	vld [tilespmem:s7+$0x0];
	s7 =	simm.s32 $0x9130;
	vm6 =	veq.s32 v14, v7;
	vm5 =	vmand vm1, vm5;
	v14, _, _ =	vpop (xrf0);
	(pc) =	sbr.rel @p3 .LBB2_58-.Ltmp23, $4  }
0x288: {  	v17 =	vnsel vm5, $0x0, v11;
	v21 =	vadd.s32 v14, v20;
	v14 =	vld [tilespmem:s7+$0x0]  }
0x289: {  	vm1 =	vmand vm1, vm6  }
0x28a: {  	(xrf0) =	vadd.scan.msk.s32 vm1, v3  }
0x28b: {  	s8 =	sadd.s32 $0xFFFFFFFF, s8;
	s9 =	simm.s32 $0x111C0;
	p2 =	por $0x1, $0x1;
	[tilespmem:v15+s23+$0x0] =	vst.idx.msk vm3, v10;
	v27 =	vmpcnt.ones.xlane vm1;
	v5 =	vadd.f32 v17, v5;
	v21 =	vadd.s32 $0xFFFFFFFF, v21;
	v17 =	vmovc v9  }
.LBB2_59:
0x28c: {  	p3 =	seq.s32 s8, $0x1;
	s8 =	sadd.s32 $0xFFFFFFFF, s8;
	vm5 =	vgt.s32 v21, $0x0;
	[tilespmem:v15+s24+$0x0] =	vst.idx.msk vm2, v17;
	v17 =	vmovc v19;
	v19 =	vmovc v11;
	v11 =	vmov v25;
	v25 =	vld [tilespmem:s9+$0x0];
	vm2 =	vmmov vm4  }
0x28d: {  	s0 =	sadd.s32 $0x10, s0;
	vm4 =	vmmov vm1;
	v23 =	vshrl.u32 v14, $0x10;
	v15 =	vnsel vm5, $0x0, v21;
	v24 =	vmovc v14  }
.Ltmp24:
0x28e: {  	s7 =	sadd.s32 $0x10, s7;
	v26 =	vor.u32 s0, v0;
	v23 =	vand.u32 $0xFF, v23;
	(pc) =	sbr.rel @!p3 .LBB2_59-.Ltmp24, $4  }
0x28f: {  	vm1 =	vlt.s32 v26, v6;
	v14 =	vld [tilespmem:s7+$0x0];
	vm5 =	vgt.s32 v23, v7;
	vm6 =	veq.s32 v23, v7  }
0x290: {  	v20 =	vadd.s32 v20, v16;
	vm5 =	vmand vm1, vm5;
	vm1 =	vmand vm1, vm6;
	v21, _, _ =	vpop (xrf0)  }
0x291: {  	v16 =	vmovc v27;
	v23 =	vnsel vm5, $0x0, v11;
	(xrf0) =	vadd.scan.msk.s32 vm1, v3;
	v21 =	vadd.s32 v21, v20;
	v27 =	vmpcnt.ones.xlane vm1  }
0x292: {  	s9 =	sadd.s32 $0x10, s9;
	v5 =	vadd.f32 v23, v5;
	v21 =	vadd.s32 $0xFFFFFFFF, v21;
	[tilespmem:v15+s23+$0x0] =	vst.idx.msk vm2, v12;
	v12 =	vmovc v22;
	v22 =	vmov v24  }
0x293: {  	v23 =	vmov v11;
	v28 =	vmov v16  }
0x294: {  	v26 =	vmovc v12;
	v24 =	vmovc v19;
	v11 =	vmov v25;
	v16 =	vmov v27;
	v12 =	vmov v22  }
.LBB2_61:
0x295: {  	s0 =	sadd.s32 @p0 $0x10, s0  }
0x296: {  	v19 =	vshrl.u32 v14, $0x10;
	s25 =	smov.u32 @p0 s0  }
0x297: {  	v19 =	vand.u32 $0xFF, v19;
	v22 =	vor.u32 s25, v0  }
0x298: {  	vm6 =	veq.s32 v19, v7;
	vm5 =	vlt.s32 v22, v6  }
0x299: {  	vm6 =	vmand vm5, vm6  }
0x29a: {  	(xrf0) =	vadd.scan.msk.s32 vm6, v3  }
0x29b: {  	vm7 =	vgt.s32 @p1 v21, $0x0  }
0x29c: {  	vm4 =	vmmov @p1 vm4;
	vm1 =	vmmov @p0 vm1;
	v6 =	vadd.s32 @p1 v20, v28  }
0x29d: {  	v13 =	vpsel p0, v16, v13;
	v21 =	vnsel @p1 vm7, $0x0, v21;
	v20, _, _ =	vpop @p0 (xrf0);
	v6 =	vpsel p1, v6, v8  }
0x29e: {  	vm7 =	vmmov @p1 vm4;
	vm3 =	vmmov @p0 vm1;
	v20 =	vadd.s32 @p0 v20, v6  }
0x29f: {  	v16 =	vpsel p1, v21, v0;
	v6 =	vadd.s32 @p0 v6, v13;
	v20 =	vadd.s32 @p0 $0xFFFFFFFF, v20  }
0x2a0: {  	vm3 =	vmmov @p0 vm3;
	v6 =	vpsel p0, v6, v8;
	v18 =	vpsel p0, v20, v18;
	v63, _, _ =	vpop (xrf0)  }
0x2a1: {  	vm8 =	vmmov @p0 vm3;
	vm1 =	vgt.s32 @p0 v18, $0x0;
	v13 =	vadd.s32 v63, v6  }
0x2a2: {  	v8 =	vnsel @p0 vm1, $0x0, v18;
	vm1 =	vmmov vm6;
	v13 =	vadd.s32 $0xFFFFFFFF, v13  }
0x2a3: {  	v18 =	vpsel p0, v8, v0;
	vm1 =	vmmov vm1;
	vm9 =	vgt.s32 v13, $0x0  }
0x2a4: {  	[tilespmem:v15+s24+$0x0] =	vst.idx.msk @p2 vm2, v17;
	v15 =	vmov @p1 v24;
	v13 =	vnsel vm9, $0x0, v13  }
0x2a5: {  	v17 =	vmov @p0 v23;
	v10 =	vpsel p0, v12, v10;
	v15 =	vpsel p1, v15, v0;
	[tilespmem:v21+s23+$0x0] =	vst.idx.msk @p1 vm4, v26  }
.Ltmp25:
0x2a6: {  	v9 =	vpsel p0, v17, v9;
	vm2 =	vgt.s32 v19, v7;
	[tilespmem:v16+s24+$0x0] =	vst.idx.msk @p1 vm7, v15;
	(pc) =	sbr.rel .LBB2_27-.Ltmp25, $4  }
0x2a7: {  	v7 =	vpsel p0, v9, v0;
	vm2 =	vmand vm5, vm2;
	[tilespmem:v8+s23+$0x0] =	vst.idx.msk @p0 vm3, v10  }
0x2a8: {  	v8 =	vmpcnt.ones.xlane vm6;
	[tilespmem:v18+s24+$0x0] =	vst.idx.msk @p0 vm8, v7;
	v7 =	vnsel vm2, $0x0, v11  }
0x2a9: {  	v5 =	vadd.f32 v7, v5;
	[tilespmem:v13+s23+$0x0] =	vst.idx.msk vm1, v14  }
0x2aa: {  	v6 =	vadd.s32 v6, v8;
	[tilespmem:v13+s24+$0x0] =	vst.idx.msk vm1, v11  }
.LBB2_26:
0x2ab: {  	v6 =	vimm.s32 $0x0  }
.LBB2_27:
0x2ac: {  	s0 =	simm.s32 $0x8020  }
0x2ad: {  	[tilespmem:s0+$0xFFFFFFE0] =	vst v1  }
0x2ae: {  	[tilespmem:s0+$0x10] =	vst v1  }
0x2af: {  	s2 =	sxor.u32 $0x80000000, s2;
	s7 =	simm.s32 $0x0;
	[tilespmem:s0+$0x0] =	vst v1  }
.LBB2_28:
0x2b0: {  	s7 =	sadd.s32 $0x4, s7  }
0x2b1: {  	[tilespmem:s0+$0xFFFFFFF0] =	vst v1;
	s0 =	sadd.s32 $0x40, s0;
	p0 =	slt.u32 s7, $0xFC  }
.Ltmp26:
0x2b2: {  	[tilespmem:s0+$0xFFFFFFE0] =	vst v1;
	(pc) =	sbr.rel @p0 .LBB2_28-.Ltmp26, $3  }
0x2b3: {  	_ =	sdelay $0x1  }
0x2b4: {  	[tilespmem:s0+$0x10] =	vst v1  }
0x2b5: {  	[tilespmem:s0+$0x0] =	vst v1  }
0x2b6: {  	(v2sf) =	vpush v6, $0x0;
	_ =	sdelay $0xe  }
0x2b7: {  	s10 =	spop (v2sf)  }
0x2b8: {  	[tilespmem:s0+$0xFFFFFFF0] =	vst v1;
	s0 =	sadd.s32 $0xF, s10  }
0x2b9: {  	s7 =	sand.u32 $0xF, s0  }
0x2ba: {  	s25 =	sshra.s32 s0, $0x1F;
	p1 =	slt.s32 s0, $0x1;
	p0 =	sne.s32 s7, $0x0  }
0x2bb: {  	s7 =	sshrl.u32 s25, $0x1C;
	p0 =	por !p1, !p0  }
0x2bc: {  	s0 =	sadd.s32 s7, s0;
	s7 =	simm.s32 $0x1;
	p0 =	por !p0, !p0  }
0x2bd: {  	s0 =	sshra.s32 s0, $0x4;
	s7 =	simm.s32 @!p0 $0x0  }
0x2be: {  	s0 =	ssub.s32 s0, s7  }
0x2bf: {  	p0 =	sgt.s32 s0, $0x0  }
.Ltmp27:
0x2c0: {  	_ = 	snop;
	(pc) =	sbr.rel @!p0 .LBB2_30-.Ltmp27, $2  }
0x2c1: {  	_ =	sdelay $0x2  }
0x2c2: {  	v6 =	vbroadcast v6, $0x0  }
0x2c3: {  	p1 =	seq.s32 s0, $0x1  }
.Ltmp28:
0x2c4: {  	_ = 	snop;
	(pc) =	sbr.rel @p1 .LBB2_63-.Ltmp28, $3  }
0x2c5: {  	_ =	sdelay $0x1  }
0x2c6: {  	s8 =	simm.s32 $0x9100;
	s7 =	simm.s32 $0x0  }
0x2c7: {  	s9 =	simm.s32 $0x9110;
	p0 =	por $0x0, $0x0;
	v8 =	vld [tilespmem:s8+$0x0];
	s8 =	sadd.s32 $0xFFFFFFFF, s0  }
0x2c8: {  	_ =	sdelay $0x3  }
0x2c9: {  	v9 =	vor.u32 s7, v0;
	p1 =	seq.s32 s8, $0x1;
	v7 =	vshrl.u32 v8, $0x8  }
.Ltmp29:
0x2ca: {  	vm1 =	vlt.s32 v9, v6;
	v8 =	vld [tilespmem:s9+$0x0];
	v7 =	vand.u32 $0xFF, v7;
	(pc) =	sbr.rel @p1 .LBB2_66-.Ltmp29, $3  }
0x2cb: {  	v7 =	vor.u32 v2, v7;
	_ =	sdelay $0x1  }
0x2cc: {  	s8 =	sadd.s32 $0xFFFFFFFF, s8  }
0x2cd: {  	s7 =	simm.s32 $0x10;
	p0 =	por $0x1, $0x1;
	s9 =	simm.s32 $0x9120  }
.LBB2_65:
0x2ce: {  	v9 =	vor.u32 s7, v0;
	v10 =	vshrl.u32 v8, $0x8;
	v8 =	vld [tilespmem:s9+$0x0];
	p1 =	seq.s32 s8, $0x1  }
.Ltmp30:
0x2cf: {  	s8 =	sadd.s32 $0xFFFFFFFF, s8;
	v10 =	vand.u32 $0xFF, v10;
	[tilespmem:v7+s20+$0x0] =	vst.idx.add.s32.msk vm1, v3;
	vm1 =	vlt.s32 v9, v6;
	(pc) =	sbr.rel @!p1 .LBB2_65-.Ltmp30, $2  }
0x2d0: {  	v7 =	vor.u32 v2, v10;
	_ =	sdelay $0x2  }
0x2d1: {  	s9 =	sadd.s32 $0x10, s9;
	s7 =	sadd.s32 $0x10, s7  }
.LBB2_66:
0x2d2: {  	v9 =	vor.u32 s7, v0;
	v8 =	vshrl.u32 v8, $0x8  }
0x2d3: {  	vm2 =	vlt.s32 v9, v6;
	v8 =	vand.u32 $0xFF, v8  }
0x2d4: {  	v8 =	vor.u32 v2, v8;
	_ =	sdelay $0x3  }
0x2d5: {  	[tilespmem:v7+s20+$0x0] =	vst.idx.add.s32.msk @p0 vm1, v3  }
0x2d6: {  	[tilespmem:v8+s20+$0x0] =	vst.idx.add.s32.msk vm2, v3  }
.LBB2_30:
0x2d7: {  	s7 =	simm.s32 $0x8810;
	s8 =	simm.s32 $0x0  }
0x2d8: {  	v7 =	vld [tilespmem:s7+$0xFFFFF7F0];
	s8 =	sand.u32 $0xE0, s8  }
0x2d9: {  	v8 =	vld [tilespmem:s8+$0x8100]  }
0x2da: {  	v9 =	vld [tilespmem:s8+$0x8200]  }
0x2db: {  	v10 =	vld [tilespmem:s8+$0x8300]  }
0x2dc: {  	v11 =	vld [tilespmem:s8+$0x8400]  }
0x2dd: {  	v12 =	vld [tilespmem:s8+$0x8500]  }
0x2de: {  	v13 =	vld [tilespmem:s8+$0x8600]  }
0x2df: {  	v14 =	vld [tilespmem:s8+$0x8700]  }
0x2e0: {  	v15 =	vld [tilespmem:s8+$0x8800]  }
0x2e1: {  	v16 =	vld [tilespmem:s8+$0x8900]  }
0x2e2: {  	v17 =	vld [tilespmem:s8+$0x8A00]  }
0x2e3: {  	v18 =	vld [tilespmem:s8+$0x8B00]  }
0x2e4: {  	v19 =	vld [tilespmem:s8+$0x8C00]  }
0x2e5: {  	v20 =	vld [tilespmem:s8+$0x8D00]  }
0x2e6: {  	v21 =	vld [tilespmem:s8+$0x8E00]  }
0x2e7: {  	v22 =	vld [tilespmem:s8+$0x8F00]  }
0x2e8: {  	v7 =	vadd.s32 v7, v8;
	v8 =	vld [tilespmem:s7+$0xFFFFF800]  }
0x2e9: {  	v7 =	vadd.s32 v9, v7;
	v9 =	vld [tilespmem:s7+$0xFFFFF900]  }
0x2ea: {  	v7 =	vadd.s32 v10, v7;
	v10 =	vld [tilespmem:s7+$0xFFFFFA00]  }
0x2eb: {  	v7 =	vadd.s32 v11, v7;
	v11 =	vld [tilespmem:s7+$0xFFFFFB00]  }
0x2ec: {  	v7 =	vadd.s32 v12, v7;
	v12 =	vld [tilespmem:s7+$0xFFFFFC00]  }
0x2ed: {  	v7 =	vadd.s32 v13, v7;
	v13 =	vld [tilespmem:s7+$0xFFFFFD00]  }
0x2ee: {  	v7 =	vadd.s32 v14, v7;
	v8 =	vadd.s32 v8, v9;
	v9 =	vld [tilespmem:s7+$0xFFFFFE00]  }
0x2ef: {  	v7 =	vadd.s32 v15, v7;
	v8 =	vadd.s32 v10, v8;
	v10 =	vld [tilespmem:s7+$0xFFFFFF00]  }
0x2f0: {  	v7 =	vadd.s32 v16, v7;
	v8 =	vadd.s32 v11, v8;
	v11 =	vld [tilespmem:s7+$0x0]  }
0x2f1: {  	v7 =	vadd.s32 v17, v7;
	v8 =	vadd.s32 v12, v8;
	v12 =	vld [tilespmem:s7+$0x100]  }
0x2f2: {  	v7 =	vadd.s32 v18, v7;
	v8 =	vadd.s32 v13, v8;
	v13 =	vld [tilespmem:s7+$0x200]  }
0x2f3: {  	v14 =	vadd.s32 v19, v7;
	v8 =	vadd.s32 v9, v8;
	v7 =	vld [tilespmem:s7+$0x300]  }
0x2f4: {  	v9 =	vadd.s32 v20, v14;
	v10 =	vadd.s32 v10, v8;
	v8 =	vld [tilespmem:s7+$0x400]  }
0x2f5: {  	v14 =	vadd.s32 v21, v9;
	v10 =	vadd.s32 v11, v10;
	v9 =	vld [tilespmem:s7+$0x500]  }
0x2f6: {  	s31 =	ssub.s32 s31, s2;
	s2 =	simm.s32 $0x9010;
	v11 =	vadd.s32 v22, v14;
	v12 =	vadd.s32 v12, v10;
	v10 =	vld [tilespmem:s7+$0x600]  }
0x2f7: {  	s25 =	simm.s32 $0x0;
	s8 =	simm.s32 $0x20;
	[tilespmem:s2+$0xFFFFFFF0] =	vst v11;
	v11 =	vld [tilespmem:s7+$0x700];
	v12 =	vadd.s32 v13, v12;
	s7 =	simm.s32 $0x8830  }
.LBB2_31:
0x2f8: {  	v13 =	vld [tilespmem:s7+$0xFFFFF7F0];
	s9 =	sand.u32 $0xE0, s8;
	s25 =	sadd.s32 $0x2, s25;
	v7 =	vadd.s32 v7, v12  }
0x2f9: {  	v12 =	vld [tilespmem:s9+$0x8100];
	p0 =	slt.u32 s25, $0xE;
	v7 =	vadd.s32 v8, v7  }
0x2fa: {  	v8 =	vld [tilespmem:s9+$0x8200];
	v7 =	vadd.s32 v9, v7  }
0x2fb: {  	v9 =	vld [tilespmem:s9+$0x8300];
	v7 =	vadd.s32 v10, v7  }
0x2fc: {  	v10 =	vld [tilespmem:s9+$0x8400];
	v7 =	vadd.s32 v11, v7  }
0x2fd: {  	v11 =	vld [tilespmem:s9+$0x8500];
	[tilespmem:s2+$0x0] =	vst v7  }
0x2fe: {  	v7 =	vld [tilespmem:s9+$0x8600];
	v12 =	vadd.s32 v13, v12  }
0x2ff: {  	v13 =	vld [tilespmem:s9+$0x8700];
	v8 =	vadd.s32 v8, v12  }
0x300: {  	v12 =	vld [tilespmem:s9+$0x8800];
	v8 =	vadd.s32 v9, v8  }
0x301: {  	v9 =	vld [tilespmem:s9+$0x8900];
	v8 =	vadd.s32 v10, v8  }
0x302: {  	v10 =	vld [tilespmem:s9+$0x8A00];
	v8 =	vadd.s32 v11, v8  }
0x303: {  	v11 =	vld [tilespmem:s9+$0x8B00];
	v7 =	vadd.s32 v7, v8  }
0x304: {  	v8 =	vld [tilespmem:s9+$0x8C00];
	v7 =	vadd.s32 v13, v7  }
0x305: {  	v13 =	vld [tilespmem:s9+$0x8D00];
	v7 =	vadd.s32 v12, v7  }
0x306: {  	v12 =	vld [tilespmem:s9+$0x8E00];
	v7 =	vadd.s32 v9, v7  }
0x307: {  	v9 =	vld [tilespmem:s9+$0x8F00];
	v7 =	vadd.s32 v10, v7  }
0x308: {  	v7 =	vadd.s32 v11, v7;
	v10 =	vld [tilespmem:s7+$0xFFFFF800]  }
0x309: {  	v7 =	vadd.s32 v8, v7;
	v8 =	vld [tilespmem:s7+$0xFFFFF900]  }
0x30a: {  	v7 =	vadd.s32 v13, v7;
	v11 =	vld [tilespmem:s7+$0xFFFFFA00]  }
0x30b: {  	v7 =	vadd.s32 v12, v7;
	v12 =	vld [tilespmem:s7+$0xFFFFFB00]  }
0x30c: {  	s2 =	sadd.s32 $0x20, s2;
	v7 =	vadd.s32 v9, v7;
	v9 =	vld [tilespmem:s7+$0xFFFFFC00]  }
0x30d: {  	[tilespmem:s2+$0xFFFFFFF0] =	vst v7;
	v7 =	vld [tilespmem:s7+$0xFFFFFD00]  }
0x30e: {  	v13 =	vld [tilespmem:s7+$0xFFFFFE00];
	v8 =	vadd.s32 v10, v8  }
0x30f: {  	v10 =	vld [tilespmem:s7+$0xFFFFFF00];
	v8 =	vadd.s32 v11, v8  }
0x310: {  	v11 =	vld [tilespmem:s7+$0x0];
	v8 =	vadd.s32 v12, v8  }
0x311: {  	v12 =	vld [tilespmem:s7+$0x100];
	v8 =	vadd.s32 v9, v8  }
0x312: {  	v14 =	vld [tilespmem:s7+$0x200];
	v8 =	vadd.s32 v7, v8  }
.Ltmp31:
0x313: {  	v7 =	vld [tilespmem:s7+$0x300];
	v9 =	vadd.s32 v13, v8;
	(pc) =	sbr.rel @p0 .LBB2_31-.Ltmp31, $4  }
0x314: {  	v8 =	vld [tilespmem:s7+$0x400];
	v10 =	vadd.s32 v10, v9  }
0x315: {  	v9 =	vld [tilespmem:s7+$0x500];
	v11 =	vadd.s32 v11, v10  }
0x316: {  	v10 =	vld [tilespmem:s7+$0x600];
	v12 =	vadd.s32 v12, v11  }
0x317: {  	s8 =	sadd.s32 $0x20, s8;
	v11 =	vld [tilespmem:s7+$0x700];
	v12 =	vadd.s32 v14, v12;
	s7 =	sadd.s32 $0x20, s7  }
0x318: {  	v7 =	vadd.s32 v7, v12  }
0x319: {  	v7 =	vadd.s32 v8, v7  }
0x31a: {  	v7 =	vadd.s32 v9, v7  }
0x31b: {  	v7 =	vadd.s32 v10, v7  }
0x31c: {  	v7 =	vadd.s32 v11, v7  }
0x31d: {  	s7 =	simm.s32 $0x90F0;
	[tilespmem:s2+$0x0] =	vst v7  }
0x31e: {  	v11 =	vld [tilespmem:s7+$0x0];
	_ =	sdelay $0x4  }
0x31f: {  	s9 =	simm.s32 $0x90E0;
	v14 =	vperm.xlane v11, v4  }
0x320: {  	v13 =	vld [tilespmem:s9+$0x0]  }
0x321: {  	(xrf0) =	vadd.scan.msk.s32 $0xffff, v14;
	_ =	sdelay $0x3  }
0x322: {  	s10 =	simm.s32 $0x90D0;
	v15 =	vperm.xlane v13, v4  }
0x323: {  	s25 =	simm.s32 $0x90C0;
	v10 =	vld [tilespmem:s10+$0x0]  }
0x324: {  	v9 =	vld [tilespmem:s25+$0x0];
	(xrf0) =	vadd.scan.msk.s32 $0xffff, v15;
	v18, _, _ =	vpop (xrf0)  }
0x325: {  	v14 =	vsub.s32 v18, v14  }
0x326: {  	v16 =	vperm.xlane v14, v4  }
0x327: {  	v12 =	vimm.s32 $0x0;
	v8 =	vmov s31  }
0x328: {  	v7 =	vimm.s32 $0xFFFFFFFF;
	s2 =	simm.s32 $0xF0;
	v14 =	vperm.xlane v10, v4;
	v17 =	vadd.s32 v12, v16  }
0x329: {  	s8 =	simm.s32 $0xD0;
	s7 =	simm.s32 $0xE0;
	v19 =	vperm.xlane v9, v4;
	v16 =	vadd.s32 v11, v17;
	v11 =	vor.u32 s2, v0  }
0x32a: {  	s9 =	simm.s32 $0xB0;
	s10 =	simm.s32 $0x90B0;
	v20, _, _ =	vpop (xrf0);
	(xrf0) =	vadd.scan.msk.s32 $0xffff, v14;
	s2 =	simm.s32 $0xC0;
	vm1 =	vlt.s32 v17, v8;
	vm2 =	vge.s32 v16, v8;
	v16 =	vimm.s32 $0xFFFFFFFF  }
.LBB2_33:
0x32b: {  	v21 =	vsub.s32 v20, v15;
	vm1 =	vmand vm1, vm2;
	v22 =	vbroadcast v18, $0xF;
	v23 =	vmovc v9;
	v9 =	vld [tilespmem:s10+$0x0];
	v15 =	vmovc v14;
	s25 =	smov.u32 s9;
	p0 =	sne.s32 s9, $0x0  }
.Ltmp32:
0x32c: {  	v18 =	vmovc v20;
	v21 =	vperm.xlane v21, v4;
	v11 =	vnsel vm1, $0xFFFFFFFF, v11;
	v24 =	vnsel vm1, $0xFFFFFFFF, v17;
	v14 =	vmovc v19;
	(pc) =	sbr.rel @p0 .LBB2_33-.Ltmp32, $4  }
0x32d: {  	vm1 =	vgt.s32 v7, v11;
	vm2 =	vgt.s32 v16, v24;
	v12 =	vadd.s32 v12, v22  }
0x32e: {  	v17 =	vadd.s32 v12, v21;
	v7 =	vsel vm1, v7, v11;
	v16 =	vsel vm2, v16, v24  }
0x32f: {  	s9 =	sadd.s32 $0xFFFFFFF0, s9;
	v11 =	vor.u32 s7, v0;
	s7 =	smov.u32 s8;
	v21 =	vadd.s32 v13, v17;
	v13 =	vmovc v10;
	v10 =	vmov v23  }
0x330: {  	s10 =	sadd.s32 $0xFFFFFFF0, s10;
	s8 =	smov.u32 s2;
	s2 =	smov.u32 s25;
	vm1 =	vlt.s32 v17, v8;
	v19 =	vperm.xlane v9, v4;
	(xrf0) =	vadd.scan.msk.s32 $0xffff, v14;
	v20, _, _ =	vpop (xrf0);
	vm2 =	vge.s32 v21, v8  }
0x331: {  	_ = 	snop  }
0x332: {  	(xrf0) =	vadd.scan.msk.s32 $0xffff, v19  }
0x333: {  	v15 =	vsub.s32 v20, v15;
	v18 =	vbroadcast v18, $0xF;
	vm1 =	vmand vm1, vm2  }
0x334: {  	v15 =	vperm.xlane v15, v4;
	v17 =	vnsel vm1, $0xFFFFFFFF, v17  }
0x335: {  	v54 =	vbroadcast v20, $0xF;
	v12 =	vadd.s32 v12, v18;
	vm2 =	vgt.s32 v16, v17  }
0x336: {  	v15 =	vadd.s32 v12, v15;
	v16 =	vsel vm2, v16, v17;
	v52, _, _ =	vpop (xrf0)  }
0x337: {  	v12 =	vadd.s32 v12, v54;
	v13 =	vadd.s32 v13, v15;
	v53 =	vsub.s32 v52, v14  }
0x338: {  	vm3 =	vlt.s32 v15, v8;
	vm4 =	vge.s32 v13, v8;
	v13 =	vperm.xlane v53, v4;
	v55, _, _ =	vpop (xrf0)  }
0x339: {  	vm2 =	vmand vm3, vm4;
	v57 =	vbroadcast v52, $0xF;
	v56 =	vsub.s32 v55, v19  }
0x33a: {  	v15 =	vnsel vm2, $0xFFFFFFFF, v15;
	v13 =	vadd.s32 v12, v13;
	v14 =	vperm.xlane v56, v4  }
0x33b: {  	vm3 =	vgt.s32 v16, v15;
	v12 =	vadd.s32 v12, v57;
	v10 =	vadd.s32 v10, v13  }
0x33c: {  	vm12 =	vlt.s32 v13, v8;
	vm5 =	vge.s32 v10, v8;
	v58 =	vadd.s32 v12, v14  }
0x33d: {  	v59 =	vsel vm3, v16, v15;
	vm3 =	vmand vm12, vm5;
	v9 =	vadd.s32 v9, v58  }
0x33e: {  	vm13 =	vlt.s32 v58, v8;
	v13 =	vnsel vm3, $0xFFFFFFFF, v13;
	vm14 =	vge.s32 v9, v8  }
0x33f: {  	vm4 =	vmand vm13, vm14;
	vm15 =	vgt.s32 v59, v13  }
0x340: {  	v8 =	vsel vm15, v59, v13;
	v60 =	vnsel vm4, $0xFFFFFFFF, v58  }
0x341: {  	vm5 =	vgt.s32 v8, v60  }
0x342: {  	v8 =	vsel vm5, v8, v60  }
0x343: {  	v8 =	vxor.u32 $0x80000000, v8  }
0x344: {  	(xrf0) =	vmax.scan.msk.u32 $0xffff, v8;
	_ =	sdelay $0x5  }
0x345: {  	v8, _, _ =	vpop (xrf0)  }
0x346: {  	(v2sf) =	vpush v8, $0xF;
	_ =	sdelay $0x6  }
0x347: {  	v8 =	vnsel vm1, $0xFFFFFFFF, v11  }
0x348: {  	v61 =	vor.u32 s7, v0;
	vm1 =	vgt.s32 v7, v8  }
0x349: {  	v7 =	vsel vm1, v7, v8;
	v8 =	vnsel vm2, $0xFFFFFFFF, v61  }
0x34a: {  	v62 =	vor.u32 s8, v0;
	p0 =	slt.s32 s0, $0x1;
	vm1 =	vgt.s32 v7, v8  }
.Ltmp33:
0x34b: {  	v7 =	vsel vm1, v7, v8;
	v8 =	vnsel vm3, $0xFFFFFFFF, v62;
	(pc) =	sbr.rel @p0 .LBB2_35-.Ltmp33, $4  }
0x34c: {  	v63 =	vor.u32 s2, v0;
	vm1 =	vgt.s32 v7, v8  }
0x34d: {  	v7 =	vsel vm1, v7, v8;
	v8 =	vnsel vm4, $0xFFFFFFFF, v63  }
0x34e: {  	vm1 =	vgt.s32 v7, v8  }
0x34f: {  	v7 =	vsel vm1, v7, v8;
	s2 =	spop (v2sf)  }
0x350: {  	v7 =	vxor.u32 $0x80000000, v7  }
0x351: {  	(xrf0) =	vmax.scan.msk.u32 $0xffff, v7;
	_ =	sdelay $0x5  }
0x352: {  	v7, _, _ =	vpop (xrf0)  }
0x353: {  	(v2sf) =	vpush v7, $0xF;
	_ =	sdelay $0xb  }
0x354: {  	p3 =	seq.s32 s0, $0x1  }
.Ltmp34:
0x355: {  	_ = 	snop;
	(pc) =	sbr.rel @p3 .LBB2_68-.Ltmp34, $4  }
0x356: {  	s8 =	simm.s32 $0x9100  }
0x357: {  	s10 =	simm.s32 $0x11180;
	s25 =	simm.s32 $0x0;
	s7 =	spop (v2sf)  }
0x358: {  	s0 =	sadd.s32 $0xFFFFFFFF, s0;
	p0 =	por $0x0, $0x0;
	v9 =	vld [tilespmem:s10+$0x0];
	s7 =	sxor.u32 $0x80000000, s7  }
0x359: {  	v8 =	vimm.s32 $0x0;
	p1 =	por $0x0, $0x0;
	p2 =	por $0x0, $0x0;
	v10 =	vld [tilespmem:s8+$0x0];
	v7 =	vmov s7;
	s7 =	simm.s32 $0x11190  }
0x35a: {  	_ =	sdelay $0x3  }
0x35b: {  	p3 =	seq.s32 s0, $0x1;
	v11 =	vshrl.u32 v10, $0x8  }
.Ltmp35:
0x35c: {  	v12 =	vor.u32 s25, v0;
	v19 =	vld [tilespmem:s7+$0x0];
	v11 =	vand.u32 $0xFF, v11;
	(pc) =	sbr.rel @p3 .LBB2_70-.Ltmp35, $4  }
0x35d: {  	vm1 =	vlt.s32 v12, v6;
	vm2 =	vgt.s32 v11, v7  }
0x35e: {  	vm3 =	veq.s32 v11, v7;
	vm2 =	vmand vm1, vm2  }
0x35f: {  	s8 =	simm.s32 $0x9110;
	vm1 =	vmand vm1, vm3;
	v11 =	vnsel vm2, $0x0, v9  }
0x360: {  	s7 =	sadd.s32 $0xFFFFFFFF, s0;
	p0 =	por $0x1, $0x1;
	v12 =	vld [tilespmem:s8+$0x0];
	s8 =	simm.s32 $0x111A0;
	v13 =	vmpcnt.ones.xlane vm1;
	(xrf0) =	vadd.scan.msk.s32 vm1, v3;
	v5 =	vadd.f32 v11, v5  }
0x361: {  	_ =	sdelay $0x3  }
0x362: {  	s0 =	simm.s32 $0x10;
	v11 =	vshrl.u32 v12, $0x8  }
0x363: {  	p3 =	seq.s32 s7, $0x1;
	v14 =	vor.u32 s0, v0;
	v11 =	vand.u32 $0xFF, v11  }
.Ltmp36:
0x364: {  	vm3 =	vmmov vm1;
	vm4 =	vgt.s32 v11, v7;
	vm1 =	veq.s32 v11, v7;
	v11 =	vld [tilespmem:s8+$0x0];
	(pc) =	sbr.rel @p3 .LBB2_72-.Ltmp36, $4  }
0x365: {  	vm2 =	vlt.s32 v14, v6  }
0x366: {  	v14, _, _ =	vpop (xrf0);
	vm4 =	vmand vm2, vm4  }
0x367: {  	s9 =	simm.s32 $0x9120;
	v14 =	vadd.s32 v14, v8;
	vm1 =	vmand vm2, vm1;
	v15 =	vnsel vm4, $0x0, v19  }
0x368: {  	p1 =	por $0x1, $0x1;
	v22 =	vld [tilespmem:s9+$0x0];
	s8 =	sadd.s32 $0xFFFFFFFF, s7;
	s7 =	simm.s32 $0x111B0;
	v18 =	vadd.s32 $0xFFFFFFFF, v14;
	v16 =	vmpcnt.ones.xlane vm1;
	(xrf0) =	vadd.scan.msk.s32 vm1, v3;
	v5 =	vadd.f32 v15, v5  }
0x369: {  	_ =	sdelay $0x3  }
0x36a: {  	v14 =	vshrl.u32 v22, $0x8  }
0x36b: {  	vm4 =	vgt.s32 v18, $0x0;
	s0 =	simm.s32 $0x20;
	v14 =	vand.u32 $0xFF, v14  }
0x36c: {  	vm2 =	vmmov vm3;
	v15 =	vnsel vm4, $0x0, v18;
	v17 =	vor.u32 s0, v0  }
0x36d: {  	p3 =	seq.s32 s8, $0x1;
	vm4 =	vmmov vm1;
	vm1 =	vlt.s32 v17, v6;
	vm5 =	vgt.s32 v14, v7  }
.Ltmp37:
0x36e: {  	v20 =	vadd.s32 v8, v13;
	v25 =	vld [tilespmem:s7+$0x0];
	s7 =	simm.s32 $0x9130;
	vm6 =	veq.s32 v14, v7;
	vm5 =	vmand vm1, vm5;
	v14, _, _ =	vpop (xrf0);
	(pc) =	sbr.rel @p3 .LBB2_74-.Ltmp37, $4  }
0x36f: {  	v17 =	vnsel vm5, $0x0, v11;
	v21 =	vadd.s32 v14, v20;
	v14 =	vld [tilespmem:s7+$0x0]  }
0x370: {  	vm1 =	vmand vm1, vm6  }
0x371: {  	(xrf0) =	vadd.scan.msk.s32 vm1, v3  }
0x372: {  	s8 =	sadd.s32 $0xFFFFFFFF, s8;
	s9 =	simm.s32 $0x111C0;
	p2 =	por $0x1, $0x1;
	[tilespmem:v15+s23+$0x0] =	vst.idx.msk vm3, v10;
	v27 =	vmpcnt.ones.xlane vm1;
	v5 =	vadd.f32 v17, v5;
	v21 =	vadd.s32 $0xFFFFFFFF, v21;
	v17 =	vmovc v9  }
.LBB2_75:
0x373: {  	p3 =	seq.s32 s8, $0x1;
	s8 =	sadd.s32 $0xFFFFFFFF, s8;
	vm5 =	vgt.s32 v21, $0x0;
	[tilespmem:v15+s24+$0x0] =	vst.idx.msk vm2, v17;
	v17 =	vmovc v19;
	v19 =	vmovc v11;
	v11 =	vmov v25;
	v25 =	vld [tilespmem:s9+$0x0];
	vm2 =	vmmov vm4  }
0x374: {  	s0 =	sadd.s32 $0x10, s0;
	vm4 =	vmmov vm1;
	v23 =	vshrl.u32 v14, $0x8;
	v15 =	vnsel vm5, $0x0, v21;
	v24 =	vmovc v14  }
.Ltmp38:
0x375: {  	s7 =	sadd.s32 $0x10, s7;
	v26 =	vor.u32 s0, v0;
	v23 =	vand.u32 $0xFF, v23;
	(pc) =	sbr.rel @!p3 .LBB2_75-.Ltmp38, $4  }
0x376: {  	vm1 =	vlt.s32 v26, v6;
	v14 =	vld [tilespmem:s7+$0x0];
	vm5 =	vgt.s32 v23, v7;
	vm6 =	veq.s32 v23, v7  }
0x377: {  	v20 =	vadd.s32 v20, v16;
	vm5 =	vmand vm1, vm5;
	vm1 =	vmand vm1, vm6;
	v21, _, _ =	vpop (xrf0)  }
0x378: {  	v16 =	vmovc v27;
	v23 =	vnsel vm5, $0x0, v11;
	(xrf0) =	vadd.scan.msk.s32 vm1, v3;
	v21 =	vadd.s32 v21, v20;
	v27 =	vmpcnt.ones.xlane vm1  }
0x379: {  	s9 =	sadd.s32 $0x10, s9;
	v5 =	vadd.f32 v23, v5;
	v21 =	vadd.s32 $0xFFFFFFFF, v21;
	[tilespmem:v15+s23+$0x0] =	vst.idx.msk vm2, v12;
	v12 =	vmovc v22;
	v22 =	vmov v24  }
0x37a: {  	v23 =	vmov v11;
	v28 =	vmov v16  }
0x37b: {  	v26 =	vmovc v12;
	v24 =	vmovc v19;
	v11 =	vmov v25;
	v16 =	vmov v27;
	v12 =	vmov v22  }
.LBB2_77:
0x37c: {  	s0 =	sadd.s32 @p0 $0x10, s0  }
0x37d: {  	v19 =	vshrl.u32 v14, $0x8;
	s25 =	smov.u32 @p0 s0  }
0x37e: {  	v19 =	vand.u32 $0xFF, v19;
	v22 =	vor.u32 s25, v0  }
0x37f: {  	vm6 =	veq.s32 v19, v7;
	vm5 =	vlt.s32 v22, v6  }
0x380: {  	vm6 =	vmand vm5, vm6  }
0x381: {  	(xrf0) =	vadd.scan.msk.s32 vm6, v3  }
0x382: {  	vm7 =	vgt.s32 @p1 v21, $0x0  }
0x383: {  	vm4 =	vmmov @p1 vm4;
	vm1 =	vmmov @p0 vm1;
	v6 =	vadd.s32 @p1 v20, v28  }
0x384: {  	v13 =	vpsel p0, v16, v13;
	v21 =	vnsel @p1 vm7, $0x0, v21;
	v20, _, _ =	vpop @p0 (xrf0);
	v6 =	vpsel p1, v6, v8  }
0x385: {  	vm7 =	vmmov @p1 vm4;
	vm3 =	vmmov @p0 vm1;
	v20 =	vadd.s32 @p0 v20, v6  }
0x386: {  	v16 =	vpsel p1, v21, v0;
	v6 =	vadd.s32 @p0 v6, v13;
	v20 =	vadd.s32 @p0 $0xFFFFFFFF, v20  }
0x387: {  	vm3 =	vmmov @p0 vm3;
	v6 =	vpsel p0, v6, v8;
	v18 =	vpsel p0, v20, v18;
	v63, _, _ =	vpop (xrf0)  }
0x388: {  	vm8 =	vmmov @p0 vm3;
	vm1 =	vgt.s32 @p0 v18, $0x0;
	v13 =	vadd.s32 v63, v6  }
0x389: {  	v8 =	vnsel @p0 vm1, $0x0, v18;
	vm1 =	vmmov vm6;
	v13 =	vadd.s32 $0xFFFFFFFF, v13  }
0x38a: {  	v18 =	vpsel p0, v8, v0;
	vm1 =	vmmov vm1;
	vm9 =	vgt.s32 v13, $0x0  }
0x38b: {  	[tilespmem:v15+s24+$0x0] =	vst.idx.msk @p2 vm2, v17;
	v15 =	vmov @p1 v24;
	v13 =	vnsel vm9, $0x0, v13  }
0x38c: {  	v17 =	vmov @p0 v23;
	v10 =	vpsel p0, v12, v10;
	v15 =	vpsel p1, v15, v0;
	[tilespmem:v21+s23+$0x0] =	vst.idx.msk @p1 vm4, v26  }
.Ltmp39:
0x38d: {  	v9 =	vpsel p0, v17, v9;
	vm2 =	vgt.s32 v19, v7;
	[tilespmem:v16+s24+$0x0] =	vst.idx.msk @p1 vm7, v15;
	(pc) =	sbr.rel .LBB2_36-.Ltmp39, $4  }
0x38e: {  	v7 =	vpsel p0, v9, v0;
	vm2 =	vmand vm5, vm2;
	[tilespmem:v8+s23+$0x0] =	vst.idx.msk @p0 vm3, v10  }
0x38f: {  	v8 =	vmpcnt.ones.xlane vm6;
	[tilespmem:v18+s24+$0x0] =	vst.idx.msk @p0 vm8, v7;
	v7 =	vnsel vm2, $0x0, v11  }
0x390: {  	v5 =	vadd.f32 v7, v5;
	[tilespmem:v13+s23+$0x0] =	vst.idx.msk vm1, v14  }
0x391: {  	v6 =	vadd.s32 v6, v8;
	[tilespmem:v13+s24+$0x0] =	vst.idx.msk vm1, v11  }
.LBB2_35:
0x392: {  	v6 =	vimm.s32 $0x0  }
.LBB2_36:
0x393: {  	s0 =	simm.s32 $0x8020  }
0x394: {  	[tilespmem:s0+$0xFFFFFFE0] =	vst v1  }
0x395: {  	[tilespmem:s0+$0x10] =	vst v1  }
0x396: {  	s2 =	sxor.u32 $0x80000000, s2;
	s7 =	simm.s32 $0x0;
	[tilespmem:s0+$0x0] =	vst v1  }
.LBB2_37:
0x397: {  	s7 =	sadd.s32 $0x4, s7  }
0x398: {  	[tilespmem:s0+$0xFFFFFFF0] =	vst v1;
	s0 =	sadd.s32 $0x40, s0;
	p0 =	slt.u32 s7, $0xFC  }
.Ltmp40:
0x399: {  	[tilespmem:s0+$0xFFFFFFE0] =	vst v1;
	(pc) =	sbr.rel @p0 .LBB2_37-.Ltmp40, $3  }
0x39a: {  	_ =	sdelay $0x1  }
0x39b: {  	[tilespmem:s0+$0x10] =	vst v1  }
0x39c: {  	[tilespmem:s0+$0x0] =	vst v1  }
0x39d: {  	(v2sf) =	vpush v6, $0x0;
	_ =	sdelay $0xe  }
0x39e: {  	s10 =	spop (v2sf)  }
0x39f: {  	[tilespmem:s0+$0xFFFFFFF0] =	vst v1;
	s0 =	sadd.s32 $0xF, s10  }
0x3a0: {  	s7 =	sand.u32 $0xF, s0  }
0x3a1: {  	s25 =	sshra.s32 s0, $0x1F;
	p1 =	slt.s32 s0, $0x1;
	p0 =	sne.s32 s7, $0x0  }
0x3a2: {  	s7 =	sshrl.u32 s25, $0x1C;
	p0 =	por !p1, !p0  }
0x3a3: {  	s0 =	sadd.s32 s7, s0;
	s7 =	simm.s32 $0x1;
	p0 =	por !p0, !p0  }
0x3a4: {  	s0 =	sshra.s32 s0, $0x4;
	s7 =	simm.s32 @!p0 $0x0  }
0x3a5: {  	s0 =	ssub.s32 s0, s7  }
0x3a6: {  	p0 =	sgt.s32 s0, $0x0  }
.Ltmp41:
0x3a7: {  	_ = 	snop;
	(pc) =	sbr.rel @!p0 .LBB2_39-.Ltmp41, $2  }
0x3a8: {  	_ =	sdelay $0x2  }
0x3a9: {  	v6 =	vbroadcast v6, $0x0  }
0x3aa: {  	s8 =	simm.s32 $0x9100  }
0x3ab: {  	p0 =	seq.s32 s0, $0x1;
	v7 =	vld [tilespmem:s8+$0x0]  }
.Ltmp42:
0x3ac: {  	_ = 	snop;
	(pc) =	sbr.rel @p0 .LBB2_80-.Ltmp42, $4  }
0x3ad: {  	_ = 	snop  }
0x3ae: {  	s7 =	simm.s32 $0x0  }
0x3af: {  	v8 =	vor.u32 s7, v0  }
0x3b0: {  	s9 =	simm.s32 $0x9110;
	s8 =	sadd.s32 $0xFFFFFFFF, s0;
	vm1 =	vlt.s32 v8, v6;
	v7 =	vand.u32 $0xFF, v7  }
.LBB2_79:
0x3b1: {  	v8 =	vld [tilespmem:s9+$0x0];
	p0 =	seq.s32 s8, $0x1;
	s8 =	sadd.s32 $0xFFFFFFFF, s8;
	v9 =	vor.u32 v2, v7  }
.Ltmp43:
0x3b2: {  	(pc) =	sbr.rel @!p0 .LBB2_79-.Ltmp43, $4  }
0x3b3: {  	_ = 	snop  }
0x3b4: {  	s7 =	sadd.s32 $0x10, s7  }
0x3b5: {  	v10 =	vor.u32 s7, v0  }
0x3b6: {  	s9 =	sadd.s32 $0x10, s9;
	v7 =	vand.u32 $0xFF, v8;
	[tilespmem:v9+s20+$0x0] =	vst.idx.add.s32.msk vm1, v3;
	vm1 =	vlt.s32 v10, v6  }
.LBB2_80:
0x3b7: {  	v7 =	vor.u32 v2, v7;
	_ =	sdelay $0x4  }
0x3b8: {  	[tilespmem:v7+s20+$0x0] =	vst.idx.add.s32.msk vm1, v3  }
.LBB2_39:
0x3b9: {  	s7 =	simm.s32 $0x8810;
	s8 =	simm.s32 $0x0  }
0x3ba: {  	v7 =	vld [tilespmem:s7+$0xFFFFF7F0];
	s8 =	sand.u32 $0xE0, s8  }
0x3bb: {  	v8 =	vld [tilespmem:s8+$0x8100]  }
0x3bc: {  	v9 =	vld [tilespmem:s8+$0x8200]  }
0x3bd: {  	v10 =	vld [tilespmem:s8+$0x8300]  }
0x3be: {  	v11 =	vld [tilespmem:s8+$0x8400]  }
0x3bf: {  	v12 =	vld [tilespmem:s8+$0x8500]  }
0x3c0: {  	v13 =	vld [tilespmem:s8+$0x8600]  }
0x3c1: {  	v14 =	vld [tilespmem:s8+$0x8700]  }
0x3c2: {  	v15 =	vld [tilespmem:s8+$0x8800]  }
0x3c3: {  	v16 =	vld [tilespmem:s8+$0x8900]  }
0x3c4: {  	v17 =	vld [tilespmem:s8+$0x8A00]  }
0x3c5: {  	v18 =	vld [tilespmem:s8+$0x8B00]  }
0x3c6: {  	v19 =	vld [tilespmem:s8+$0x8C00]  }
0x3c7: {  	v20 =	vld [tilespmem:s8+$0x8D00]  }
0x3c8: {  	v21 =	vld [tilespmem:s8+$0x8E00]  }
0x3c9: {  	v22 =	vld [tilespmem:s8+$0x8F00]  }
0x3ca: {  	v7 =	vadd.s32 v7, v8;
	v8 =	vld [tilespmem:s7+$0xFFFFF800]  }
0x3cb: {  	v7 =	vadd.s32 v9, v7;
	v9 =	vld [tilespmem:s7+$0xFFFFF900]  }
0x3cc: {  	v7 =	vadd.s32 v10, v7;
	v10 =	vld [tilespmem:s7+$0xFFFFFA00]  }
0x3cd: {  	v7 =	vadd.s32 v11, v7;
	v11 =	vld [tilespmem:s7+$0xFFFFFB00]  }
0x3ce: {  	v7 =	vadd.s32 v12, v7;
	v12 =	vld [tilespmem:s7+$0xFFFFFC00]  }
0x3cf: {  	v7 =	vadd.s32 v13, v7;
	v13 =	vld [tilespmem:s7+$0xFFFFFD00]  }
0x3d0: {  	v7 =	vadd.s32 v14, v7;
	v8 =	vadd.s32 v8, v9;
	v9 =	vld [tilespmem:s7+$0xFFFFFE00]  }
0x3d1: {  	v7 =	vadd.s32 v15, v7;
	v8 =	vadd.s32 v10, v8;
	v10 =	vld [tilespmem:s7+$0xFFFFFF00]  }
0x3d2: {  	v7 =	vadd.s32 v16, v7;
	v8 =	vadd.s32 v11, v8;
	v11 =	vld [tilespmem:s7+$0x0]  }
0x3d3: {  	v7 =	vadd.s32 v17, v7;
	v8 =	vadd.s32 v12, v8;
	v12 =	vld [tilespmem:s7+$0x100]  }
0x3d4: {  	v7 =	vadd.s32 v18, v7;
	v8 =	vadd.s32 v13, v8;
	v13 =	vld [tilespmem:s7+$0x200]  }
0x3d5: {  	v14 =	vadd.s32 v19, v7;
	v8 =	vadd.s32 v9, v8;
	v7 =	vld [tilespmem:s7+$0x300]  }
0x3d6: {  	v9 =	vadd.s32 v20, v14;
	v10 =	vadd.s32 v10, v8;
	v8 =	vld [tilespmem:s7+$0x400]  }
0x3d7: {  	v14 =	vadd.s32 v21, v9;
	v10 =	vadd.s32 v11, v10;
	v9 =	vld [tilespmem:s7+$0x500]  }
0x3d8: {  	s31 =	ssub.s32 s31, s2;
	s2 =	simm.s32 $0x9010;
	v11 =	vadd.s32 v22, v14;
	v12 =	vadd.s32 v12, v10;
	v10 =	vld [tilespmem:s7+$0x600]  }
0x3d9: {  	s25 =	simm.s32 $0x0;
	s8 =	simm.s32 $0x20;
	[tilespmem:s2+$0xFFFFFFF0] =	vst v11;
	v11 =	vld [tilespmem:s7+$0x700];
	v12 =	vadd.s32 v13, v12;
	s7 =	simm.s32 $0x8830  }
.LBB2_40:
0x3da: {  	v13 =	vld [tilespmem:s7+$0xFFFFF7F0];
	s9 =	sand.u32 $0xE0, s8;
	s25 =	sadd.s32 $0x2, s25;
	v7 =	vadd.s32 v7, v12  }
0x3db: {  	v12 =	vld [tilespmem:s9+$0x8100];
	p0 =	slt.u32 s25, $0xE;
	v7 =	vadd.s32 v8, v7  }
0x3dc: {  	v8 =	vld [tilespmem:s9+$0x8200];
	v7 =	vadd.s32 v9, v7  }
0x3dd: {  	v9 =	vld [tilespmem:s9+$0x8300];
	v7 =	vadd.s32 v10, v7  }
0x3de: {  	v10 =	vld [tilespmem:s9+$0x8400];
	v7 =	vadd.s32 v11, v7  }
0x3df: {  	v11 =	vld [tilespmem:s9+$0x8500];
	[tilespmem:s2+$0x0] =	vst v7  }
0x3e0: {  	v7 =	vld [tilespmem:s9+$0x8600];
	v12 =	vadd.s32 v13, v12  }
0x3e1: {  	v13 =	vld [tilespmem:s9+$0x8700];
	v8 =	vadd.s32 v8, v12  }
0x3e2: {  	v12 =	vld [tilespmem:s9+$0x8800];
	v8 =	vadd.s32 v9, v8  }
0x3e3: {  	v9 =	vld [tilespmem:s9+$0x8900];
	v8 =	vadd.s32 v10, v8  }
0x3e4: {  	v10 =	vld [tilespmem:s9+$0x8A00];
	v8 =	vadd.s32 v11, v8  }
0x3e5: {  	v11 =	vld [tilespmem:s9+$0x8B00];
	v7 =	vadd.s32 v7, v8  }
0x3e6: {  	v8 =	vld [tilespmem:s9+$0x8C00];
	v7 =	vadd.s32 v13, v7  }
0x3e7: {  	v13 =	vld [tilespmem:s9+$0x8D00];
	v7 =	vadd.s32 v12, v7  }
0x3e8: {  	v12 =	vld [tilespmem:s9+$0x8E00];
	v7 =	vadd.s32 v9, v7  }
0x3e9: {  	v9 =	vld [tilespmem:s9+$0x8F00];
	v7 =	vadd.s32 v10, v7  }
0x3ea: {  	v7 =	vadd.s32 v11, v7;
	v10 =	vld [tilespmem:s7+$0xFFFFF800]  }
0x3eb: {  	v7 =	vadd.s32 v8, v7;
	v8 =	vld [tilespmem:s7+$0xFFFFF900]  }
0x3ec: {  	v7 =	vadd.s32 v13, v7;
	v11 =	vld [tilespmem:s7+$0xFFFFFA00]  }
0x3ed: {  	v7 =	vadd.s32 v12, v7;
	v12 =	vld [tilespmem:s7+$0xFFFFFB00]  }
0x3ee: {  	s2 =	sadd.s32 $0x20, s2;
	v7 =	vadd.s32 v9, v7;
	v9 =	vld [tilespmem:s7+$0xFFFFFC00]  }
0x3ef: {  	[tilespmem:s2+$0xFFFFFFF0] =	vst v7;
	v7 =	vld [tilespmem:s7+$0xFFFFFD00]  }
0x3f0: {  	v13 =	vld [tilespmem:s7+$0xFFFFFE00];
	v8 =	vadd.s32 v10, v8  }
0x3f1: {  	v10 =	vld [tilespmem:s7+$0xFFFFFF00];
	v8 =	vadd.s32 v11, v8  }
0x3f2: {  	v11 =	vld [tilespmem:s7+$0x0];
	v8 =	vadd.s32 v12, v8  }
0x3f3: {  	v12 =	vld [tilespmem:s7+$0x100];
	v8 =	vadd.s32 v9, v8  }
0x3f4: {  	v14 =	vld [tilespmem:s7+$0x200];
	v8 =	vadd.s32 v7, v8  }
.Ltmp44:
0x3f5: {  	v7 =	vld [tilespmem:s7+$0x300];
	v9 =	vadd.s32 v13, v8;
	(pc) =	sbr.rel @p0 .LBB2_40-.Ltmp44, $4  }
0x3f6: {  	v8 =	vld [tilespmem:s7+$0x400];
	v10 =	vadd.s32 v10, v9  }
0x3f7: {  	v9 =	vld [tilespmem:s7+$0x500];
	v11 =	vadd.s32 v11, v10  }
0x3f8: {  	v10 =	vld [tilespmem:s7+$0x600];
	v12 =	vadd.s32 v12, v11  }
0x3f9: {  	s8 =	sadd.s32 $0x20, s8;
	v11 =	vld [tilespmem:s7+$0x700];
	v12 =	vadd.s32 v14, v12;
	s7 =	sadd.s32 $0x20, s7  }
0x3fa: {  	v7 =	vadd.s32 v7, v12  }
0x3fb: {  	v7 =	vadd.s32 v8, v7  }
0x3fc: {  	v7 =	vadd.s32 v9, v7  }
0x3fd: {  	v7 =	vadd.s32 v10, v7  }
0x3fe: {  	v7 =	vadd.s32 v11, v7  }
0x3ff: {  	s7 =	simm.s32 $0x90F0;
	[tilespmem:s2+$0x0] =	vst v7  }
0x400: {  	v11 =	vld [tilespmem:s7+$0x0];
	_ =	sdelay $0x4  }
0x401: {  	s9 =	simm.s32 $0x90E0;
	v14 =	vperm.xlane v11, v4  }
0x402: {  	v13 =	vld [tilespmem:s9+$0x0]  }
0x403: {  	(xrf0) =	vadd.scan.msk.s32 $0xffff, v14;
	_ =	sdelay $0x3  }
0x404: {  	s10 =	simm.s32 $0x90D0;
	v15 =	vperm.xlane v13, v4  }
0x405: {  	s25 =	simm.s32 $0x90C0;
	v10 =	vld [tilespmem:s10+$0x0]  }
0x406: {  	v9 =	vld [tilespmem:s25+$0x0];
	(xrf0) =	vadd.scan.msk.s32 $0xffff, v15;
	v18, _, _ =	vpop (xrf0)  }
0x407: {  	v14 =	vsub.s32 v18, v14  }
0x408: {  	v16 =	vperm.xlane v14, v4  }
0x409: {  	v12 =	vimm.s32 $0x0;
	v8 =	vmov s31  }
0x40a: {  	v7 =	vimm.s32 $0xFFFFFFFF;
	s2 =	simm.s32 $0xF0;
	v14 =	vperm.xlane v10, v4;
	v17 =	vadd.s32 v12, v16  }
0x40b: {  	s8 =	simm.s32 $0xD0;
	s7 =	simm.s32 $0xE0;
	v19 =	vperm.xlane v9, v4;
	v16 =	vadd.s32 v11, v17;
	v11 =	vor.u32 s2, v0  }
0x40c: {  	s9 =	simm.s32 $0xB0;
	s10 =	simm.s32 $0x90B0;
	v20, _, _ =	vpop (xrf0);
	(xrf0) =	vadd.scan.msk.s32 $0xffff, v14;
	s2 =	simm.s32 $0xC0;
	vm1 =	vlt.s32 v17, v8;
	vm2 =	vge.s32 v16, v8;
	v16 =	vimm.s32 $0xFFFFFFFF  }
.LBB2_42:
0x40d: {  	v21 =	vsub.s32 v20, v15;
	vm1 =	vmand vm1, vm2;
	v22 =	vbroadcast v18, $0xF;
	v23 =	vmovc v9;
	v9 =	vld [tilespmem:s10+$0x0];
	v15 =	vmovc v14;
	s25 =	smov.u32 s9;
	p0 =	sne.s32 s9, $0x0  }
.Ltmp45:
0x40e: {  	v18 =	vmovc v20;
	v21 =	vperm.xlane v21, v4;
	v11 =	vnsel vm1, $0xFFFFFFFF, v11;
	v24 =	vnsel vm1, $0xFFFFFFFF, v17;
	v14 =	vmovc v19;
	(pc) =	sbr.rel @p0 .LBB2_42-.Ltmp45, $4  }
0x40f: {  	vm1 =	vgt.s32 v7, v11;
	vm2 =	vgt.s32 v16, v24;
	v12 =	vadd.s32 v12, v22  }
0x410: {  	v17 =	vadd.s32 v12, v21;
	v7 =	vsel vm1, v7, v11;
	v16 =	vsel vm2, v16, v24  }
0x411: {  	s9 =	sadd.s32 $0xFFFFFFF0, s9;
	v11 =	vor.u32 s7, v0;
	s7 =	smov.u32 s8;
	v21 =	vadd.s32 v13, v17;
	v13 =	vmovc v10;
	v10 =	vmov v23  }
0x412: {  	s10 =	sadd.s32 $0xFFFFFFF0, s10;
	s8 =	smov.u32 s2;
	s2 =	smov.u32 s25;
	vm1 =	vlt.s32 v17, v8;
	v19 =	vperm.xlane v9, v4;
	(xrf0) =	vadd.scan.msk.s32 $0xffff, v14;
	v20, _, _ =	vpop (xrf0);
	vm2 =	vge.s32 v21, v8  }
0x413: {  	_ = 	snop  }
0x414: {  	(xrf0) =	vadd.scan.msk.s32 $0xffff, v19  }
0x415: {  	v15 =	vsub.s32 v20, v15;
	v18 =	vbroadcast v18, $0xF;
	vm1 =	vmand vm1, vm2  }
0x416: {  	v15 =	vperm.xlane v15, v4;
	v17 =	vnsel vm1, $0xFFFFFFFF, v17  }
0x417: {  	v54 =	vbroadcast v20, $0xF;
	v12 =	vadd.s32 v12, v18;
	vm2 =	vgt.s32 v16, v17  }
0x418: {  	v15 =	vadd.s32 v12, v15;
	v16 =	vsel vm2, v16, v17;
	v52, _, _ =	vpop (xrf0)  }
0x419: {  	v12 =	vadd.s32 v12, v54;
	v13 =	vadd.s32 v13, v15;
	v53 =	vsub.s32 v52, v14  }
0x41a: {  	vm3 =	vlt.s32 v15, v8;
	vm4 =	vge.s32 v13, v8;
	v13 =	vperm.xlane v53, v4;
	v55, _, _ =	vpop (xrf0)  }
0x41b: {  	vm2 =	vmand vm3, vm4;
	v57 =	vbroadcast v52, $0xF;
	v56 =	vsub.s32 v55, v19  }
0x41c: {  	v15 =	vnsel vm2, $0xFFFFFFFF, v15;
	v13 =	vadd.s32 v12, v13;
	v14 =	vperm.xlane v56, v4  }
0x41d: {  	vm3 =	vgt.s32 v16, v15;
	v12 =	vadd.s32 v12, v57;
	v10 =	vadd.s32 v10, v13  }
0x41e: {  	vm12 =	vlt.s32 v13, v8;
	vm5 =	vge.s32 v10, v8;
	v58 =	vadd.s32 v12, v14  }
0x41f: {  	v59 =	vsel vm3, v16, v15;
	vm3 =	vmand vm12, vm5;
	v9 =	vadd.s32 v9, v58  }
0x420: {  	vm13 =	vlt.s32 v58, v8;
	v13 =	vnsel vm3, $0xFFFFFFFF, v13;
	vm14 =	vge.s32 v9, v8  }
0x421: {  	vm4 =	vmand vm13, vm14;
	vm15 =	vgt.s32 v59, v13  }
0x422: {  	v8 =	vsel vm15, v59, v13;
	v60 =	vnsel vm4, $0xFFFFFFFF, v58  }
0x423: {  	vm5 =	vgt.s32 v8, v60  }
0x424: {  	v8 =	vsel vm5, v8, v60  }
0x425: {  	v8 =	vxor.u32 $0x80000000, v8  }
0x426: {  	(xrf0) =	vmax.scan.msk.u32 $0xffff, v8;
	_ =	sdelay $0x5  }
0x427: {  	v8, _, _ =	vpop (xrf0)  }
0x428: {  	(v2sf) =	vpush v8, $0xF;
	_ =	sdelay $0x6  }
0x429: {  	v8 =	vnsel vm1, $0xFFFFFFFF, v11  }
0x42a: {  	v61 =	vor.u32 s7, v0;
	vm1 =	vgt.s32 v7, v8  }
0x42b: {  	v7 =	vsel vm1, v7, v8;
	v8 =	vnsel vm2, $0xFFFFFFFF, v61  }
0x42c: {  	v62 =	vor.u32 s8, v0;
	p0 =	slt.s32 s0, $0x1;
	vm1 =	vgt.s32 v7, v8  }
.Ltmp46:
0x42d: {  	v7 =	vsel vm1, v7, v8;
	v8 =	vnsel vm3, $0xFFFFFFFF, v62;
	(pc) =	sbr.rel @p0 .LBB2_81-.Ltmp46, $4  }
0x42e: {  	v63 =	vor.u32 s2, v0;
	vm1 =	vgt.s32 v7, v8  }
0x42f: {  	v7 =	vsel vm1, v7, v8;
	v8 =	vnsel vm4, $0xFFFFFFFF, v63  }
0x430: {  	vm1 =	vgt.s32 v7, v8  }
0x431: {  	v7 =	vsel vm1, v7, v8;
	s2 =	spop (v2sf)  }
0x432: {  	v7 =	vxor.u32 $0x80000000, v7  }
0x433: {  	(xrf0) =	vmax.scan.msk.u32 $0xffff, v7;
	_ =	sdelay $0x5  }
0x434: {  	v7, _, _ =	vpop (xrf0)  }
0x435: {  	(v2sf) =	vpush v7, $0xF;
	_ =	sdelay $0xb  }
0x436: {  	p3 =	seq.s32 s0, $0x1  }
.Ltmp47:
0x437: {  	_ = 	snop;
	(pc) =	sbr.rel @p3 .LBB2_45-.Ltmp47, $4  }
0x438: {  	s8 =	simm.s32 $0x9100  }
0x439: {  	s10 =	simm.s32 $0x11180;
	s25 =	simm.s32 $0x0;
	s7 =	spop (v2sf)  }
0x43a: {  	s0 =	sadd.s32 $0xFFFFFFFF, s0;
	p0 =	por $0x0, $0x0;
	v9 =	vld [tilespmem:s10+$0x0];
	s7 =	sxor.u32 $0x80000000, s7  }
0x43b: {  	v8 =	vimm.s32 $0x0;
	p1 =	por $0x0, $0x0;
	p2 =	por $0x0, $0x0;
	v10 =	vld [tilespmem:s8+$0x0];
	v7 =	vmov s7;
	s7 =	simm.s32 $0x11190  }
0x43c: {  	_ =	sdelay $0x2  }
0x43d: {  	p3 =	seq.s32 s0, $0x1  }
.Ltmp48:
0x43e: {  	v11 =	vor.u32 s25, v0;
	v19 =	vld [tilespmem:s7+$0x0];
	v12 =	vand.u32 $0xFF, v10;
	(pc) =	sbr.rel @p3 .LBB2_89-.Ltmp48, $4  }
0x43f: {  	vm1 =	vlt.s32 v11, v6;
	vm2 =	vgt.s32 v12, v7  }
0x440: {  	vm3 =	veq.s32 v12, v7;
	vm2 =	vmand vm1, vm2  }
0x441: {  	s8 =	simm.s32 $0x9110;
	vm1 =	vmand vm1, vm3;
	v11 =	vnsel vm2, $0x0, v9  }
0x442: {  	s7 =	sadd.s32 $0xFFFFFFFF, s0;
	p0 =	por $0x1, $0x1;
	v12 =	vld [tilespmem:s8+$0x0];
	s8 =	simm.s32 $0x111A0;
	v13 =	vmpcnt.ones.xlane vm1;
	(xrf0) =	vadd.scan.msk.s32 vm1, v3;
	v5 =	vadd.f32 v11, v5  }
0x443: {  	_ =	sdelay $0x2  }
0x444: {  	s0 =	simm.s32 $0x10  }
0x445: {  	p3 =	seq.s32 s7, $0x1;
	v11 =	vor.u32 s0, v0;
	v14 =	vand.u32 $0xFF, v12  }
.Ltmp49:
0x446: {  	vm2 =	vlt.s32 v11, v6;
	v11 =	vld [tilespmem:s8+$0x0];
	(pc) =	sbr.rel @p3 .LBB2_91-.Ltmp49, $4  }
0x447: {  	vm4 =	vgt.s32 v14, v7  }
0x448: {  	vm3 =	vmmov vm1;
	vm1 =	veq.s32 v14, v7;
	vm4 =	vmand vm2, vm4;
	v14, _, _ =	vpop (xrf0)  }
0x449: {  	s9 =	simm.s32 $0x9120;
	vm1 =	vmand vm2, vm1;
	v15 =	vnsel vm4, $0x0, v19;
	v14 =	vadd.s32 v14, v8  }
0x44a: {  	p1 =	por $0x1, $0x1;
	v21 =	vld [tilespmem:s9+$0x0];
	s8 =	sadd.s32 $0xFFFFFFFF, s7;
	s7 =	simm.s32 $0x111B0;
	v16 =	vmpcnt.ones.xlane vm1;
	(xrf0) =	vadd.scan.msk.s32 vm1, v3;
	v5 =	vadd.f32 v15, v5;
	v18 =	vadd.s32 $0xFFFFFFFF, v14  }
0x44b: {  	_ =	sdelay $0x2  }
0x44c: {  	vm4 =	vgt.s32 v18, $0x0;
	vm2 =	vmmov vm3;
	s0 =	simm.s32 $0x20  }
0x44d: {  	v15 =	vnsel vm4, $0x0, v18;
	v14 =	vor.u32 s0, v0;
	v17 =	vand.u32 $0xFF, v21  }
0x44e: {  	p3 =	seq.s32 s8, $0x1;
	vm4 =	vmmov vm1;
	vm1 =	vlt.s32 v14, v6;
	vm5 =	vgt.s32 v17, v7  }
.Ltmp50:
0x44f: {  	v25 =	vld [tilespmem:s7+$0x0];
	vm5 =	vmand vm1, vm5;
	(pc) =	sbr.rel @p3 .LBB2_93-.Ltmp50, $4  }
0x450: {  	v20 =	vadd.s32 v8, v13;
	s7 =	simm.s32 $0x9130;
	vm6 =	veq.s32 v17, v7;
	v14, _, _ =	vpop (xrf0);
	v17 =	vnsel vm5, $0x0, v11  }
0x451: {  	vm1 =	vmand vm1, vm6;
	v22 =	vadd.s32 v14, v20;
	v14 =	vld [tilespmem:s7+$0x0]  }
0x452: {  	(xrf0) =	vadd.scan.msk.s32 vm1, v3  }
0x453: {  	s8 =	sadd.s32 $0xFFFFFFFF, s8;
	s9 =	simm.s32 $0x111C0;
	p2 =	por $0x1, $0x1;
	[tilespmem:v15+s23+$0x0] =	vst.idx.msk vm3, v10;
	v27 =	vmpcnt.ones.xlane vm1;
	v22 =	vadd.s32 $0xFFFFFFFF, v22;
	v5 =	vadd.f32 v17, v5;
	v17 =	vmovc v9  }
.LBB2_94:
0x454: {  	p3 =	seq.s32 s8, $0x1;
	s8 =	sadd.s32 $0xFFFFFFFF, s8;
	vm5 =	vgt.s32 v22, $0x0;
	[tilespmem:v15+s24+$0x0] =	vst.idx.msk vm2, v17;
	v17 =	vmovc v19;
	v19 =	vmovc v11;
	v11 =	vmov v25;
	v25 =	vld [tilespmem:s9+$0x0];
	vm2 =	vmmov vm4  }
0x455: {  	s0 =	sadd.s32 $0x10, s0;
	vm4 =	vmmov vm1;
	v15 =	vnsel vm5, $0x0, v22  }
.Ltmp51:
0x456: {  	v26 =	vor.u32 s0, v0;
	v23 =	vand.u32 $0xFF, v14;
	v24 =	vmov v14;
	(pc) =	sbr.rel @!p3 .LBB2_94-.Ltmp51, $4  }
0x457: {  	s7 =	sadd.s32 $0x10, s7;
	vm1 =	vlt.s32 v26, v6;
	vm5 =	vgt.s32 v23, v7;
	vm6 =	veq.s32 v23, v7  }
0x458: {  	v20 =	vadd.s32 v20, v16;
	v14 =	vld [tilespmem:s7+$0x0];
	vm5 =	vmand vm1, vm5;
	vm1 =	vmand vm1, vm6;
	v22, _, _ =	vpop (xrf0)  }
0x459: {  	v16 =	vmovc v27;
	v23 =	vnsel vm5, $0x0, v11;
	(xrf0) =	vadd.scan.msk.s32 vm1, v3;
	v22 =	vadd.s32 v22, v20;
	v27 =	vmpcnt.ones.xlane vm1  }
0x45a: {  	s9 =	sadd.s32 $0x10, s9;
	v5 =	vadd.f32 v23, v5;
	v22 =	vadd.s32 $0xFFFFFFFF, v22;
	[tilespmem:v15+s23+$0x0] =	vst.idx.msk vm2, v12;
	v12 =	vmovc v21;
	v21 =	vmov v24  }
0x45b: {  	v23 =	vmov v11;
	v28 =	vmov v16  }
0x45c: {  	v26 =	vmovc v12;
	v24 =	vmovc v19;
	v11 =	vmov v25;
	v16 =	vmov v27;
	v12 =	vmov v21  }
.LBB2_96:
0x45d: {  	s0 =	sadd.s32 @p0 $0x10, s0  }
0x45e: {  	s25 =	smov.u32 @p0 s0  }
0x45f: {  	v21 =	vand.u32 $0xFF, v14;
	v19 =	vor.u32 s25, v0  }
0x460: {  	vm6 =	veq.s32 v21, v7;
	vm5 =	vlt.s32 v19, v6  }
0x461: {  	vm6 =	vmand vm5, vm6  }
0x462: {  	(xrf0) =	vadd.scan.msk.s32 vm6, v3  }
0x463: {  	v6 =	vadd.s32 @p1 v20, v28  }
0x464: {  	vm7 =	vgt.s32 @p1 v22, $0x0;
	vm1 =	vmmov @p0 vm1;
	v6 =	vpsel p1, v6, v8;
	v19, _, _ =	vpop @p0 (xrf0)  }
0x465: {  	vm4 =	vmmov @p1 vm4;
	vm3 =	vmmov @p0 vm1;
	v19 =	vadd.s32 @p0 v19, v6  }
0x466: {  	v13 =	vpsel p0, v16, v13;
	vm3 =	vmmov @p0 vm3;
	v19 =	vadd.s32 @p0 $0xFFFFFFFF, v19  }
0x467: {  	v20 =	vnsel @p1 vm7, $0x0, v22;
	v6 =	vadd.s32 @p0 v6, v13;
	v18 =	vpsel p0, v19, v18  }
0x468: {  	vm7 =	vmmov @p1 vm4;
	v6 =	vpsel p0, v6, v8;
	vm1 =	vgt.s32 @p0 v18, $0x0;
	v63, _, _ =	vpop (xrf0)  }
0x469: {  	v16 =	vpsel p1, v20, v0;
	v8 =	vnsel @p0 vm1, $0x0, v18;
	v6 =	vadd.s32 v63, v6  }
0x46a: {  	vm1 =	vmmov vm6;
	vm6 =	vmmov @p0 vm3;
	v6 =	vadd.s32 $0xFFFFFFFF, v6  }
0x46b: {  	v13 =	vpsel p0, v8, v0;
	vm1 =	vmmov vm1;
	vm8 =	vgt.s32 v6, $0x0  }
0x46c: {  	[tilespmem:v15+s24+$0x0] =	vst.idx.msk @p2 vm2, v17;
	v15 =	vmov @p1 v24;
	v6 =	vnsel vm8, $0x0, v6  }
0x46d: {  	v17 =	vmov @p0 v23;
	v10 =	vpsel p0, v12, v10;
	v15 =	vpsel p1, v15, v0;
	[tilespmem:v20+s23+$0x0] =	vst.idx.msk @p1 vm4, v26  }
0x46e: {  	v9 =	vpsel p0, v17, v9;
	vm2 =	vgt.s32 v21, v7;
	[tilespmem:v16+s24+$0x0] =	vst.idx.msk @p1 vm7, v15  }
0x46f: {  	v7 =	vpsel p0, v9, v0;
	vm2 =	vmand vm5, vm2;
	[tilespmem:v8+s23+$0x0] =	vst.idx.msk @p0 vm3, v10  }
0x470: {  	[tilespmem:v13+s24+$0x0] =	vst.idx.msk @p0 vm6, v7;
	v7 =	vnsel vm2, $0x0, v11  }
0x471: {  	v5 =	vadd.f32 v7, v5;
	[tilespmem:v6+s23+$0x0] =	vst.idx.msk vm1, v14  }
0x472: {  	[tilespmem:v6+s24+$0x0] =	vst.idx.msk vm1, v11  }
.LBB2_81:
0x473: {  	s0 =	sxor.u32 $0x80000000, s2  }
0x474: {  	s2 =	ssub.s32 s31, s0  }
0x475: {  	s0 =	sadd.s32 $0xF, s2  }
0x476: {  	s7 =	sand.u32 $0xF, s0  }
0x477: {  	s31 =	sshra.s32 s0, $0x1F;
	p1 =	slt.s32 s0, $0x1;
	p0 =	sne.s32 s7, $0x0  }
0x478: {  	s7 =	sshrl.u32 s31, $0x1C;
	p0 =	por !p1, !p0  }
0x479: {  	s0 =	sadd.s32 s7, s0;
	s7 =	simm.s32 $0x1;
	p0 =	por !p0, !p0  }
0x47a: {  	s0 =	sshra.s32 s0, $0x4;
	s7 =	simm.s32 @!p0 $0x0  }
0x47b: {  	s7 =	ssub.s32 s0, s7  }
0x47c: {  	p0 =	sgt.s32 s7, $0x0  }
.Ltmp52:
0x47d: {  	_ = 	snop;
	(pc) =	sbr.rel @!p0 .LBB2_85-.Ltmp52, $1  }
0x47e: {  	_ =	sdelay $0x3  }
0x47f: {  	s0 =	simm.s32 $0x11180  }
0x480: {  	p0 =	sne.s32 s7, $0x1;
	v7 =	vld [tilespmem:s0+$0x0]  }
.Ltmp53:
0x481: {  	_ = 	snop;
	(pc) =	sbr.rel @!p0 .LBB2_84-.Ltmp53, $4  }
0x482: {  	s0 =	simm.s32 $0x0  }
0x483: {  	v6 =	vmov s2;
	v8 =	vor.u32 s0, v0  }
0x484: {  	vm1 =	vlt.s32 v8, v6  }
0x485: {  	s2 =	sadd.s32 $0xFFFFFFFF, s7;
	s7 =	simm.s32 $0x11190;
	v7 =	vnsel vm1, $0x0, v7  }
.LBB2_83:
0x486: {  	v8 =	vld [tilespmem:s7+$0x0];
	p0 =	sne.s32 s2, $0x1;
	s2 =	sadd.s32 $0xFFFFFFFF, s2;
	v5 =	vadd.f32 v7, v5  }
.Ltmp54:
0x487: {  	(pc) =	sbr.rel @p0 .LBB2_83-.Ltmp54, $4  }
0x488: {  	s0 =	sadd.s32 $0x10, s0  }
0x489: {  	v7 =	vor.u32 s0, v0  }
0x48a: {  	vm1 =	vlt.s32 v7, v6  }
0x48b: {  	s7 =	sadd.s32 $0x10, s7;
	v7 =	vnsel vm1, $0x0, v8  }
.Ltmp55:
0x48c: {  	_ = 	snop;
	(pc) =	sbr.rel .LBB2_84-.Ltmp55, $1  }
0x48d: {  	_ =	sdelay $0x3  }
.LBB2_47:
.Ltmp56:
0x48e: {  	(pc) =	sbr.rel .LBB2_50-.Ltmp56, $2  }
0x48f: {  	_ =	sdelay $0x2  }
0x490: {  	_ = 	snop  }
.LBB2_52:
.Ltmp57:
0x491: {  	_ = 	snop;
	(pc) =	sbr.rel .LBB2_61-.Ltmp57, $2  }
0x492: {  	_ =	sdelay $0x2  }
0x493: {  	s0 =	simm.s32 $0x0;
	v20 =	vimm.s32 $0x0;
	v11 =	vmov v9;
	v14 =	vmov v10  }
.LBB2_63:
.Ltmp58:
0x494: {  	(pc) =	sbr.rel .LBB2_66-.Ltmp58, $2  }
0x495: {  	_ =	sdelay $0x2  }
0x496: {  	_ = 	snop  }
.LBB2_68:
.Ltmp59:
0x497: {  	_ = 	snop;
	(pc) =	sbr.rel .LBB2_77-.Ltmp59, $2  }
0x498: {  	_ =	sdelay $0x2  }
0x499: {  	s0 =	simm.s32 $0x0;
	v20 =	vimm.s32 $0x0;
	v11 =	vmov v9;
	v14 =	vmov v10  }
.LBB2_45:
.Ltmp60:
0x49a: {  	_ = 	snop;
	(pc) =	sbr.rel .LBB2_96-.Ltmp60, $2  }
0x49b: {  	_ =	sdelay $0x2  }
0x49c: {  	s0 =	simm.s32 $0x0;
	v20 =	vimm.s32 $0x0;
	v11 =	vmov v9;
	v14 =	vmov v10  }
.LBB2_54:
.Ltmp61:
0x49d: {  	_ = 	snop;
	(pc) =	sbr.rel .LBB2_61-.Ltmp61, $3  }
0x49e: {  	_ =	sdelay $0x1  }
0x49f: {  	v23 =	vmov v9  }
0x4a0: {  	v11 =	vmovc v19;
	s0 =	simm.s32 $0x0;
	v20 =	vimm.s32 $0x0;
	v16 =	vmovc v13;
	v14 =	vmov v12;
	v12 =	vmov v10  }
.LBB2_70:
.Ltmp62:
0x4a1: {  	_ = 	snop;
	(pc) =	sbr.rel .LBB2_77-.Ltmp62, $3  }
0x4a2: {  	_ =	sdelay $0x1  }
0x4a3: {  	v23 =	vmov v9  }
0x4a4: {  	v11 =	vmovc v19;
	s0 =	simm.s32 $0x0;
	v20 =	vimm.s32 $0x0;
	v16 =	vmovc v13;
	v14 =	vmov v12;
	v12 =	vmov v10  }
.LBB2_89:
.Ltmp63:
0x4a5: {  	_ = 	snop;
	(pc) =	sbr.rel .LBB2_96-.Ltmp63, $3  }
0x4a6: {  	_ =	sdelay $0x1  }
0x4a7: {  	v23 =	vmov v9  }
0x4a8: {  	v11 =	vmovc v19;
	s0 =	simm.s32 $0x0;
	v20 =	vimm.s32 $0x0;
	v16 =	vmovc v13;
	v14 =	vmov v12;
	v12 =	vmov v10  }
.LBB2_56:
.Ltmp64:
0x4a9: {  	_ = 	snop;
	(pc) =	sbr.rel .LBB2_61-.Ltmp64, $3  }
0x4aa: {  	_ =	sdelay $0x1  }
0x4ab: {  	v21 =	vmov v18;
	v24 =	vmov v9;
	v23 =	vmov v19  }
0x4ac: {  	vm4 =	vmmov vm3;
	v28 =	vmovc v13;
	v20 =	vimm.s32 $0x0;
	v26 =	vmovc v10;
	v14 =	vmov v22  }
.LBB2_72:
.Ltmp65:
0x4ad: {  	_ = 	snop;
	(pc) =	sbr.rel .LBB2_77-.Ltmp65, $3  }
0x4ae: {  	_ =	sdelay $0x1  }
0x4af: {  	v21 =	vmov v18;
	v24 =	vmov v9;
	v23 =	vmov v19  }
0x4b0: {  	vm4 =	vmmov vm3;
	v28 =	vmovc v13;
	v20 =	vimm.s32 $0x0;
	v26 =	vmovc v10;
	v14 =	vmov v22  }
.LBB2_91:
.Ltmp66:
0x4b1: {  	_ = 	snop;
	(pc) =	sbr.rel .LBB2_96-.Ltmp66, $3  }
0x4b2: {  	_ =	sdelay $0x1  }
0x4b3: {  	v22 =	vmov v18;
	v24 =	vmov v9;
	v23 =	vmov v19  }
0x4b4: {  	vm4 =	vmmov vm3;
	v28 =	vmovc v13;
	v20 =	vimm.s32 $0x0;
	v26 =	vmovc v10;
	v14 =	vmov v21  }
.LBB2_58:
.Ltmp67:
0x4b5: {  	(pc) =	sbr.rel .LBB2_61-.Ltmp67, $3  }
0x4b6: {  	_ =	sdelay $0x1  }
0x4b7: {  	v23 =	vmov v11;
	v28 =	vmov v16;
	v26 =	vmov v12  }
0x4b8: {  	v17 =	vmovc v9;
	v24 =	vmovc v19;
	v11 =	vmov v25;
	v12 =	vmov v22;
	v16 =	vmov v27  }
.LBB2_74:
.Ltmp68:
0x4b9: {  	(pc) =	sbr.rel .LBB2_77-.Ltmp68, $3  }
0x4ba: {  	_ =	sdelay $0x1  }
0x4bb: {  	v23 =	vmov v11;
	v28 =	vmov v16;
	v26 =	vmov v12  }
0x4bc: {  	v17 =	vmovc v9;
	v24 =	vmovc v19;
	v11 =	vmov v25;
	v12 =	vmov v22;
	v16 =	vmov v27  }
.LBB2_93:
.Ltmp69:
0x4bd: {  	(pc) =	sbr.rel .LBB2_96-.Ltmp69, $3  }
0x4be: {  	_ =	sdelay $0x1  }
0x4bf: {  	v23 =	vmov v11;
	v28 =	vmov v16;
	v26 =	vmov v12  }
0x4c0: {  	v17 =	vmovc v9;
	v24 =	vmovc v19;
	v11 =	vmov v25;
	v12 =	vmov v21;
	v16 =	vmov v27  }
.LBB2_87:
0x4c1: {  	_ =	sfence.sel $0x180000  }
0x4c2: {  	[bflag:$0x0] =	sbarrier.arrive $0xFFFF  }
0x4c3: {  	_ =	strace $0x90000047  }
0x4c4: {  	s0 =	stileid.u32;
	[bflag:$0x2] =	sbarrier.arrive $0xFFFF  }
0x4c5: {  	p0 =	sne.s32 s0, $0x0;
	s0 =	rddreg [dreg:$0x3]  }
0x4c6: {  	s0 =	sadd.s32 @!p0 $0x100000, s0  }
0x4c7: {  	[sflag:s0] =	ssyncadd.tile.s32 @!p0 $0x1;
	_ =	shalt  }
.Lfunc_end2:
_tile_overlayer_lowered:
.L_overlay_start_2:
0x4c8: {  	(tag) =	ssettag $0x2  }
0x4c9: {  	s0 =	rddreg [dreg:$0x0];
	s2 =	stileid.u32  }
0x4ca: {  	s1 =	rddreg [dreg:$0x1];
	p0 =	sne.s32 s2, $0x0  }
0x4cb: {  	s3 =	rddreg [dreg:$0x2];
	[bflag:$0x3] =	sbarrier.arrive $0xFFFF;
	s2 =	simm.s32 @!p0 $0x1C05  }
0x4cc: {  	[timem:s3], [sflag:s2] =	dma.local @!p0 [hbm:s0], s1  }
0x4cd: {  	s0 =	simm.s32 @!p0 $0x5  }
0x4ce: {  	_ =	swait.ge @!p0 [sflag:s0], s1  }
0x4cf: {  	s1 =	ssub.s32 @!p0 $0x0, s1;
	[sflag:s0] =	ssyncset.done @!p0 $0x0  }
0x4d0: {  	[sflag:s0] =	ssyncadd.s32 @!p0 s1  }
0x4d1: {  	[bflag:$0x3] =	sbarrier.arrive $0xFFFF  }
0x4d2: {  	_ =	shalt  }

</sc_bundles>
